<compile_context>
chip_gen: v7x
topology: tpu7x:2x2x1
jax: 0.10.2.dev20260603
libtpu: 0.0.44.dev20260713+nightly
codegen_flags: <defaults>
</compile_context>

<pallas_src>
import jax
import jax.numpy as jnp
import numpy as np
from jax import lax
from jax.experimental import pallas as pl
from jax.experimental.pallas import tpu as pltpu
from jax.experimental.pallas import tpu_sc as plsc

_N = 10000
_E = 320000
_D = 128
_NCLS = 16

_NC = 2
_NS = 16
_NW = _NC * _NS

_B = 128
_NBW = 80
_CB = 40
_NCHUNK = _NBW // _CB
_EPAD = _NW * _NBW * _B
_NPAD = 10112
_RPW = _NPAD // _NS

_RB = 1000
_DB = 4096

_PERM = np.concatenate([
    np.arange(64).reshape(4, 16) // 16 * 32 + np.arange(16) * 2 + off
    for off in (0, 1)]).reshape(_D)


def _sc_aggregate(feat, srcp, dstp, zeros_d):
    mesh = plsc.VectorSubcoreMesh(core_axis_name="c", subcore_axis_name="s")
    scratch = [
        pltpu.VMEM_SHARED((_NPAD, _D), jnp.float32),
        pltpu.VMEM((_CB, _B), jnp.int32),
        pltpu.VMEM((_CB, _B), jnp.int32),
        pltpu.VMEM((2, _B, _D // 2), jnp.int32),
        pltpu.VMEM((_B, _D), jnp.float32),
        pltpu.SemaphoreType.DMA,
        pltpu.SemaphoreType.DMA,
    ]

    def body(feat_h, srcp_h, dstp_h, zd_h, agg_o,
             acc_s, src_v, dst_v, rows_v, conv_v, gsem0, gsem1):
        c = lax.axis_index("c")
        s = lax.axis_index("s")
        base = (c * _NS + s) * _NBW
        r0 = s * _RPW

        pltpu.sync_copy(zd_h, acc_s.at[pl.ds(r0, _RPW)])
        plsc.subcore_barrier()

        gsems = (gsem0, gsem1)
        hi_mask = jnp.int32(-65536)

        def g_start(j, b):
            pltpu.async_copy(feat_h.at[src_v.at[j]], rows_v.at[b], gsems[b])

        def finish(j, b):
            pltpu.make_async_copy(
                feat_h.at[src_v.at[j]], rows_v.at[b], gsems[b]).wait()

            @plsc.parallel_loop(0, _B, unroll=4)
            def _(r):
                for g in range(_D // 32):
                    w = rows_v[b, r, pl.ds(16 * g, 16)]
                    lo = plsc.bitcast(w << 16, jnp.float32)
                    hi = plsc.bitcast(w & hi_mask, jnp.float32)
                    conv_v[r, pl.ds(16 * g, 16)] = lo
                    conv_v[r, pl.ds(_D // 2 + 16 * g, 16)] = hi

            pltpu.sync_copy(conv_v, acc_s.at[dst_v.at[j]], add=True)

        @pl.loop(0, _NCHUNK)
        def _(ci):
            gbase = base + ci * _CB
            pltpu.sync_copy(srcp_h.at[pl.ds(gbase, _CB)], src_v)
            pltpu.sync_copy(dstp_h.at[pl.ds(gbase, _CB)], dst_v)

            g_start(0, 0)
            g_start(1, 1)

            @pl.loop(0, _CB - 2, step=2)
            def _(j):
                finish(j, 0)
                g_start(j + 2, 0)
                finish(j + 1, 1)
                g_start(j + 3, 1)

            finish(_CB - 2, 0)
            finish(_CB - 1, 1)

        plsc.subcore_barrier()
        pltpu.sync_copy(acc_s.at[pl.ds(r0, _RPW)],
                        agg_o.at[c, pl.ds(r0, _RPW)])

    fn = pl.kernel(body,
                   out_type=jax.ShapeDtypeStruct((_NC, _NPAD, _D),
                                                 jnp.float32),
                   mesh=mesh, scratch_types=scratch,
                   compiler_params=pltpu.CompilerParams(
                       use_tc_tiling_on_sc=False,
                       needs_layout_passes=False))
    return fn(feat, srcp, dstp, zeros_d)


def _deg_body(dstr_ref, dstc_ref, o_ref):
    hi = dstr_ref[...] >> 7
    lo = dstc_ref[...] & 127
    oht = (hi == lax.broadcasted_iota(jnp.int32, (_NPAD // 128, _DB), 0)
           ).astype(jnp.bfloat16)
    ol = (lo == lax.broadcasted_iota(jnp.int32, (_DB, 128), 1)
          ).astype(jnp.bfloat16)
    p = jnp.dot(oht, ol, preferred_element_type=jnp.float32)

    @pl.when(pl.program_id(0) == 0)
    def _():
        o_ref[...] = jnp.zeros_like(o_ref)

    o_ref[...] += p


def _tc_degrees(dst_row, dst_col):
    return pl.pallas_call(
        _deg_body,
        grid=(_EPAD // _DB,),
        in_specs=[pl.BlockSpec((1, _DB), lambda i: (0, i)),
                  pl.BlockSpec((_DB, 1), lambda i: (i, 0))],
        out_specs=pl.BlockSpec((_NPAD // 128, 128), lambda i: (0, 0)),
        out_shape=jax.ShapeDtypeStruct((_NPAD // 128, 128), jnp.float32),
    )(dst_row, dst_col)


def _dot(a, b):
    return jnp.dot(a, b, preferred_element_type=jnp.float32)


def _neigh_mean(agg_ref, deg_ref):
    agg = agg_ref[0] + agg_ref[1]
    return agg * (1.0 / jnp.maximum(deg_ref[...], 1.0))


def _tc_layer0_body(x_ref, agg_ref, deg_ref, ws_ref, wn_ref, b_ref, o_ref):
    hn = _neigh_mean(agg_ref, deg_ref)
    o = _dot(x_ref[...], ws_ref[...]) + _dot(hn, wn_ref[...]) + b_ref[...]
    o_ref[...] = jnp.maximum(o, 0.0)


def _tc_layer1_body(h1_ref, agg_ref, deg_ref, ws_ref, wn_ref, b_ref, wpp_ref,
                    o_ref):
    hn = _neigh_mean(agg_ref, deg_ref)
    h1 = h1_ref[...]
    h2 = _dot(h1, ws_ref[...]) + _dot(hn, wn_ref[...]) + b_ref[...]
    o_ref[...] = (_dot(jnp.maximum(h2, 0.0), wpp_ref[0:_D, :])
                  + _dot(jnp.maximum(h1, 0.0), wpp_ref[_D:, :]))


def _tc_layer0(x, agg, deg, W_self, b, W_neigh):
    return pl.pallas_call(
        _tc_layer0_body,
        grid=(_N // _RB,),
        in_specs=[
            pl.BlockSpec((_RB, _D), lambda i: (i, 0)),
            pl.BlockSpec((_NC, _RB, _D), lambda i: (0, i, 0)),
            pl.BlockSpec((_RB, 1), lambda i: (i, 0)),
            pl.BlockSpec((_D, _D), lambda i: (0, 0)),
            pl.BlockSpec((_D, _D), lambda i: (0, 0)),
            pl.BlockSpec((1, _D), lambda i: (0, 0)),
        ],
        out_specs=pl.BlockSpec((_RB, _D), lambda i: (i, 0)),
        out_shape=jax.ShapeDtypeStruct((_N, _D), jnp.float32),
    )(x, agg, deg, W_self, W_neigh, b)


def _tc_layer1(h1, agg, deg, W_self, b, W_neigh, W_pp):
    return pl.pallas_call(
        _tc_layer1_body,
        grid=(_N // _RB,),
        in_specs=[
            pl.BlockSpec((_RB, _D), lambda i: (i, 0)),
            pl.BlockSpec((_NC, _RB, _D), lambda i: (0, i, 0)),
            pl.BlockSpec((_RB, 1), lambda i: (i, 0)),
            pl.BlockSpec((_D, _D), lambda i: (0, 0)),
            pl.BlockSpec((_D, _D), lambda i: (0, 0)),
            pl.BlockSpec((1, _D), lambda i: (0, 0)),
            pl.BlockSpec((2 * _D, _NCLS), lambda i: (0, 0)),
        ],
        out_specs=pl.BlockSpec((_RB, _NCLS), lambda i: (i, 0)),
        out_shape=jax.ShapeDtypeStruct((_N, _NCLS), jnp.float32),
    )(h1, agg, deg, W_self, W_neigh, b, W_pp)


def kernel(x, edge_index, W_neigh0, W_self0, b_self0, W_neigh1, W_self1,
           b_self1, W_pp):
    src = edge_index[0]
    dst = edge_index[1]
    pad = _EPAD - _E
    srcp = jnp.concatenate(
        [src, jnp.zeros((pad,), jnp.int32)]).reshape(_EPAD // _B, _B)
    dstp = jnp.concatenate(
        [dst, jnp.full((pad,), _N, jnp.int32)]).reshape(_EPAD // _B, _B)
    zeros_d = jnp.zeros((_RPW, _D), jnp.float32)

    deg = _tc_degrees(dstp.reshape(1, _EPAD),
                      dstp.reshape(_EPAD, 1)).reshape(_NPAD, 1)
    def _pack(a):
        return jax.lax.bitcast_convert_type(
            a.astype(jnp.bfloat16).reshape(_N, _D // 2, 2), jnp.int32)

    agg0 = _sc_aggregate(_pack(x), srcp, dstp, zeros_d)
    h1 = _tc_layer0(x, agg0, deg, W_self0, b_self0.reshape(1, _D),
                    W_neigh0[_PERM])
    agg1 = _sc_aggregate(_pack(h1), srcp, dstp, zeros_d)
    return _tc_layer1(h1, agg1, deg, W_self1, b_self1.reshape(1, _D),
                      W_neigh1[_PERM], W_pp)

# --- scband reference (transcript-rebuilt; emitter-appended) ---
"""Pipeline reference for scband-graph-sage-87892210745354 (READ-ONLY COPY).

The authoritative reference and input builder live on the scoring server;
editing this copy changes nothing except your own understanding.
"""

import jax, jax.numpy as jnp
import numpy as np

N = 10000
E = 320000
D_IN = 128
D_HID = 128
N_CLASSES = 16


def _init_w(key, fan_in, fan_out):
    return jax.random.normal(key, (fan_in, fan_out), dtype=jnp.float32) * (1.0 / np.sqrt(fan_in))


def setup_inputs(seed: int = 0) -> dict:
    key = jax.random.key(seed)
    ks = jax.random.split(key, 10)
    x = jax.random.normal(ks[0], (N, D_IN), dtype=jnp.float32)
    edge_index = jax.random.randint(ks[1], (2, E), 0, N, dtype=jnp.int32)
    # SAGEConv layer 0 (in_feats -> n_hidden), mean aggregator: fc_neigh (no bias), fc_self (bias)
    W_neigh0 = _init_w(ks[2], D_IN, D_HID)
    W_self0 = _init_w(ks[3], D_IN, D_HID)
    b_self0 = jnp.zeros((D_HID,), dtype=jnp.float32)
    # SAGEConv layer 1 (n_hidden -> n_hidden)
    W_neigh1 = _init_w(ks[4], D_HID, D_HID)
    W_self1 = _init_w(ks[5], D_HID, D_HID)
    b_self1 = jnp.zeros((D_HID,), dtype=jnp.float32)
    # prompt head pp[0]: Linear(2*n_hidden, n_classes, bias=False)
    W_pp = _init_w(ks[6], 2 * D_HID, N_CLASSES)
    return {
        "x": x,
        "edge_index": edge_index,
        "W_neigh0": W_neigh0,
        "W_self0": W_self0,
        "b_self0": b_self0,
        "W_neigh1": W_neigh1,
        "W_self1": W_self1,
        "b_self1": b_self1,
        "W_pp": W_pp,
    }


def _sage_conv(h_src, h_dst, src, dst, W_neigh, W_self, b_self):
    # DGL SAGEConv with mean aggregator: fc_self(h_dst) + fc_neigh(mean_{neighbors} h_src)
    num_dst = h_dst.shape[0]
    msg = h_src[src]  # gather along edges
    agg = jax.ops.segment_sum(msg, dst, num_segments=num_dst)  # scatter-add by dst
    deg = jax.ops.segment_sum(jnp.ones((src.shape[0],), dtype=h_src.dtype), dst, num_segments=num_dst)
    h_neigh = agg / jnp.maximum(deg, 1.0)[:, None]
    return h_dst @ W_self + b_self + h_neigh @ W_neigh


def reference(x, edge_index, W_neigh0, W_self0, b_self0, W_neigh1, W_self1, b_self1, W_pp):
    src = edge_index[0]
    dst = edge_index[1]
    # dropout p=0.0 -> identity
    h = x
    # layer 0
    h_dst = h
    h = _sage_conv(h, h_dst, src, dst, W_neigh0, W_self0, b_self0)
    h = jax.nn.relu(h)  # activation between layers
    # layer 1 (last layer, no activation inside loop)
    h_dst = h
    h = _sage_conv(h, h_dst, src, dst, W_neigh1, W_self1, b_self1)
    # post-loop
    h = jax.nn.relu(h)
    h_dst = jax.nn.relu(h_dst)
    neighbor = h_dst
    hcat = jnp.concatenate([h, neighbor], axis=1)
    out = hcat @ W_pp  # pp[0], bias=False
    return out

if __name__ == "__main__":
    import jax
    _d = setup_inputs()
    print(jax.jit(kernel)(*tuple(_d.values())))

</pallas_src>

<mosaic_0001>
#map = affine_map<(d0, d1) -> (0, 0)>
#map1 = affine_map<(d0, d1) -> (0, 0, 0)>
module attributes {stable_mosaic.version = 14 : i64} {
  func.func @body(%arg0: i32, %arg1: i32, %arg2: memref<10000x64xi32, #tpu.memory_space<hbm>>, %arg3: memref<2560x128xi32, #tpu.memory_space<hbm>>, %arg4: memref<2560x128xi32, #tpu.memory_space<hbm>>, %arg5: memref<632x128xf32, #tpu.memory_space<hbm>>, %arg6: memref<2x10112x128xf32, #tpu.memory_space<hbm>>, %arg7: memref<10112x128xf32, #tpu.memory_space<vmem_shared>>, %arg8: memref<40x128xi32, #tpu.memory_space<vmem>>, %arg9: memref<40x128xi32, #tpu.memory_space<vmem>>, %arg10: memref<2x128x64xi32, #tpu.memory_space<vmem>>, %arg11: memref<128x128xf32, #tpu.memory_space<vmem>>, %arg12: memref<!tpu.dma_semaphore, #tpu.memory_space<semaphore_mem>>, %arg13: memref<!tpu.dma_semaphore, #tpu.memory_space<semaphore_mem>>) attributes {dimension_semantics = [#tpu.dimension_semantics<core_parallel>, #tpu.dimension_semantics<subcore_parallel>], iteration_bounds = array<i64: 2, 16>, scalar_prefetch = 0 : i64, scratch_operands = 7 : i64, tpu.core_type = #tpu.core_type<sc_vector_subcore>, window_params = [{transform_indices = #map}, {transform_indices = #map}, {transform_indices = #map}, {transform_indices = #map}, {transform_indices = #map1}]} {
    %mul3A = arith.constant 16 : i32
    %mul3A_0 = arith.muli %arg0, %mul3A : i32
    %add3A = arith.addi %mul3A_0, %arg1 : i32
    %mul3A_1 = arith.constant 80 : i32
    %mul3A_2 = arith.muli %add3A, %mul3A_1 : i32
    %mul3A_3 = arith.constant 632 : i32
    %mul3A_4 = arith.muli %arg1, %mul3A_3 : i32
    "tpu.region"() ({
      %run_scoped3A = tpu.sem_alloc : memref<!tpu.dma_semaphore, #tpu.memory_space<semaphore_mem>>
      %dma_start3A = arith.constant 0 : i32
      %dma_start3A_11 = tpu.memref_slice %arg7[%mul3A_4, %dma_start3A] : memref<10112x128xf32, #tpu.memory_space<vmem_shared>> -> memref<632x128xf32, #tpu.memory_space<vmem_shared>>
      tpu.enqueue_dma source(%arg5 : memref<632x128xf32, #tpu.memory_space<hbm>>) target(%dma_start3A_11 : memref<632x128xf32, #tpu.memory_space<vmem_shared>>) target_semaphore(%run_scoped3A : memref<!tpu.dma_semaphore, #tpu.memory_space<semaphore_mem>>)
      %dma_wait3A = arith.constant 0 : i32
      %dma_wait3A_12 = tpu.memref_slice %arg7[%mul3A_4, %dma_wait3A] : memref<10112x128xf32, #tpu.memory_space<vmem_shared>> -> memref<632x128xf32, #tpu.memory_space<vmem_shared>>
      tpu.wait_dma2 semaphore(%run_scoped3A : memref<!tpu.dma_semaphore, #tpu.memory_space<semaphore_mem>>) src(%arg5 : memref<632x128xf32, #tpu.memory_space<hbm>>) dst(%dma_wait3A_12 : memref<632x128xf32, #tpu.memory_space<vmem_shared>>)
      tpu.yield
    }) : () -> ()
    %barrier3A = arith.constant 0 : index
    tpu.barrier barrier_id(%barrier3A)
    %scan3A = arith.constant -65536 : i32
    %scan3A_5 = arith.constant 0 : i32
    %scan3A_6 = arith.constant 2 : i32
    %scan3A_7 = arith.addi %scan3A_5, %scan3A_6 : i32
    %scan3A_8 = arith.constant 1 : i32
    scf.for %scan3A_11 = %scan3A_5 to %scan3A_7 step %scan3A_8  : i32 {
      %mul3A_12 = arith.constant 1 : i32
      %mul3A_13 = arith.muli %scan3A_11, %mul3A_12 : i32
      %add3A_14 = arith.constant 0 : i32
      %add3A_15 = arith.addi %add3A_14, %mul3A_13 : i32
      %mul3A_16 = arith.constant 40 : i32
      %mul3A_17 = arith.muli %add3A_15, %mul3A_16 : i32
      %add3A_18 = arith.addi %mul3A_2, %mul3A_17 : i32
      "tpu.region"() ({
        %run_scoped3A_76 = tpu.sem_alloc : memref<!tpu.dma_semaphore, #tpu.memory_space<semaphore_mem>>
        %dma_start3A_77 = arith.constant 0 : i32
        %dma_start3A_78 = tpu.memref_slice %arg3[%add3A_18, %dma_start3A_77] : memref<2560x128xi32, #tpu.memory_space<hbm>> -> memref<40x128xi32, #tpu.memory_space<hbm>>
        %dma_start3A_79 = arith.constant 0 : i32
        %dma_start3A_80 = tpu.memref_slice %arg3[%add3A_18, %dma_start3A_79] : memref<2560x128xi32, #tpu.memory_space<hbm>> -> memref<40x128xi32, #tpu.memory_space<hbm>>
        tpu.enqueue_dma source(%dma_start3A_80 : memref<40x128xi32, #tpu.memory_space<hbm>>) target(%arg8 : memref<40x128xi32, #tpu.memory_space<vmem>>) target_semaphore(%run_scoped3A_76 : memref<!tpu.dma_semaphore, #tpu.memory_space<semaphore_mem>>)
        %dma_wait3A_81 = arith.constant 0 : i32
        %dma_wait3A_82 = tpu.memref_slice %arg3[%add3A_18, %dma_wait3A_81] : memref<2560x128xi32, #tpu.memory_space<hbm>> -> memref<40x128xi32, #tpu.memory_space<hbm>>
        %dma_wait3A_83 = arith.constant 0 : i32
        %dma_wait3A_84 = tpu.memref_slice %arg3[%add3A_18, %dma_wait3A_83] : memref<2560x128xi32, #tpu.memory_space<hbm>> -> memref<40x128xi32, #tpu.memory_space<hbm>>
        tpu.wait_dma2 semaphore(%run_scoped3A_76 : memref<!tpu.dma_semaphore, #tpu.memory_space<semaphore_mem>>) src(%dma_wait3A_84 : memref<40x128xi32, #tpu.memory_space<hbm>>) dst(%arg8 : memref<40x128xi32, #tpu.memory_space<vmem>>)
        tpu.yield
      }) : () -> ()
      "tpu.region"() ({
        %run_scoped3A_76 = tpu.sem_alloc : memref<!tpu.dma_semaphore, #tpu.memory_space<semaphore_mem>>
        %dma_start3A_77 = arith.constant 0 : i32
        %dma_start3A_78 = tpu.memref_slice %arg4[%add3A_18, %dma_start3A_77] : memref<2560x128xi32, #tpu.memory_space<hbm>> -> memref<40x128xi32, #tpu.memory_space<hbm>>
        %dma_start3A_79 = arith.constant 0 : i32
        %dma_start3A_80 = tpu.memref_slice %arg4[%add3A_18, %dma_start3A_79] : memref<2560x128xi32, #tpu.memory_space<hbm>> -> memref<40x128xi32, #tpu.memory_space<hbm>>
        tpu.enqueue_dma source(%dma_start3A_80 : memref<40x128xi32, #tpu.memory_space<hbm>>) target(%arg9 : memref<40x128xi32, #tpu.memory_space<vmem>>) target_semaphore(%run_scoped3A_76 : memref<!tpu.dma_semaphore, #tpu.memory_space<semaphore_mem>>)
        %dma_wait3A_81 = arith.constant 0 : i32
        %dma_wait3A_82 = tpu.memref_slice %arg4[%add3A_18, %dma_wait3A_81] : memref<2560x128xi32, #tpu.memory_space<hbm>> -> memref<40x128xi32, #tpu.memory_space<hbm>>
        %dma_wait3A_83 = arith.constant 0 : i32
        %dma_wait3A_84 = tpu.memref_slice %arg4[%add3A_18, %dma_wait3A_83] : memref<2560x128xi32, #tpu.memory_space<hbm>> -> memref<40x128xi32, #tpu.memory_space<hbm>>
        tpu.wait_dma2 semaphore(%run_scoped3A_76 : memref<!tpu.dma_semaphore, #tpu.memory_space<semaphore_mem>>) src(%dma_wait3A_84 : memref<40x128xi32, #tpu.memory_space<hbm>>) dst(%arg9 : memref<40x128xi32, #tpu.memory_space<vmem>>)
        tpu.yield
      }) : () -> ()
      %dma_start3A = arith.constant 0 : i32
      %dma_start3A_19 = arith.constant 0 : i32
      %dma_start3A_20 = arith.constant 0 : i32
      %dma_start3A_21 = arith.constant 0 : i32
      %dma_start3A_22 = tpu.memref_slice %arg10[%dma_start3A_19, %dma_start3A_20, %dma_start3A_21] : memref<2x128x64xi32, #tpu.memory_space<vmem>> -> memref<1x128x64xi32, #tpu.memory_space<vmem>>
      %dma_start3A_23 = tpu.memref_squeeze %dma_start3A_22 : memref<1x128x64xi32, #tpu.memory_space<vmem>> -> memref<128x64xi32, #tpu.memory_space<vmem>>
      %dma_start3A_24 = arith.constant 0 : i32
      %dma_start3A_25 = tpu.memref_slice %arg8[%dma_start3A, %dma_start3A_24] : memref<40x128xi32, #tpu.memory_space<vmem>> -> memref<1x128xi32, #tpu.memory_space<vmem>>
      %dma_start3A_26 = tpu.memref_squeeze %dma_start3A_25 : memref<1x128xi32, #tpu.memory_space<vmem>> -> memref<128xi32, #tpu.memory_space<vmem>>
      %dma_start3A_27 = arith.constant 0 : i32
      %dma_start3A_28 = arith.constant 0 : i32
      %dma_start3A_29 = tpu.memref_slice %arg2[%dma_start3A_27, %dma_start3A_28] : memref<10000x64xi32, #tpu.memory_space<hbm>> -> memref<10000x64xi32, #tpu.memory_space<hbm>>
      tpu.enqueue_indirect_dma source(%dma_start3A_29 : memref<10000x64xi32, #tpu.memory_space<hbm>>) target(%dma_start3A_23 : memref<128x64xi32, #tpu.memory_space<vmem>>) offsets(%dma_start3A_26 : memref<128xi32, #tpu.memory_space<vmem>>) semaphore(%arg12 : memref<!tpu.dma_semaphore, #tpu.memory_space<semaphore_mem>>)
      %dma_start3A_30 = arith.constant 1 : i32
      %dma_start3A_31 = arith.constant 1 : i32
      %dma_start3A_32 = arith.constant 0 : i32
      %dma_start3A_33 = arith.constant 0 : i32
      %dma_start3A_34 = tpu.memref_slice %arg10[%dma_start3A_31, %dma_start3A_32, %dma_start3A_33] : memref<2x128x64xi32, #tpu.memory_space<vmem>> -> memref<1x128x64xi32, #tpu.memory_space<vmem>>
      %dma_start3A_35 = tpu.memref_squeeze %dma_start3A_34 : memref<1x128x64xi32, #tpu.memory_space<vmem>> -> memref<128x64xi32, #tpu.memory_space<vmem>>
      %dma_start3A_36 = arith.constant 0 : i32
      %dma_start3A_37 = tpu.memref_slice %arg8[%dma_start3A_30, %dma_start3A_36] : memref<40x128xi32, #tpu.memory_space<vmem>> -> memref<1x128xi32, #tpu.memory_space<vmem>>
      %dma_start3A_38 = tpu.memref_squeeze %dma_start3A_37 : memref<1x128xi32, #tpu.memory_space<vmem>> -> memref<128xi32, #tpu.memory_space<vmem>>
      %dma_start3A_39 = arith.constant 0 : i32
      %dma_start3A_40 = arith.constant 0 : i32
      %dma_start3A_41 = tpu.memref_slice %arg2[%dma_start3A_39, %dma_start3A_40] : memref<10000x64xi32, #tpu.memory_space<hbm>> -> memref<10000x64xi32, #tpu.memory_space<hbm>>
      tpu.enqueue_indirect_dma source(%dma_start3A_41 : memref<10000x64xi32, #tpu.memory_space<hbm>>) target(%dma_start3A_35 : memref<128x64xi32, #tpu.memory_space<vmem>>) offsets(%dma_start3A_38 : memref<128xi32, #tpu.memory_space<vmem>>) semaphore(%arg13 : memref<!tpu.dma_semaphore, #tpu.memory_space<semaphore_mem>>)
      %scan3A_42 = arith.constant 0 : i32
      %scan3A_43 = arith.constant 19 : i32
      %scan3A_44 = arith.addi %scan3A_42, %scan3A_43 : i32
      %scan3A_45 = arith.constant 1 : i32
      scf.for %scan3A_76 = %scan3A_42 to %scan3A_44 step %scan3A_45  : i32 {
        %mul3A_77 = arith.constant 2 : i32
        %mul3A_78 = arith.muli %scan3A_76, %mul3A_77 : i32
        %add3A_79 = arith.constant 0 : i32
        %add3A_80 = arith.addi %add3A_79, %mul3A_78 : i32
        %dma_wait3A_81 = arith.constant 0 : i32
        %dma_wait3A_82 = arith.constant 0 : i32
        %dma_wait3A_83 = arith.constant 0 : i32
        %dma_wait3A_84 = tpu.memref_slice %arg10[%dma_wait3A_81, %dma_wait3A_82, %dma_wait3A_83] : memref<2x128x64xi32, #tpu.memory_space<vmem>> -> memref<1x128x64xi32, #tpu.memory_space<vmem>>
        %dma_wait3A_85 = tpu.memref_squeeze %dma_wait3A_84 : memref<1x128x64xi32, #tpu.memory_space<vmem>> -> memref<128x64xi32, #tpu.memory_space<vmem>>
        %dma_wait3A_86 = arith.constant 0 : i32
        %dma_wait3A_87 = tpu.memref_slice %arg8[%add3A_80, %dma_wait3A_86] : memref<40x128xi32, #tpu.memory_space<vmem>> -> memref<1x128xi32, #tpu.memory_space<vmem>>
        %dma_wait3A_88 = tpu.memref_squeeze %dma_wait3A_87 : memref<1x128xi32, #tpu.memory_space<vmem>> -> memref<128xi32, #tpu.memory_space<vmem>>
        %dma_wait3A_89 = arith.constant 0 : i32
        %dma_wait3A_90 = arith.constant 0 : i32
        %dma_wait3A_91 = tpu.memref_slice %arg2[%dma_wait3A_89, %dma_wait3A_90] : memref<10000x64xi32, #tpu.memory_space<hbm>> -> memref<10000x64xi32, #tpu.memory_space<hbm>>
        tpu.wait_indirect_dma semaphore(%arg12 : memref<!tpu.dma_semaphore, #tpu.memory_space<semaphore_mem>>) src(%dma_wait3A_91 : memref<10000x64xi32, #tpu.memory_space<hbm>>) dst(%dma_wait3A_85 : memref<128x64xi32, #tpu.memory_space<vmem>>)
        %parallel_loop3A_92 = arith.constant 0 : i32
        %parallel_loop3A_93 = arith.constant 128 : i32
        %parallel_loop3A_94 = arith.constant 1 : i32
        scf.for %parallel_loop3A_137 = %parallel_loop3A_92 to %parallel_loop3A_93 step %parallel_loop3A_94  : i32 {
          %parallel_loop3A_138 = arith.constant 0 : i32
          %parallel_loop3A_139 = arith.index_cast %parallel_loop3A_138 : i32 to index
          %parallel_loop3A_140 = arith.index_cast %parallel_loop3A_137 : i32 to index
          %parallel_loop3A_141 = arith.constant 0 : index
          %parallel_loop3A_142 = tpu.vector_load %arg10[%parallel_loop3A_139, %parallel_loop3A_140, %parallel_loop3A_141] {strides = array<i32>} : memref<2x128x64xi32, #tpu.memory_space<vmem>>, vector<16xi32>,
          %parallel_loop3A_143 = arith.constant 16 : i32
          %parallel_loop3A_144 = vector.broadcast %parallel_loop3A_143 : i32 to vector<16xi32>
          %parallel_loop3A_145 = arith.shli %parallel_loop3A_142, %parallel_loop3A_144 : vector<16xi32>
          %parallel_loop3A_146 = vector.bitcast %parallel_loop3A_145 : vector<16xi32> to vector<16xf32>
          %parallel_loop3A_147 = vector.broadcast %scan3A : i32 to vector<16xi32>
          %parallel_loop3A_148 = arith.andi %parallel_loop3A_142, %parallel_loop3A_147 : vector<16xi32>
          %parallel_loop3A_149 = vector.bitcast %parallel_loop3A_148 : vector<16xi32> to vector<16xf32>
          %parallel_loop3A_150 = arith.index_cast %parallel_loop3A_137 : i32 to index
          %parallel_loop3A_151 = arith.constant 0 : index
          %parallel_loop3A_152 = tpu.vector_load %arg11[%parallel_loop3A_150, %parallel_loop3A_151] {strides = array<i32>} : memref<128x128xf32, #tpu.memory_space<vmem>>, vector<16xf32>,
          tpu.vector_store %arg11[%parallel_loop3A_150, %parallel_loop3A_151], %parallel_loop3A_146 {strides = array<i32>} : memref<128x128xf32, #tpu.memory_space<vmem>>, vector<16xf32>,
          %parallel_loop3A_153 = arith.index_cast %parallel_loop3A_137 : i32 to index
          %parallel_loop3A_154 = arith.constant 64 : index
          %parallel_loop3A_155 = tpu.vector_load %arg11[%parallel_loop3A_153, %parallel_loop3A_154] {strides = array<i32>} : memref<128x128xf32, #tpu.memory_space<vmem>>, vector<16xf32>,
          tpu.vector_store %arg11[%parallel_loop3A_153, %parallel_loop3A_154], %parallel_loop3A_149 {strides = array<i32>} : memref<128x128xf32, #tpu.memory_space<vmem>>, vector<16xf32>,
          %parallel_loop3A_156 = arith.constant 0 : i32
          %parallel_loop3A_157 = arith.index_cast %parallel_loop3A_156 : i32 to index
          %parallel_loop3A_158 = arith.index_cast %parallel_loop3A_137 : i32 to index
          %parallel_loop3A_159 = arith.constant 16 : index
          %parallel_loop3A_160 = tpu.vector_load %arg10[%parallel_loop3A_157, %parallel_loop3A_158, %parallel_loop3A_159] {strides = array<i32>} : memref<2x128x64xi32, #tpu.memory_space<vmem>>, vector<16xi32>,
          %parallel_loop3A_161 = arith.constant 16 : i32
          %parallel_loop3A_162 = vector.broadcast %parallel_loop3A_161 : i32 to vector<16xi32>
          %parallel_loop3A_163 = arith.shli %parallel_loop3A_160, %parallel_loop3A_162 : vector<16xi32>
          %parallel_loop3A_164 = vector.bitcast %parallel_loop3A_163 : vector<16xi32> to vector<16xf32>
          %parallel_loop3A_165 = vector.broadcast %scan3A : i32 to vector<16xi32>
          %parallel_loop3A_166 = arith.andi %parallel_loop3A_160, %parallel_loop3A_165 : vector<16xi32>
          %parallel_loop3A_167 = vector.bitcast %parallel_loop3A_166 : vector<16xi32> to vector<16xf32>
          %parallel_loop3A_168 = arith.index_cast %parallel_loop3A_137 : i32 to index
          %parallel_loop3A_169 = arith.constant 16 : index
          %parallel_loop3A_170 = tpu.vector_load %arg11[%parallel_loop3A_168, %parallel_loop3A_169] {strides = array<i32>} : memref<128x128xf32, #tpu.memory_space<vmem>>, vector<16xf32>,
          tpu.vector_store %arg11[%parallel_loop3A_168, %parallel_loop3A_169], %parallel_loop3A_164 {strides = array<i32>} : memref<128x128xf32, #tpu.memory_space<vmem>>, vector<16xf32>,
          %parallel_loop3A_171 = arith.index_cast %parallel_loop3A_137 : i32 to index
          %parallel_loop3A_172 = arith.constant 80 : index
          %parallel_loop3A_173 = tpu.vector_load %arg11[%parallel_loop3A_171, %parallel_loop3A_172] {strides = array<i32>} : memref<128x128xf32, #tpu.memory_space<vmem>>, vector<16xf32>,
          tpu.vector_store %arg11[%parallel_loop3A_171, %parallel_loop3A_172], %parallel_loop3A_167 {strides = array<i32>} : memref<128x128xf32, #tpu.memory_space<vmem>>, vector<16xf32>,
          %parallel_loop3A_174 = arith.constant 0 : i32
          %parallel_loop3A_175 = arith.index_cast %parallel_loop3A_174 : i32 to index
          %parallel_loop3A_176 = arith.index_cast %parallel_loop3A_137 : i32 to index
          %parallel_loop3A_177 = arith.constant 32 : index
          %parallel_loop3A_178 = tpu.vector_load %arg10[%parallel_loop3A_175, %parallel_loop3A_176, %parallel_loop3A_177] {strides = array<i32>} : memref<2x128x64xi32, #tpu.memory_space<vmem>>, vector<16xi32>,
          %parallel_loop3A_179 = arith.constant 16 : i32
          %parallel_loop3A_180 = vector.broadcast %parallel_loop3A_179 : i32 to vector<16xi32>
          %parallel_loop3A_181 = arith.shli %parallel_loop3A_178, %parallel_loop3A_180 : vector<16xi32>
          %parallel_loop3A_182 = vector.bitcast %parallel_loop3A_181 : vector<16xi32> to vector<16xf32>
          %parallel_loop3A_183 = vector.broadcast %scan3A : i32 to vector<16xi32>
          %parallel_loop3A_184 = arith.andi %parallel_loop3A_178, %parallel_loop3A_183 : vector<16xi32>
          %parallel_loop3A_185 = vector.bitcast %parallel_loop3A_184 : vector<16xi32> to vector<16xf32>
          %parallel_loop3A_186 = arith.index_cast %parallel_loop3A_137 : i32 to index
          %parallel_loop3A_187 = arith.constant 32 : index
          %parallel_loop3A_188 = tpu.vector_load %arg11[%parallel_loop3A_186, %parallel_loop3A_187] {strides = array<i32>} : memref<128x128xf32, #tpu.memory_space<vmem>>, vector<16xf32>,
          tpu.vector_store %arg11[%parallel_loop3A_186, %parallel_loop3A_187], %parallel_loop3A_182 {strides = array<i32>} : memref<128x128xf32, #tpu.memory_space<vmem>>, vector<16xf32>,
          %parallel_loop3A_189 = arith.index_cast %parallel_loop3A_137 : i32 to index
          %parallel_loop3A_190 = arith.constant 96 : index
          %parallel_loop3A_191 = tpu.vector_load %arg11[%parallel_loop3A_189, %parallel_loop3A_190] {strides = array<i32>} : memref<128x128xf32, #tpu.memory_space<vmem>>, vector<16xf32>,
          tpu.vector_store %arg11[%parallel_loop3A_189, %parallel_loop3A_190], %parallel_loop3A_185 {strides = array<i32>} : memref<128x128xf32, #tpu.memory_space<vmem>>, vector<16xf32>,
          %parallel_loop3A_192 = arith.constant 0 : i32
          %parallel_loop3A_193 = arith.index_cast %parallel_loop3A_192 : i32 to index
          %parallel_loop3A_194 = arith.index_cast %parallel_loop3A_137 : i32 to index
          %parallel_loop3A_195 = arith.constant 48 : index
          %parallel_loop3A_196 = tpu.vector_load %arg10[%parallel_loop3A_193, %parallel_loop3A_194, %parallel_loop3A_195] {strides = array<i32>} : memref<2x128x64xi32, #tpu.memory_space<vmem>>, vector<16xi32>,
          %parallel_loop3A_197 = arith.constant 16 : i32
          %parallel_loop3A_198 = vector.broadcast %parallel_loop3A_197 : i32 to vector<16xi32>
          %parallel_loop3A_199 = arith.shli %parallel_loop3A_196, %parallel_loop3A_198 : vector<16xi32>
          %parallel_loop3A_200 = vector.bitcast %parallel_loop3A_199 : vector<16xi32> to vector<16xf32>
          %parallel_loop3A_201 = vector.broadcast %scan3A : i32 to vector<16xi32>
          %parallel_loop3A_202 = arith.andi %parallel_loop3A_196, %parallel_loop3A_201 : vector<16xi32>
          %parallel_loop3A_203 = vector.bitcast %parallel_loop3A_202 : vector<16xi32> to vector<16xf32>
          %parallel_loop3A_204 = arith.index_cast %parallel_loop3A_137 : i32 to index
          %parallel_loop3A_205 = arith.constant 48 : index
          %parallel_loop3A_206 = tpu.vector_load %arg11[%parallel_loop3A_204, %parallel_loop3A_205] {strides = array<i32>} : memref<128x128xf32, #tpu.memory_space<vmem>>, vector<16xf32>,
          tpu.vector_store %arg11[%parallel_loop3A_204, %parallel_loop3A_205], %parallel_loop3A_200 {strides = array<i32>} : memref<128x128xf32, #tpu.memory_space<vmem>>, vector<16xf32>,
          %parallel_loop3A_207 = arith.index_cast %parallel_loop3A_137 : i32 to index
          %parallel_loop3A_208 = arith.constant 112 : index
          %parallel_loop3A_209 = tpu.vector_load %arg11[%parallel_loop3A_207, %parallel_loop3A_208] {strides = array<i32>} : memref<128x128xf32, #tpu.memory_space<vmem>>, vector<16xf32>,
          tpu.vector_store %arg11[%parallel_loop3A_207, %parallel_loop3A_208], %parallel_loop3A_203 {strides = array<i32>} : memref<128x128xf32, #tpu.memory_space<vmem>>, vector<16xf32>,
        } {sc.loop_unroll_factor = 4 : i64, sc.parallel_access}
        "tpu.region"() ({
          %run_scoped3A_137 = tpu.sem_alloc : memref<!tpu.dma_semaphore, #tpu.memory_space<semaphore_mem>>
          %dma_start3A_138 = arith.constant 0 : i32
          %dma_start3A_139 = tpu.memref_slice %arg9[%add3A_80, %dma_start3A_138] : memref<40x128xi32, #tpu.memory_space<vmem>> -> memref<1x128xi32, #tpu.memory_space<vmem>>
          %dma_start3A_140 = tpu.memref_squeeze %dma_start3A_139 : memref<1x128xi32, #tpu.memory_space<vmem>> -> memref<128xi32, #tpu.memory_space<vmem>>
          %dma_start3A_141 = arith.constant 0 : i32
          %dma_start3A_142 = arith.constant 0 : i32
          %dma_start3A_143 = tpu.memref_slice %arg7[%dma_start3A_141, %dma_start3A_142] : memref<10112x128xf32, #tpu.memory_space<vmem_shared>> -> memref<10112x128xf32, #tpu.memory_space<vmem_shared>>
          tpu.enqueue_indirect_dma source(%arg11 : memref<128x128xf32, #tpu.memory_space<vmem>>) target(%dma_start3A_143 : memref<10112x128xf32, #tpu.memory_space<vmem_shared>>) offsets(%dma_start3A_140 : memref<128xi32, #tpu.memory_space<vmem>>) semaphore(%run_scoped3A_137 : memref<!tpu.dma_semaphore, #tpu.memory_space<semaphore_mem>>) {add = true}
          %dma_wait3A_144 = arith.constant 0 : i32
          %dma_wait3A_145 = tpu.memref_slice %arg9[%add3A_80, %dma_wait3A_144] : memref<40x128xi32, #tpu.memory_space<vmem>> -> memref<1x128xi32, #tpu.memory_space<vmem>>
          %dma_wait3A_146 = tpu.memref_squeeze %dma_wait3A_145 : memref<1x128xi32, #tpu.memory_space<vmem>> -> memref<128xi32, #tpu.memory_space<vmem>>
          %dma_wait3A_147 = arith.constant 0 : i32
          %dma_wait3A_148 = arith.constant 0 : i32
          %dma_wait3A_149 = tpu.memref_slice %arg7[%dma_wait3A_147, %dma_wait3A_148] : memref<10112x128xf32, #tpu.memory_space<vmem_shared>> -> memref<10112x128xf32, #tpu.memory_space<vmem_shared>>
          tpu.wait_indirect_dma semaphore(%run_scoped3A_137 : memref<!tpu.dma_semaphore, #tpu.memory_space<semaphore_mem>>) src(%arg11 : memref<128x128xf32, #tpu.memory_space<vmem>>) dst(%dma_wait3A_149 : memref<10112x128xf32, #tpu.memory_space<vmem_shared>>)
          tpu.yield
        }) : () -> ()
        %add3A_95 = arith.constant 2 : i32
        %add3A_96 = arith.addi %add3A_80, %add3A_95 : i32
        %dma_start3A_97 = arith.constant 0 : i32
        %dma_start3A_98 = arith.constant 0 : i32
        %dma_start3A_99 = arith.constant 0 : i32
        %dma_start3A_100 = tpu.memref_slice %arg10[%dma_start3A_97, %dma_start3A_98, %dma_start3A_99] : memref<2x128x64xi32, #tpu.memory_space<vmem>> -> memref<1x128x64xi32, #tpu.memory_space<vmem>>
        %dma_start3A_101 = tpu.memref_squeeze %dma_start3A_100 : memref<1x128x64xi32, #tpu.memory_space<vmem>> -> memref<128x64xi32, #tpu.memory_space<vmem>>
        %dma_start3A_102 = arith.constant 0 : i32
        %dma_start3A_103 = tpu.memref_slice %arg8[%add3A_96, %dma_start3A_102] : memref<40x128xi32, #tpu.memory_space<vmem>> -> memref<1x128xi32, #tpu.memory_space<vmem>>
        %dma_start3A_104 = tpu.memref_squeeze %dma_start3A_103 : memref<1x128xi32, #tpu.memory_space<vmem>> -> memref<128xi32, #tpu.memory_space<vmem>>
        %dma_start3A_105 = arith.constant 0 : i32
        %dma_start3A_106 = arith.constant 0 : i32
        %dma_start3A_107 = tpu.memref_slice %arg2[%dma_start3A_105, %dma_start3A_106] : memref<10000x64xi32, #tpu.memory_space<hbm>> -> memref<10000x64xi32, #tpu.memory_space<hbm>>
        tpu.enqueue_indirect_dma source(%dma_start3A_107 : memref<10000x64xi32, #tpu.memory_space<hbm>>) target(%dma_start3A_101 : memref<128x64xi32, #tpu.memory_space<vmem>>) offsets(%dma_start3A_104 : memref<128xi32, #tpu.memory_space<vmem>>) semaphore(%arg12 : memref<!tpu.dma_semaphore, #tpu.memory_space<semaphore_mem>>)
        %add3A_108 = arith.constant 1 : i32
        %add3A_109 = arith.addi %add3A_80, %add3A_108 : i32
        %dma_wait3A_110 = arith.constant 1 : i32
        %dma_wait3A_111 = arith.constant 0 : i32
        %dma_wait3A_112 = arith.constant 0 : i32
        %dma_wait3A_113 = tpu.memref_slice %arg10[%dma_wait3A_110, %dma_wait3A_111, %dma_wait3A_112] : memref<2x128x64xi32, #tpu.memory_space<vmem>> -> memref<1x128x64xi32, #tpu.memory_space<vmem>>
        %dma_wait3A_114 = tpu.memref_squeeze %dma_wait3A_113 : memref<1x128x64xi32, #tpu.memory_space<vmem>> -> memref<128x64xi32, #tpu.memory_space<vmem>>
        %dma_wait3A_115 = arith.constant 0 : i32
        %dma_wait3A_116 = tpu.memref_slice %arg8[%add3A_109, %dma_wait3A_115] : memref<40x128xi32, #tpu.memory_space<vmem>> -> memref<1x128xi32, #tpu.memory_space<vmem>>
        %dma_wait3A_117 = tpu.memref_squeeze %dma_wait3A_116 : memref<1x128xi32, #tpu.memory_space<vmem>> -> memref<128xi32, #tpu.memory_space<vmem>>
        %dma_wait3A_118 = arith.constant 0 : i32
        %dma_wait3A_119 = arith.constant 0 : i32
        %dma_wait3A_120 = tpu.memref_slice %arg2[%dma_wait3A_118, %dma_wait3A_119] : memref<10000x64xi32, #tpu.memory_space<hbm>> -> memref<10000x64xi32, #tpu.memory_space<hbm>>
        tpu.wait_indirect_dma semaphore(%arg13 : memref<!tpu.dma_semaphore, #tpu.memory_space<semaphore_mem>>) src(%dma_wait3A_120 : memref<10000x64xi32, #tpu.memory_space<hbm>>) dst(%dma_wait3A_114 : memref<128x64xi32, #tpu.memory_space<vmem>>)
        %parallel_loop3A_121 = arith.constant 0 : i32
        %parallel_loop3A_122 = arith.constant 128 : i32
        %parallel_loop3A_123 = arith.constant 1 : i32
        scf.for %parallel_loop3A_137 = %parallel_loop3A_121 to %parallel_loop3A_122 step %parallel_loop3A_123  : i32 {
          %parallel_loop3A_138 = arith.constant 1 : i32
          %parallel_loop3A_139 = arith.index_cast %parallel_loop3A_138 : i32 to index
          %parallel_loop3A_140 = arith.index_cast %parallel_loop3A_137 : i32 to index
          %parallel_loop3A_141 = arith.constant 0 : index
          %parallel_loop3A_142 = tpu.vector_load %arg10[%parallel_loop3A_139, %parallel_loop3A_140, %parallel_loop3A_141] {strides = array<i32>} : memref<2x128x64xi32, #tpu.memory_space<vmem>>, vector<16xi32>,
          %parallel_loop3A_143 = arith.constant 16 : i32
          %parallel_loop3A_144 = vector.broadcast %parallel_loop3A_143 : i32 to vector<16xi32>
          %parallel_loop3A_145 = arith.shli %parallel_loop3A_142, %parallel_loop3A_144 : vector<16xi32>
          %parallel_loop3A_146 = vector.bitcast %parallel_loop3A_145 : vector<16xi32> to vector<16xf32>
          %parallel_loop3A_147 = vector.broadcast %scan3A : i32 to vector<16xi32>
          %parallel_loop3A_148 = arith.andi %parallel_loop3A_142, %parallel_loop3A_147 : vector<16xi32>
          %parallel_loop3A_149 = vector.bitcast %parallel_loop3A_148 : vector<16xi32> to vector<16xf32>
          %parallel_loop3A_150 = arith.index_cast %parallel_loop3A_137 : i32 to index
          %parallel_loop3A_151 = arith.constant 0 : index
          %parallel_loop3A_152 = tpu.vector_load %arg11[%parallel_loop3A_150, %parallel_loop3A_151] {strides = array<i32>} : memref<128x128xf32, #tpu.memory_space<vmem>>, vector<16xf32>,
          tpu.vector_store %arg11[%parallel_loop3A_150, %parallel_loop3A_151], %parallel_loop3A_146 {strides = array<i32>} : memref<128x128xf32, #tpu.memory_space<vmem>>, vector<16xf32>,
          %parallel_loop3A_153 = arith.index_cast %parallel_loop3A_137 : i32 to index
          %parallel_loop3A_154 = arith.constant 64 : index
          %parallel_loop3A_155 = tpu.vector_load %arg11[%parallel_loop3A_153, %parallel_loop3A_154] {strides = array<i32>} : memref<128x128xf32, #tpu.memory_space<vmem>>, vector<16xf32>,
          tpu.vector_store %arg11[%parallel_loop3A_153, %parallel_loop3A_154], %parallel_loop3A_149 {strides = array<i32>} : memref<128x128xf32, #tpu.memory_space<vmem>>, vector<16xf32>,
          %parallel_loop3A_156 = arith.constant 1 : i32
          %parallel_loop3A_157 = arith.index_cast %parallel_loop3A_156 : i32 to index
          %parallel_loop3A_158 = arith.index_cast %parallel_loop3A_137 : i32 to index
          %parallel_loop3A_159 = arith.constant 16 : index
          %parallel_loop3A_160 = tpu.vector_load %arg10[%parallel_loop3A_157, %parallel_loop3A_158, %parallel_loop3A_159] {strides = array<i32>} : memref<2x128x64xi32, #tpu.memory_space<vmem>>, vector<16xi32>,
          %parallel_loop3A_161 = arith.constant 16 : i32
          %parallel_loop3A_162 = vector.broadcast %parallel_loop3A_161 : i32 to vector<16xi32>
          %parallel_loop3A_163 = arith.shli %parallel_loop3A_160, %parallel_loop3A_162 : vector<16xi32>
          %parallel_loop3A_164 = vector.bitcast %parallel_loop3A_163 : vector<16xi32> to vector<16xf32>
          %parallel_loop3A_165 = vector.broadcast %scan3A : i32 to vector<16xi32>
          %parallel_loop3A_166 = arith.andi %parallel_loop3A_160, %parallel_loop3A_165 : vector<16xi32>
          %parallel_loop3A_167 = vector.bitcast %parallel_loop3A_166 : vector<16xi32> to vector<16xf32>
          %parallel_loop3A_168 = arith.index_cast %parallel_loop3A_137 : i32 to index
          %parallel_loop3A_169 = arith.constant 16 : index
          %parallel_loop3A_170 = tpu.vector_load %arg11[%parallel_loop3A_168, %parallel_loop3A_169] {strides = array<i32>} : memref<128x128xf32, #tpu.memory_space<vmem>>, vector<16xf32>,
          tpu.vector_store %arg11[%parallel_loop3A_168, %parallel_loop3A_169], %parallel_loop3A_164 {strides = array<i32>} : memref<128x128xf32, #tpu.memory_space<vmem>>, vector<16xf32>,
          %parallel_loop3A_171 = arith.index_cast %parallel_loop3A_137 : i32 to index
          %parallel_loop3A_172 = arith.constant 80 : index
          %parallel_loop3A_173 = tpu.vector_load %arg11[%parallel_loop3A_171, %parallel_loop3A_172] {strides = array<i32>} : memref<128x128xf32, #tpu.memory_space<vmem>>, vector<16xf32>,
          tpu.vector_store %arg11[%parallel_loop3A_171, %parallel_loop3A_172], %parallel_loop3A_167 {strides = array<i32>} : memref<128x128xf32, #tpu.memory_space<vmem>>, vector<16xf32>,
          %parallel_loop3A_174 = arith.constant 1 : i32
          %parallel_loop3A_175 = arith.index_cast %parallel_loop3A_174 : i32 to index
          %parallel_loop3A_176 = arith.index_cast %parallel_loop3A_137 : i32 to index
          %parallel_loop3A_177 = arith.constant 32 : index
          %parallel_loop3A_178 = tpu.vector_load %arg10[%parallel_loop3A_175, %parallel_loop3A_176, %parallel_loop3A_177] {strides = array<i32>} : memref<2x128x64xi32, #tpu.memory_space<vmem>>, vector<16xi32>,
          %parallel_loop3A_179 = arith.constant 16 : i32
          %parallel_loop3A_180 = vector.broadcast %parallel_loop3A_179 : i32 to vector<16xi32>
          %parallel_loop3A_181 = arith.shli %parallel_loop3A_178, %parallel_loop3A_180 : vector<16xi32>
          %parallel_loop3A_182 = vector.bitcast %parallel_loop3A_181 : vector<16xi32> to vector<16xf32>
          %parallel_loop3A_183 = vector.broadcast %scan3A : i32 to vector<16xi32>
          %parallel_loop3A_184 = arith.andi %parallel_loop3A_178, %parallel_loop3A_183 : vector<16xi32>
          %parallel_loop3A_185 = vector.bitcast %parallel_loop3A_184 : vector<16xi32> to vector<16xf32>
          %parallel_loop3A_186 = arith.index_cast %parallel_loop3A_137 : i32 to index
          %parallel_loop3A_187 = arith.constant 32 : index
          %parallel_loop3A_188 = tpu.vector_load %arg11[%parallel_loop3A_186, %parallel_loop3A_187] {strides = array<i32>} : memref<128x128xf32, #tpu.memory_space<vmem>>, vector<16xf32>,
          tpu.vector_store %arg11[%parallel_loop3A_186, %parallel_loop3A_187], %parallel_loop3A_182 {strides = array<i32>} : memref<128x128xf32, #tpu.memory_space<vmem>>, vector<16xf32>,
          %parallel_loop3A_189 = arith.index_cast %parallel_loop3A_137 : i32 to index
          %parallel_loop3A_190 = arith.constant 96 : index
          %parallel_loop3A_191 = tpu.vector_load %arg11[%parallel_loop3A_189, %parallel_loop3A_190] {strides = array<i32>} : memref<128x128xf32, #tpu.memory_space<vmem>>, vector<16xf32>,
          tpu.vector_store %arg11[%parallel_loop3A_189, %parallel_loop3A_190], %parallel_loop3A_185 {strides = array<i32>} : memref<128x128xf32, #tpu.memory_space<vmem>>, vector<16xf32>,
          %parallel_loop3A_192 = arith.constant 1 : i32
          %parallel_loop3A_193 = arith.index_cast %parallel_loop3A_192 : i32 to index
          %parallel_loop3A_194 = arith.index_cast %parallel_loop3A_137 : i32 to index
          %parallel_loop3A_195 = arith.constant 48 : index
          %parallel_loop3A_196 = tpu.vector_load %arg10[%parallel_loop3A_193, %parallel_loop3A_194, %parallel_loop3A_195] {strides = array<i32>} : memref<2x128x64xi32, #tpu.memory_space<vmem>>, vector<16xi32>,
          %parallel_loop3A_197 = arith.constant 16 : i32
          %parallel_loop3A_198 = vector.broadcast %parallel_loop3A_197 : i32 to vector<16xi32>
          %parallel_loop3A_199 = arith.shli %parallel_loop3A_196, %parallel_loop3A_198 : vector<16xi32>
          %parallel_loop3A_200 = vector.bitcast %parallel_loop3A_199 : vector<16xi32> to vector<16xf32>
          %parallel_loop3A_201 = vector.broadcast %scan3A : i32 to vector<16xi32>
          %parallel_loop3A_202 = arith.andi %parallel_loop3A_196, %parallel_loop3A_201 : vector<16xi32>
          %parallel_loop3A_203 = vector.bitcast %parallel_loop3A_202 : vector<16xi32> to vector<16xf32>
          %parallel_loop3A_204 = arith.index_cast %parallel_loop3A_137 : i32 to index
          %parallel_loop3A_205 = arith.constant 48 : index
          %parallel_loop3A_206 = tpu.vector_load %arg11[%parallel_loop3A_204, %parallel_loop3A_205] {strides = array<i32>} : memref<128x128xf32, #tpu.memory_space<vmem>>, vector<16xf32>,
          tpu.vector_store %arg11[%parallel_loop3A_204, %parallel_loop3A_205], %parallel_loop3A_200 {strides = array<i32>} : memref<128x128xf32, #tpu.memory_space<vmem>>, vector<16xf32>,
          %parallel_loop3A_207 = arith.index_cast %parallel_loop3A_137 : i32 to index
          %parallel_loop3A_208 = arith.constant 112 : index
          %parallel_loop3A_209 = tpu.vector_load %arg11[%parallel_loop3A_207, %parallel_loop3A_208] {strides = array<i32>} : memref<128x128xf32, #tpu.memory_space<vmem>>, vector<16xf32>,
          tpu.vector_store %arg11[%parallel_loop3A_207, %parallel_loop3A_208], %parallel_loop3A_203 {strides = array<i32>} : memref<128x128xf32, #tpu.memory_space<vmem>>, vector<16xf32>,
        } {sc.loop_unroll_factor = 4 : i64, sc.parallel_access}
        "tpu.region"() ({
          %run_scoped3A_137 = tpu.sem_alloc : memref<!tpu.dma_semaphore, #tpu.memory_space<semaphore_mem>>
          %dma_start3A_138 = arith.constant 0 : i32
          %dma_start3A_139 = tpu.memref_slice %arg9[%add3A_109, %dma_start3A_138] : memref<40x128xi32, #tpu.memory_space<vmem>> -> memref<1x128xi32, #tpu.memory_space<vmem>>
          %dma_start3A_140 = tpu.memref_squeeze %dma_start3A_139 : memref<1x128xi32, #tpu.memory_space<vmem>> -> memref<128xi32, #tpu.memory_space<vmem>>
          %dma_start3A_141 = arith.constant 0 : i32
          %dma_start3A_142 = arith.constant 0 : i32
          %dma_start3A_143 = tpu.memref_slice %arg7[%dma_start3A_141, %dma_start3A_142] : memref<10112x128xf32, #tpu.memory_space<vmem_shared>> -> memref<10112x128xf32, #tpu.memory_space<vmem_shared>>
          tpu.enqueue_indirect_dma source(%arg11 : memref<128x128xf32, #tpu.memory_space<vmem>>) target(%dma_start3A_143 : memref<10112x128xf32, #tpu.memory_space<vmem_shared>>) offsets(%dma_start3A_140 : memref<128xi32, #tpu.memory_space<vmem>>) semaphore(%run_scoped3A_137 : memref<!tpu.dma_semaphore, #tpu.memory_space<semaphore_mem>>) {add = true}
          %dma_wait3A_144 = arith.constant 0 : i32
          %dma_wait3A_145 = tpu.memref_slice %arg9[%add3A_109, %dma_wait3A_144] : memref<40x128xi32, #tpu.memory_space<vmem>> -> memref<1x128xi32, #tpu.memory_space<vmem>>
          %dma_wait3A_146 = tpu.memref_squeeze %dma_wait3A_145 : memref<1x128xi32, #tpu.memory_space<vmem>> -> memref<128xi32, #tpu.memory_space<vmem>>
          %dma_wait3A_147 = arith.constant 0 : i32
          %dma_wait3A_148 = arith.constant 0 : i32
          %dma_wait3A_149 = tpu.memref_slice %arg7[%dma_wait3A_147, %dma_wait3A_148] : memref<10112x128xf32, #tpu.memory_space<vmem_shared>> -> memref<10112x128xf32, #tpu.memory_space<vmem_shared>>
          tpu.wait_indirect_dma semaphore(%run_scoped3A_137 : memref<!tpu.dma_semaphore, #tpu.memory_space<semaphore_mem>>) src(%arg11 : memref<128x128xf32, #tpu.memory_space<vmem>>) dst(%dma_wait3A_149 : memref<10112x128xf32, #tpu.memory_space<vmem_shared>>)
          tpu.yield
        }) : () -> ()
        %add3A_124 = arith.constant 3 : i32
        %add3A_125 = arith.addi %add3A_80, %add3A_124 : i32
        %dma_start3A_126 = arith.constant 1 : i32
        %dma_start3A_127 = arith.constant 0 : i32
        %dma_start3A_128 = arith.constant 0 : i32
        %dma_start3A_129 = tpu.memref_slice %arg10[%dma_start3A_126, %dma_start3A_127, %dma_start3A_128] : memref<2x128x64xi32, #tpu.memory_space<vmem>> -> memref<1x128x64xi32, #tpu.memory_space<vmem>>
        %dma_start3A_130 = tpu.memref_squeeze %dma_start3A_129 : memref<1x128x64xi32, #tpu.memory_space<vmem>> -> memref<128x64xi32, #tpu.memory_space<vmem>>
        %dma_start3A_131 = arith.constant 0 : i32
        %dma_start3A_132 = tpu.memref_slice %arg8[%add3A_125, %dma_start3A_131] : memref<40x128xi32, #tpu.memory_space<vmem>> -> memref<1x128xi32, #tpu.memory_space<vmem>>
        %dma_start3A_133 = tpu.memref_squeeze %dma_start3A_132 : memref<1x128xi32, #tpu.memory_space<vmem>> -> memref<128xi32, #tpu.memory_space<vmem>>
        %dma_start3A_134 = arith.constant 0 : i32
        %dma_start3A_135 = arith.constant 0 : i32
        %dma_start3A_136 = tpu.memref_slice %arg2[%dma_start3A_134, %dma_start3A_135] : memref<10000x64xi32, #tpu.memory_space<hbm>> -> memref<10000x64xi32, #tpu.memory_space<hbm>>
        tpu.enqueue_indirect_dma source(%dma_start3A_136 : memref<10000x64xi32, #tpu.memory_space<hbm>>) target(%dma_start3A_130 : memref<128x64xi32, #tpu.memory_space<vmem>>) offsets(%dma_start3A_133 : memref<128xi32, #tpu.memory_space<vmem>>) semaphore(%arg13 : memref<!tpu.dma_semaphore, #tpu.memory_space<semaphore_mem>>)
      }
      %scan3A_46 = arith.constant 19 : i32
      %dma_wait3A = arith.constant 38 : i32
      %dma_wait3A_47 = arith.constant 0 : i32
      %dma_wait3A_48 = arith.constant 0 : i32
      %dma_wait3A_49 = arith.constant 0 : i32
      %dma_wait3A_50 = tpu.memref_slice %arg10[%dma_wait3A_47, %dma_wait3A_48, %dma_wait3A_49] : memref<2x128x64xi32, #tpu.memory_space<vmem>> -> memref<1x128x64xi32, #tpu.memory_space<vmem>>
      %dma_wait3A_51 = tpu.memref_squeeze %dma_wait3A_50 : memref<1x128x64xi32, #tpu.memory_space<vmem>> -> memref<128x64xi32, #tpu.memory_space<vmem>>
      %dma_wait3A_52 = arith.constant 0 : i32
      %dma_wait3A_53 = tpu.memref_slice %arg8[%dma_wait3A, %dma_wait3A_52] : memref<40x128xi32, #tpu.memory_space<vmem>> -> memref<1x128xi32, #tpu.memory_space<vmem>>
      %dma_wait3A_54 = tpu.memref_squeeze %dma_wait3A_53 : memref<1x128xi32, #tpu.memory_space<vmem>> -> memref<128xi32, #tpu.memory_space<vmem>>
      %dma_wait3A_55 = arith.constant 0 : i32
      %dma_wait3A_56 = arith.constant 0 : i32
      %dma_wait3A_57 = tpu.memref_slice %arg2[%dma_wait3A_55, %dma_wait3A_56] : memref<10000x64xi32, #tpu.memory_space<hbm>> -> memref<10000x64xi32, #tpu.memory_space<hbm>>
      tpu.wait_indirect_dma semaphore(%arg12 : memref<!tpu.dma_semaphore, #tpu.memory_space<semaphore_mem>>) src(%dma_wait3A_57 : memref<10000x64xi32, #tpu.memory_space<hbm>>) dst(%dma_wait3A_51 : memref<128x64xi32, #tpu.memory_space<vmem>>)
      %parallel_loop3A = arith.constant 0 : i32
      %parallel_loop3A_58 = arith.constant 128 : i32
      %parallel_loop3A_59 = arith.constant 1 : i32
      scf.for %parallel_loop3A_76 = %parallel_loop3A to %parallel_loop3A_58 step %parallel_loop3A_59  : i32 {
        %parallel_loop3A_77 = arith.constant 0 : i32
        %parallel_loop3A_78 = arith.index_cast %parallel_loop3A_77 : i32 to index
        %parallel_loop3A_79 = arith.index_cast %parallel_loop3A_76 : i32 to index
        %parallel_loop3A_80 = arith.constant 0 : index
        %parallel_loop3A_81 = tpu.vector_load %arg10[%parallel_loop3A_78, %parallel_loop3A_79, %parallel_loop3A_80] {strides = array<i32>} : memref<2x128x64xi32, #tpu.memory_space<vmem>>, vector<16xi32>,
        %parallel_loop3A_82 = arith.constant 16 : i32
        %parallel_loop3A_83 = vector.broadcast %parallel_loop3A_82 : i32 to vector<16xi32>
        %parallel_loop3A_84 = arith.shli %parallel_loop3A_81, %parallel_loop3A_83 : vector<16xi32>
        %parallel_loop3A_85 = vector.bitcast %parallel_loop3A_84 : vector<16xi32> to vector<16xf32>
        %parallel_loop3A_86 = vector.broadcast %scan3A : i32 to vector<16xi32>
        %parallel_loop3A_87 = arith.andi %parallel_loop3A_81, %parallel_loop3A_86 : vector<16xi32>
        %parallel_loop3A_88 = vector.bitcast %parallel_loop3A_87 : vector<16xi32> to vector<16xf32>
        %parallel_loop3A_89 = arith.index_cast %parallel_loop3A_76 : i32 to index
        %parallel_loop3A_90 = arith.constant 0 : index
        %parallel_loop3A_91 = tpu.vector_load %arg11[%parallel_loop3A_89, %parallel_loop3A_90] {strides = array<i32>} : memref<128x128xf32, #tpu.memory_space<vmem>>, vector<16xf32>,
        tpu.vector_store %arg11[%parallel_loop3A_89, %parallel_loop3A_90], %parallel_loop3A_85 {strides = array<i32>} : memref<128x128xf32, #tpu.memory_space<vmem>>, vector<16xf32>,
        %parallel_loop3A_92 = arith.index_cast %parallel_loop3A_76 : i32 to index
        %parallel_loop3A_93 = arith.constant 64 : index
        %parallel_loop3A_94 = tpu.vector_load %arg11[%parallel_loop3A_92, %parallel_loop3A_93] {strides = array<i32>} : memref<128x128xf32, #tpu.memory_space<vmem>>, vector<16xf32>,
        tpu.vector_store %arg11[%parallel_loop3A_92, %parallel_loop3A_93], %parallel_loop3A_88 {strides = array<i32>} : memref<128x128xf32, #tpu.memory_space<vmem>>, vector<16xf32>,
        %parallel_loop3A_95 = arith.constant 0 : i32
        %parallel_loop3A_96 = arith.index_cast %parallel_loop3A_95 : i32 to index
        %parallel_loop3A_97 = arith.index_cast %parallel_loop3A_76 : i32 to index
        %parallel_loop3A_98 = arith.constant 16 : index
        %parallel_loop3A_99 = tpu.vector_load %arg10[%parallel_loop3A_96, %parallel_loop3A_97, %parallel_loop3A_98] {strides = array<i32>} : memref<2x128x64xi32, #tpu.memory_space<vmem>>, vector<16xi32>,
        %parallel_loop3A_100 = arith.constant 16 : i32
        %parallel_loop3A_101 = vector.broadcast %parallel_loop3A_100 : i32 to vector<16xi32>
        %parallel_loop3A_102 = arith.shli %parallel_loop3A_99, %parallel_loop3A_101 : vector<16xi32>
        %parallel_loop3A_103 = vector.bitcast %parallel_loop3A_102 : vector<16xi32> to vector<16xf32>
        %parallel_loop3A_104 = vector.broadcast %scan3A : i32 to vector<16xi32>
        %parallel_loop3A_105 = arith.andi %parallel_loop3A_99, %parallel_loop3A_104 : vector<16xi32>
        %parallel_loop3A_106 = vector.bitcast %parallel_loop3A_105 : vector<16xi32> to vector<16xf32>
        %parallel_loop3A_107 = arith.index_cast %parallel_loop3A_76 : i32 to index
        %parallel_loop3A_108 = arith.constant 16 : index
        %parallel_loop3A_109 = tpu.vector_load %arg11[%parallel_loop3A_107, %parallel_loop3A_108] {strides = array<i32>} : memref<128x128xf32, #tpu.memory_space<vmem>>, vector<16xf32>,
        tpu.vector_store %arg11[%parallel_loop3A_107, %parallel_loop3A_108], %parallel_loop3A_103 {strides = array<i32>} : memref<128x128xf32, #tpu.memory_space<vmem>>, vector<16xf32>,
        %parallel_loop3A_110 = arith.index_cast %parallel_loop3A_76 : i32 to index
        %parallel_loop3A_111 = arith.constant 80 : index
        %parallel_loop3A_112 = tpu.vector_load %arg11[%parallel_loop3A_110, %parallel_loop3A_111] {strides = array<i32>} : memref<128x128xf32, #tpu.memory_space<vmem>>, vector<16xf32>,
        tpu.vector_store %arg11[%parallel_loop3A_110, %parallel_loop3A_111], %parallel_loop3A_106 {strides = array<i32>} : memref<128x128xf32, #tpu.memory_space<vmem>>, vector<16xf32>,
        %parallel_loop3A_113 = arith.constant 0 : i32
        %parallel_loop3A_114 = arith.index_cast %parallel_loop3A_113 : i32 to index
        %parallel_loop3A_115 = arith.index_cast %parallel_loop3A_76 : i32 to index
        %parallel_loop3A_116 = arith.constant 32 : index
        %parallel_loop3A_117 = tpu.vector_load %arg10[%parallel_loop3A_114, %parallel_loop3A_115, %parallel_loop3A_116] {strides = array<i32>} : memref<2x128x64xi32, #tpu.memory_space<vmem>>, vector<16xi32>,
        %parallel_loop3A_118 = arith.constant 16 : i32
        %parallel_loop3A_119 = vector.broadcast %parallel_loop3A_118 : i32 to vector<16xi32>
        %parallel_loop3A_120 = arith.shli %parallel_loop3A_117, %parallel_loop3A_119 : vector<16xi32>
        %parallel_loop3A_121 = vector.bitcast %parallel_loop3A_120 : vector<16xi32> to vector<16xf32>
        %parallel_loop3A_122 = vector.broadcast %scan3A : i32 to vector<16xi32>
        %parallel_loop3A_123 = arith.andi %parallel_loop3A_117, %parallel_loop3A_122 : vector<16xi32>
        %parallel_loop3A_124 = vector.bitcast %parallel_loop3A_123 : vector<16xi32> to vector<16xf32>
        %parallel_loop3A_125 = arith.index_cast %parallel_loop3A_76 : i32 to index
        %parallel_loop3A_126 = arith.constant 32 : index
        %parallel_loop3A_127 = tpu.vector_load %arg11[%parallel_loop3A_125, %parallel_loop3A_126] {strides = array<i32>} : memref<128x128xf32, #tpu.memory_space<vmem>>, vector<16xf32>,
        tpu.vector_store %arg11[%parallel_loop3A_125, %parallel_loop3A_126], %parallel_loop3A_121 {strides = array<i32>} : memref<128x128xf32, #tpu.memory_space<vmem>>, vector<16xf32>,
        %parallel_loop3A_128 = arith.index_cast %parallel_loop3A_76 : i32 to index
        %parallel_loop3A_129 = arith.constant 96 : index
        %parallel_loop3A_130 = tpu.vector_load %arg11[%parallel_loop3A_128, %parallel_loop3A_129] {strides = array<i32>} : memref<128x128xf32, #tpu.memory_space<vmem>>, vector<16xf32>,
        tpu.vector_store %arg11[%parallel_loop3A_128, %parallel_loop3A_129], %parallel_loop3A_124 {strides = array<i32>} : memref<128x128xf32, #tpu.memory_space<vmem>>, vector<16xf32>,
        %parallel_loop3A_131 = arith.constant 0 : i32
        %parallel_loop3A_132 = arith.index_cast %parallel_loop3A_131 : i32 to index
        %parallel_loop3A_133 = arith.index_cast %parallel_loop3A_76 : i32 to index
        %parallel_loop3A_134 = arith.constant 48 : index
        %parallel_loop3A_135 = tpu.vector_load %arg10[%parallel_loop3A_132, %parallel_loop3A_133, %parallel_loop3A_134] {strides = array<i32>} : memref<2x128x64xi32, #tpu.memory_space<vmem>>, vector<16xi32>,
        %parallel_loop3A_136 = arith.constant 16 : i32
        %parallel_loop3A_137 = vector.broadcast %parallel_loop3A_136 : i32 to vector<16xi32>
        %parallel_loop3A_138 = arith.shli %parallel_loop3A_135, %parallel_loop3A_137 : vector<16xi32>
        %parallel_loop3A_139 = vector.bitcast %parallel_loop3A_138 : vector<16xi32> to vector<16xf32>
        %parallel_loop3A_140 = vector.broadcast %scan3A : i32 to vector<16xi32>
        %parallel_loop3A_141 = arith.andi %parallel_loop3A_135, %parallel_loop3A_140 : vector<16xi32>
        %parallel_loop3A_142 = vector.bitcast %parallel_loop3A_141 : vector<16xi32> to vector<16xf32>
        %parallel_loop3A_143 = arith.index_cast %parallel_loop3A_76 : i32 to index
        %parallel_loop3A_144 = arith.constant 48 : index
        %parallel_loop3A_145 = tpu.vector_load %arg11[%parallel_loop3A_143, %parallel_loop3A_144] {strides = array<i32>} : memref<128x128xf32, #tpu.memory_space<vmem>>, vector<16xf32>,
        tpu.vector_store %arg11[%parallel_loop3A_143, %parallel_loop3A_144], %parallel_loop3A_139 {strides = array<i32>} : memref<128x128xf32, #tpu.memory_space<vmem>>, vector<16xf32>,
        %parallel_loop3A_146 = arith.index_cast %parallel_loop3A_76 : i32 to index
        %parallel_loop3A_147 = arith.constant 112 : index
        %parallel_loop3A_148 = tpu.vector_load %arg11[%parallel_loop3A_146, %parallel_loop3A_147] {strides = array<i32>} : memref<128x128xf32, #tpu.memory_space<vmem>>, vector<16xf32>,
        tpu.vector_store %arg11[%parallel_loop3A_146, %parallel_loop3A_147], %parallel_loop3A_142 {strides = array<i32>} : memref<128x128xf32, #tpu.memory_space<vmem>>, vector<16xf32>,
      } {sc.loop_unroll_factor = 4 : i64, sc.parallel_access}
      %run_scoped3A = arith.constant 38 : i32
      "tpu.region"() ({
        %run_scoped3A_76 = tpu.sem_alloc : memref<!tpu.dma_semaphore, #tpu.memory_space<semaphore_mem>>
        %dma_start3A_77 = arith.constant 0 : i32
        %dma_start3A_78 = tpu.memref_slice %arg9[%run_scoped3A, %dma_start3A_77] : memref<40x128xi32, #tpu.memory_space<vmem>> -> memref<1x128xi32, #tpu.memory_space<vmem>>
        %dma_start3A_79 = tpu.memref_squeeze %dma_start3A_78 : memref<1x128xi32, #tpu.memory_space<vmem>> -> memref<128xi32, #tpu.memory_space<vmem>>
        %dma_start3A_80 = arith.constant 0 : i32
        %dma_start3A_81 = arith.constant 0 : i32
        %dma_start3A_82 = tpu.memref_slice %arg7[%dma_start3A_80, %dma_start3A_81] : memref<10112x128xf32, #tpu.memory_space<vmem_shared>> -> memref<10112x128xf32, #tpu.memory_space<vmem_shared>>
        tpu.enqueue_indirect_dma source(%arg11 : memref<128x128xf32, #tpu.memory_space<vmem>>) target(%dma_start3A_82 : memref<10112x128xf32, #tpu.memory_space<vmem_shared>>) offsets(%dma_start3A_79 : memref<128xi32, #tpu.memory_space<vmem>>) semaphore(%run_scoped3A_76 : memref<!tpu.dma_semaphore, #tpu.memory_space<semaphore_mem>>) {add = true}
        %dma_wait3A_83 = arith.constant 0 : i32
        %dma_wait3A_84 = tpu.memref_slice %arg9[%run_scoped3A, %dma_wait3A_83] : memref<40x128xi32, #tpu.memory_space<vmem>> -> memref<1x128xi32, #tpu.memory_space<vmem>>
        %dma_wait3A_85 = tpu.memref_squeeze %dma_wait3A_84 : memref<1x128xi32, #tpu.memory_space<vmem>> -> memref<128xi32, #tpu.memory_space<vmem>>
        %dma_wait3A_86 = arith.constant 0 : i32
        %dma_wait3A_87 = arith.constant 0 : i32
        %dma_wait3A_88 = tpu.memref_slice %arg7[%dma_wait3A_86, %dma_wait3A_87] : memref<10112x128xf32, #tpu.memory_space<vmem_shared>> -> memref<10112x128xf32, #tpu.memory_space<vmem_shared>>
        tpu.wait_indirect_dma semaphore(%run_scoped3A_76 : memref<!tpu.dma_semaphore, #tpu.memory_space<semaphore_mem>>) src(%arg11 : memref<128x128xf32, #tpu.memory_space<vmem>>) dst(%dma_wait3A_88 : memref<10112x128xf32, #tpu.memory_space<vmem_shared>>)
        tpu.yield
      }) : () -> ()
      %dma_wait3A_60 = arith.constant 39 : i32
      %dma_wait3A_61 = arith.constant 1 : i32
      %dma_wait3A_62 = arith.constant 0 : i32
      %dma_wait3A_63 = arith.constant 0 : i32
      %dma_wait3A_64 = tpu.memref_slice %arg10[%dma_wait3A_61, %dma_wait3A_62, %dma_wait3A_63] : memref<2x128x64xi32, #tpu.memory_space<vmem>> -> memref<1x128x64xi32, #tpu.memory_space<vmem>>
      %dma_wait3A_65 = tpu.memref_squeeze %dma_wait3A_64 : memref<1x128x64xi32, #tpu.memory_space<vmem>> -> memref<128x64xi32, #tpu.memory_space<vmem>>
      %dma_wait3A_66 = arith.constant 0 : i32
      %dma_wait3A_67 = tpu.memref_slice %arg8[%dma_wait3A_60, %dma_wait3A_66] : memref<40x128xi32, #tpu.memory_space<vmem>> -> memref<1x128xi32, #tpu.memory_space<vmem>>
      %dma_wait3A_68 = tpu.memref_squeeze %dma_wait3A_67 : memref<1x128xi32, #tpu.memory_space<vmem>> -> memref<128xi32, #tpu.memory_space<vmem>>
      %dma_wait3A_69 = arith.constant 0 : i32
      %dma_wait3A_70 = arith.constant 0 : i32
      %dma_wait3A_71 = tpu.memref_slice %arg2[%dma_wait3A_69, %dma_wait3A_70] : memref<10000x64xi32, #tpu.memory_space<hbm>> -> memref<10000x64xi32, #tpu.memory_space<hbm>>
      tpu.wait_indirect_dma semaphore(%arg13 : memref<!tpu.dma_semaphore, #tpu.memory_space<semaphore_mem>>) src(%dma_wait3A_71 : memref<10000x64xi32, #tpu.memory_space<hbm>>) dst(%dma_wait3A_65 : memref<128x64xi32, #tpu.memory_space<vmem>>)
      %parallel_loop3A_72 = arith.constant 0 : i32
      %parallel_loop3A_73 = arith.constant 128 : i32
      %parallel_loop3A_74 = arith.constant 1 : i32
      scf.for %parallel_loop3A_76 = %parallel_loop3A_72 to %parallel_loop3A_73 step %parallel_loop3A_74  : i32 {
        %parallel_loop3A_77 = arith.constant 1 : i32
        %parallel_loop3A_78 = arith.index_cast %parallel_loop3A_77 : i32 to index
        %parallel_loop3A_79 = arith.index_cast %parallel_loop3A_76 : i32 to index
        %parallel_loop3A_80 = arith.constant 0 : index
        %parallel_loop3A_81 = tpu.vector_load %arg10[%parallel_loop3A_78, %parallel_loop3A_79, %parallel_loop3A_80] {strides = array<i32>} : memref<2x128x64xi32, #tpu.memory_space<vmem>>, vector<16xi32>,
        %parallel_loop3A_82 = arith.constant 16 : i32
        %parallel_loop3A_83 = vector.broadcast %parallel_loop3A_82 : i32 to vector<16xi32>
        %parallel_loop3A_84 = arith.shli %parallel_loop3A_81, %parallel_loop3A_83 : vector<16xi32>
        %parallel_loop3A_85 = vector.bitcast %parallel_loop3A_84 : vector<16xi32> to vector<16xf32>
        %parallel_loop3A_86 = vector.broadcast %scan3A : i32 to vector<16xi32>
        %parallel_loop3A_87 = arith.andi %parallel_loop3A_81, %parallel_loop3A_86 : vector<16xi32>
        %parallel_loop3A_88 = vector.bitcast %parallel_loop3A_87 : vector<16xi32> to vector<16xf32>
        %parallel_loop3A_89 = arith.index_cast %parallel_loop3A_76 : i32 to index
        %parallel_loop3A_90 = arith.constant 0 : index
        %parallel_loop3A_91 = tpu.vector_load %arg11[%parallel_loop3A_89, %parallel_loop3A_90] {strides = array<i32>} : memref<128x128xf32, #tpu.memory_space<vmem>>, vector<16xf32>,
        tpu.vector_store %arg11[%parallel_loop3A_89, %parallel_loop3A_90], %parallel_loop3A_85 {strides = array<i32>} : memref<128x128xf32, #tpu.memory_space<vmem>>, vector<16xf32>,
        %parallel_loop3A_92 = arith.index_cast %parallel_loop3A_76 : i32 to index
        %parallel_loop3A_93 = arith.constant 64 : index
        %parallel_loop3A_94 = tpu.vector_load %arg11[%parallel_loop3A_92, %parallel_loop3A_93] {strides = array<i32>} : memref<128x128xf32, #tpu.memory_space<vmem>>, vector<16xf32>,
        tpu.vector_store %arg11[%parallel_loop3A_92, %parallel_loop3A_93], %parallel_loop3A_88 {strides = array<i32>} : memref<128x128xf32, #tpu.memory_space<vmem>>, vector<16xf32>,
        %parallel_loop3A_95 = arith.constant 1 : i32
        %parallel_loop3A_96 = arith.index_cast %parallel_loop3A_95 : i32 to index
        %parallel_loop3A_97 = arith.index_cast %parallel_loop3A_76 : i32 to index
        %parallel_loop3A_98 = arith.constant 16 : index
        %parallel_loop3A_99 = tpu.vector_load %arg10[%parallel_loop3A_96, %parallel_loop3A_97, %parallel_loop3A_98] {strides = array<i32>} : memref<2x128x64xi32, #tpu.memory_space<vmem>>, vector<16xi32>,
        %parallel_loop3A_100 = arith.constant 16 : i32
        %parallel_loop3A_101 = vector.broadcast %parallel_loop3A_100 : i32 to vector<16xi32>
        %parallel_loop3A_102 = arith.shli %parallel_loop3A_99, %parallel_loop3A_101 : vector<16xi32>
        %parallel_loop3A_103 = vector.bitcast %parallel_loop3A_102 : vector<16xi32> to vector<16xf32>
        %parallel_loop3A_104 = vector.broadcast %scan3A : i32 to vector<16xi32>
        %parallel_loop3A_105 = arith.andi %parallel_loop3A_99, %parallel_loop3A_104 : vector<16xi32>
        %parallel_loop3A_106 = vector.bitcast %parallel_loop3A_105 : vector<16xi32> to vector<16xf32>
        %parallel_loop3A_107 = arith.index_cast %parallel_loop3A_76 : i32 to index
        %parallel_loop3A_108 = arith.constant 16 : index
        %parallel_loop3A_109 = tpu.vector_load %arg11[%parallel_loop3A_107, %parallel_loop3A_108] {strides = array<i32>} : memref<128x128xf32, #tpu.memory_space<vmem>>, vector<16xf32>,
        tpu.vector_store %arg11[%parallel_loop3A_107, %parallel_loop3A_108], %parallel_loop3A_103 {strides = array<i32>} : memref<128x128xf32, #tpu.memory_space<vmem>>, vector<16xf32>,
        %parallel_loop3A_110 = arith.index_cast %parallel_loop3A_76 : i32 to index
        %parallel_loop3A_111 = arith.constant 80 : index
        %parallel_loop3A_112 = tpu.vector_load %arg11[%parallel_loop3A_110, %parallel_loop3A_111] {strides = array<i32>} : memref<128x128xf32, #tpu.memory_space<vmem>>, vector<16xf32>,
        tpu.vector_store %arg11[%parallel_loop3A_110, %parallel_loop3A_111], %parallel_loop3A_106 {strides = array<i32>} : memref<128x128xf32, #tpu.memory_space<vmem>>, vector<16xf32>,
        %parallel_loop3A_113 = arith.constant 1 : i32
        %parallel_loop3A_114 = arith.index_cast %parallel_loop3A_113 : i32 to index
        %parallel_loop3A_115 = arith.index_cast %parallel_loop3A_76 : i32 to index
        %parallel_loop3A_116 = arith.constant 32 : index
        %parallel_loop3A_117 = tpu.vector_load %arg10[%parallel_loop3A_114, %parallel_loop3A_115, %parallel_loop3A_116] {strides = array<i32>} : memref<2x128x64xi32, #tpu.memory_space<vmem>>, vector<16xi32>,
        %parallel_loop3A_118 = arith.constant 16 : i32
        %parallel_loop3A_119 = vector.broadcast %parallel_loop3A_118 : i32 to vector<16xi32>
        %parallel_loop3A_120 = arith.shli %parallel_loop3A_117, %parallel_loop3A_119 : vector<16xi32>
        %parallel_loop3A_121 = vector.bitcast %parallel_loop3A_120 : vector<16xi32> to vector<16xf32>
        %parallel_loop3A_122 = vector.broadcast %scan3A : i32 to vector<16xi32>
        %parallel_loop3A_123 = arith.andi %parallel_loop3A_117, %parallel_loop3A_122 : vector<16xi32>
        %parallel_loop3A_124 = vector.bitcast %parallel_loop3A_123 : vector<16xi32> to vector<16xf32>
        %parallel_loop3A_125 = arith.index_cast %parallel_loop3A_76 : i32 to index
        %parallel_loop3A_126 = arith.constant 32 : index
        %parallel_loop3A_127 = tpu.vector_load %arg11[%parallel_loop3A_125, %parallel_loop3A_126] {strides = array<i32>} : memref<128x128xf32, #tpu.memory_space<vmem>>, vector<16xf32>,
        tpu.vector_store %arg11[%parallel_loop3A_125, %parallel_loop3A_126], %parallel_loop3A_121 {strides = array<i32>} : memref<128x128xf32, #tpu.memory_space<vmem>>, vector<16xf32>,
        %parallel_loop3A_128 = arith.index_cast %parallel_loop3A_76 : i32 to index
        %parallel_loop3A_129 = arith.constant 96 : index
        %parallel_loop3A_130 = tpu.vector_load %arg11[%parallel_loop3A_128, %parallel_loop3A_129] {strides = array<i32>} : memref<128x128xf32, #tpu.memory_space<vmem>>, vector<16xf32>,
        tpu.vector_store %arg11[%parallel_loop3A_128, %parallel_loop3A_129], %parallel_loop3A_124 {strides = array<i32>} : memref<128x128xf32, #tpu.memory_space<vmem>>, vector<16xf32>,
        %parallel_loop3A_131 = arith.constant 1 : i32
        %parallel_loop3A_132 = arith.index_cast %parallel_loop3A_131 : i32 to index
        %parallel_loop3A_133 = arith.index_cast %parallel_loop3A_76 : i32 to index
        %parallel_loop3A_134 = arith.constant 48 : index
        %parallel_loop3A_135 = tpu.vector_load %arg10[%parallel_loop3A_132, %parallel_loop3A_133, %parallel_loop3A_134] {strides = array<i32>} : memref<2x128x64xi32, #tpu.memory_space<vmem>>, vector<16xi32>,
        %parallel_loop3A_136 = arith.constant 16 : i32
        %parallel_loop3A_137 = vector.broadcast %parallel_loop3A_136 : i32 to vector<16xi32>
        %parallel_loop3A_138 = arith.shli %parallel_loop3A_135, %parallel_loop3A_137 : vector<16xi32>
        %parallel_loop3A_139 = vector.bitcast %parallel_loop3A_138 : vector<16xi32> to vector<16xf32>
        %parallel_loop3A_140 = vector.broadcast %scan3A : i32 to vector<16xi32>
        %parallel_loop3A_141 = arith.andi %parallel_loop3A_135, %parallel_loop3A_140 : vector<16xi32>
        %parallel_loop3A_142 = vector.bitcast %parallel_loop3A_141 : vector<16xi32> to vector<16xf32>
        %parallel_loop3A_143 = arith.index_cast %parallel_loop3A_76 : i32 to index
        %parallel_loop3A_144 = arith.constant 48 : index
        %parallel_loop3A_145 = tpu.vector_load %arg11[%parallel_loop3A_143, %parallel_loop3A_144] {strides = array<i32>} : memref<128x128xf32, #tpu.memory_space<vmem>>, vector<16xf32>,
        tpu.vector_store %arg11[%parallel_loop3A_143, %parallel_loop3A_144], %parallel_loop3A_139 {strides = array<i32>} : memref<128x128xf32, #tpu.memory_space<vmem>>, vector<16xf32>,
        %parallel_loop3A_146 = arith.index_cast %parallel_loop3A_76 : i32 to index
        %parallel_loop3A_147 = arith.constant 112 : index
        %parallel_loop3A_148 = tpu.vector_load %arg11[%parallel_loop3A_146, %parallel_loop3A_147] {strides = array<i32>} : memref<128x128xf32, #tpu.memory_space<vmem>>, vector<16xf32>,
        tpu.vector_store %arg11[%parallel_loop3A_146, %parallel_loop3A_147], %parallel_loop3A_142 {strides = array<i32>} : memref<128x128xf32, #tpu.memory_space<vmem>>, vector<16xf32>,
      } {sc.loop_unroll_factor = 4 : i64, sc.parallel_access}
      %run_scoped3A_75 = arith.constant 39 : i32
      "tpu.region"() ({
        %run_scoped3A_76 = tpu.sem_alloc : memref<!tpu.dma_semaphore, #tpu.memory_space<semaphore_mem>>
        %dma_start3A_77 = arith.constant 0 : i32
        %dma_start3A_78 = tpu.memref_slice %arg9[%run_scoped3A_75, %dma_start3A_77] : memref<40x128xi32, #tpu.memory_space<vmem>> -> memref<1x128xi32, #tpu.memory_space<vmem>>
        %dma_start3A_79 = tpu.memref_squeeze %dma_start3A_78 : memref<1x128xi32, #tpu.memory_space<vmem>> -> memref<128xi32, #tpu.memory_space<vmem>>
        %dma_start3A_80 = arith.constant 0 : i32
        %dma_start3A_81 = arith.constant 0 : i32
        %dma_start3A_82 = tpu.memref_slice %arg7[%dma_start3A_80, %dma_start3A_81] : memref<10112x128xf32, #tpu.memory_space<vmem_shared>> -> memref<10112x128xf32, #tpu.memory_space<vmem_shared>>
        tpu.enqueue_indirect_dma source(%arg11 : memref<128x128xf32, #tpu.memory_space<vmem>>) target(%dma_start3A_82 : memref<10112x128xf32, #tpu.memory_space<vmem_shared>>) offsets(%dma_start3A_79 : memref<128xi32, #tpu.memory_space<vmem>>) semaphore(%run_scoped3A_76 : memref<!tpu.dma_semaphore, #tpu.memory_space<semaphore_mem>>) {add = true}
        %dma_wait3A_83 = arith.constant 0 : i32
        %dma_wait3A_84 = tpu.memref_slice %arg9[%run_scoped3A_75, %dma_wait3A_83] : memref<40x128xi32, #tpu.memory_space<vmem>> -> memref<1x128xi32, #tpu.memory_space<vmem>>
        %dma_wait3A_85 = tpu.memref_squeeze %dma_wait3A_84 : memref<1x128xi32, #tpu.memory_space<vmem>> -> memref<128xi32, #tpu.memory_space<vmem>>
        %dma_wait3A_86 = arith.constant 0 : i32
        %dma_wait3A_87 = arith.constant 0 : i32
        %dma_wait3A_88 = tpu.memref_slice %arg7[%dma_wait3A_86, %dma_wait3A_87] : memref<10112x128xf32, #tpu.memory_space<vmem_shared>> -> memref<10112x128xf32, #tpu.memory_space<vmem_shared>>
        tpu.wait_indirect_dma semaphore(%run_scoped3A_76 : memref<!tpu.dma_semaphore, #tpu.memory_space<semaphore_mem>>) src(%arg11 : memref<128x128xf32, #tpu.memory_space<vmem>>) dst(%dma_wait3A_88 : memref<10112x128xf32, #tpu.memory_space<vmem_shared>>)
        tpu.yield
      }) : () -> ()
    }
    %scan3A_9 = arith.constant 2 : i32
    %barrier3A_10 = arith.constant 0 : index
    tpu.barrier barrier_id(%barrier3A_10)
    "tpu.region"() ({
      %run_scoped3A = tpu.sem_alloc : memref<!tpu.dma_semaphore, #tpu.memory_space<semaphore_mem>>
      %dma_start3A = arith.constant 0 : i32
      %dma_start3A_11 = tpu.memref_slice %arg6[%arg0, %mul3A_4, %dma_start3A] : memref<2x10112x128xf32, #tpu.memory_space<hbm>> -> memref<1x632x128xf32, #tpu.memory_space<hbm>>
      %dma_start3A_12 = tpu.memref_squeeze %dma_start3A_11 : memref<1x632x128xf32, #tpu.memory_space<hbm>> -> memref<632x128xf32, #tpu.memory_space<hbm>>
      %dma_start3A_13 = arith.constant 0 : i32
      %dma_start3A_14 = tpu.memref_slice %arg7[%mul3A_4, %dma_start3A_13] : memref<10112x128xf32, #tpu.memory_space<vmem_shared>> -> memref<632x128xf32, #tpu.memory_space<vmem_shared>>
      tpu.enqueue_dma source(%dma_start3A_14 : memref<632x128xf32, #tpu.memory_space<vmem_shared>>) target(%dma_start3A_12 : memref<632x128xf32, #tpu.memory_space<hbm>>) target_semaphore(%run_scoped3A : memref<!tpu.dma_semaphore, #tpu.memory_space<semaphore_mem>>)
      %dma_wait3A = arith.constant 0 : i32
      %dma_wait3A_15 = tpu.memref_slice %arg6[%arg0, %mul3A_4, %dma_wait3A] : memref<2x10112x128xf32, #tpu.memory_space<hbm>> -> memref<1x632x128xf32, #tpu.memory_space<hbm>>
      %dma_wait3A_16 = tpu.memref_squeeze %dma_wait3A_15 : memref<1x632x128xf32, #tpu.memory_space<hbm>> -> memref<632x128xf32, #tpu.memory_space<hbm>>
      %dma_wait3A_17 = arith.constant 0 : i32
      %dma_wait3A_18 = tpu.memref_slice %arg7[%mul3A_4, %dma_wait3A_17] : memref<10112x128xf32, #tpu.memory_space<vmem_shared>> -> memref<632x128xf32, #tpu.memory_space<vmem_shared>>
      tpu.wait_dma2 semaphore(%run_scoped3A : memref<!tpu.dma_semaphore, #tpu.memory_space<semaphore_mem>>) src(%dma_wait3A_18 : memref<632x128xf32, #tpu.memory_space<vmem_shared>>) dst(%dma_wait3A_16 : memref<632x128xf32, #tpu.memory_space<hbm>>)
      tpu.yield
    }) : () -> ()
    return
  }
}

#map = affine_map<(d0, d1) -> (0, 0)>
#map1 = affine_map<(d0, d1) -> (0, 0, 0)>
module attributes {stable_mosaic.version = 14 : i64} {
  func.func @body(%arg0: i32, %arg1: i32, %arg2: memref<10000x64xi32, #tpu.memory_space<hbm>>, %arg3: memref<2560x128xi32, #tpu.memory_space<hbm>>, %arg4: memref<2560x128xi32, #tpu.memory_space<hbm>>, %arg5: memref<632x128xf32, #tpu.memory_space<hbm>>, %arg6: memref<2x10112x128xf32, #tpu.memory_space<hbm>>, %arg7: memref<10112x128xf32, #tpu.memory_space<vmem_shared>>, %arg8: memref<40x128xi32, #tpu.memory_space<vmem>>, %arg9: memref<40x128xi32, #tpu.memory_space<vmem>>, %arg10: memref<2x128x64xi32, #tpu.memory_space<vmem>>, %arg11: memref<128x128xf32, #tpu.memory_space<vmem>>, %arg12: memref<!tpu.dma_semaphore, #tpu.memory_space<semaphore_mem>>, %arg13: memref<!tpu.dma_semaphore, #tpu.memory_space<semaphore_mem>>) attributes {dimension_semantics = [#tpu.dimension_semantics<core_parallel>, #tpu.dimension_semantics<subcore_parallel>], iteration_bounds = array<i64: 2, 16>, scalar_prefetch = 0 : i64, scratch_operands = 7 : i64, tpu.core_type = #tpu.core_type<sc_vector_subcore>, window_params = [{transform_indices = #map}, {transform_indices = #map}, {transform_indices = #map}, {transform_indices = #map}, {transform_indices = #map1}]} {
    %mul3A = arith.constant 16 : i32
    %mul3A_0 = arith.muli %arg0, %mul3A : i32
    %add3A = arith.addi %mul3A_0, %arg1 : i32
    %mul3A_1 = arith.constant 80 : i32
    %mul3A_2 = arith.muli %add3A, %mul3A_1 : i32
    %mul3A_3 = arith.constant 632 : i32
    %mul3A_4 = arith.muli %arg1, %mul3A_3 : i32
    "tpu.region"() ({
      %run_scoped3A = tpu.sem_alloc : memref<!tpu.dma_semaphore, #tpu.memory_space<semaphore_mem>>
      %dma_start3A = arith.constant 0 : i32
      %dma_start3A_11 = tpu.memref_slice %arg7[%mul3A_4, %dma_start3A] : memref<10112x128xf32, #tpu.memory_space<vmem_shared>> -> memref<632x128xf32, #tpu.memory_space<vmem_shared>>
      tpu.enqueue_dma source(%arg5 : memref<632x128xf32, #tpu.memory_space<hbm>>) target(%dma_start3A_11 : memref<632x128xf32, #tpu.memory_space<vmem_shared>>) target_semaphore(%run_scoped3A : memref<!tpu.dma_semaphore, #tpu.memory_space<semaphore_mem>>)
      %dma_wait3A = arith.constant 0 : i32
      %dma_wait3A_12 = tpu.memref_slice %arg7[%mul3A_4, %dma_wait3A] : memref<10112x128xf32, #tpu.memory_space<vmem_shared>> -> memref<632x128xf32, #tpu.memory_space<vmem_shared>>
      tpu.wait_dma2 semaphore(%run_scoped3A : memref<!tpu.dma_semaphore, #tpu.memory_space<semaphore_mem>>) src(%arg5 : memref<632x128xf32, #tpu.memory_space<hbm>>) dst(%dma_wait3A_12 : memref<632x128xf32, #tpu.memory_space<vmem_shared>>)
      tpu.yield
    }) : () -> ()
    %barrier3A = arith.constant 0 : index
    tpu.barrier barrier_id(%barrier3A)
    %scan3A = arith.constant -65536 : i32
    %scan3A_5 = arith.constant 0 : i32
    %scan3A_6 = arith.constant 2 : i32
    %scan3A_7 = arith.addi %scan3A_5, %scan3A_6 : i32
    %scan3A_8 = arith.constant 1 : i32
    scf.for %scan3A_11 = %scan3A_5 to %scan3A_7 step %scan3A_8  : i32 {
      %mul3A_12 = arith.constant 1 : i32
      %mul3A_13 = arith.muli %scan3A_11, %mul3A_12 : i32
      %add3A_14 = arith.constant 0 : i32
      %add3A_15 = arith.addi %add3A_14, %mul3A_13 : i32
      %mul3A_16 = arith.constant 40 : i32
      %mul3A_17 = arith.muli %add3A_15, %mul3A_16 : i32
      %add3A_18 = arith.addi %mul3A_2, %mul3A_17 : i32
      "tpu.region"() ({
        %run_scoped3A_76 = tpu.sem_alloc : memref<!tpu.dma_semaphore, #tpu.memory_space<semaphore_mem>>
        %dma_start3A_77 = arith.constant 0 : i32
        %dma_start3A_78 = tpu.memref_slice %arg3[%add3A_18, %dma_start3A_77] : memref<2560x128xi32, #tpu.memory_space<hbm>> -> memref<40x128xi32, #tpu.memory_space<hbm>>
        %dma_start3A_79 = arith.constant 0 : i32
        %dma_start3A_80 = tpu.memref_slice %arg3[%add3A_18, %dma_start3A_79] : memref<2560x128xi32, #tpu.memory_space<hbm>> -> memref<40x128xi32, #tpu.memory_space<hbm>>
        tpu.enqueue_dma source(%dma_start3A_80 : memref<40x128xi32, #tpu.memory_space<hbm>>) target(%arg8 : memref<40x128xi32, #tpu.memory_space<vmem>>) target_semaphore(%run_scoped3A_76 : memref<!tpu.dma_semaphore, #tpu.memory_space<semaphore_mem>>)
        %dma_wait3A_81 = arith.constant 0 : i32
        %dma_wait3A_82 = tpu.memref_slice %arg3[%add3A_18, %dma_wait3A_81] : memref<2560x128xi32, #tpu.memory_space<hbm>> -> memref<40x128xi32, #tpu.memory_space<hbm>>
        %dma_wait3A_83 = arith.constant 0 : i32
        %dma_wait3A_84 = tpu.memref_slice %arg3[%add3A_18, %dma_wait3A_83] : memref<2560x128xi32, #tpu.memory_space<hbm>> -> memref<40x128xi32, #tpu.memory_space<hbm>>
        tpu.wait_dma2 semaphore(%run_scoped3A_76 : memref<!tpu.dma_semaphore, #tpu.memory_space<semaphore_mem>>) src(%dma_wait3A_84 : memref<40x128xi32, #tpu.memory_space<hbm>>) dst(%arg8 : memref<40x128xi32, #tpu.memory_space<vmem>>)
        tpu.yield
      }) : () -> ()
      "tpu.region"() ({
        %run_scoped3A_76 = tpu.sem_alloc : memref<!tpu.dma_semaphore, #tpu.memory_space<semaphore_mem>>
        %dma_start3A_77 = arith.constant 0 : i32
        %dma_start3A_78 = tpu.memref_slice %arg4[%add3A_18, %dma_start3A_77] : memref<2560x128xi32, #tpu.memory_space<hbm>> -> memref<40x128xi32, #tpu.memory_space<hbm>>
        %dma_start3A_79 = arith.constant 0 : i32
        %dma_start3A_80 = tpu.memref_slice %arg4[%add3A_18, %dma_start3A_79] : memref<2560x128xi32, #tpu.memory_space<hbm>> -> memref<40x128xi32, #tpu.memory_space<hbm>>
        tpu.enqueue_dma source(%dma_start3A_80 : memref<40x128xi32, #tpu.memory_space<hbm>>) target(%arg9 : memref<40x128xi32, #tpu.memory_space<vmem>>) target_semaphore(%run_scoped3A_76 : memref<!tpu.dma_semaphore, #tpu.memory_space<semaphore_mem>>)
        %dma_wait3A_81 = arith.constant 0 : i32
        %dma_wait3A_82 = tpu.memref_slice %arg4[%add3A_18, %dma_wait3A_81] : memref<2560x128xi32, #tpu.memory_space<hbm>> -> memref<40x128xi32, #tpu.memory_space<hbm>>
        %dma_wait3A_83 = arith.constant 0 : i32
        %dma_wait3A_84 = tpu.memref_slice %arg4[%add3A_18, %dma_wait3A_83] : memref<2560x128xi32, #tpu.memory_space<hbm>> -> memref<40x128xi32, #tpu.memory_space<hbm>>
        tpu.wait_dma2 semaphore(%run_scoped3A_76 : memref<!tpu.dma_semaphore, #tpu.memory_space<semaphore_mem>>) src(%dma_wait3A_84 : memref<40x128xi32, #tpu.memory_space<hbm>>) dst(%arg9 : memref<40x128xi32, #tpu.memory_space<vmem>>)
        tpu.yield
      }) : () -> ()
      %dma_start3A = arith.constant 0 : i32
      %dma_start3A_19 = arith.constant 0 : i32
      %dma_start3A_20 = arith.constant 0 : i32
      %dma_start3A_21 = arith.constant 0 : i32
      %dma_start3A_22 = tpu.memref_slice %arg10[%dma_start3A_19, %dma_start3A_20, %dma_start3A_21] : memref<2x128x64xi32, #tpu.memory_space<vmem>> -> memref<1x128x64xi32, #tpu.memory_space<vmem>>
      %dma_start3A_23 = tpu.memref_squeeze %dma_start3A_22 : memref<1x128x64xi32, #tpu.memory_space<vmem>> -> memref<128x64xi32, #tpu.memory_space<vmem>>
      %dma_start3A_24 = arith.constant 0 : i32
      %dma_start3A_25 = tpu.memref_slice %arg8[%dma_start3A, %dma_start3A_24] : memref<40x128xi32, #tpu.memory_space<vmem>> -> memref<1x128xi32, #tpu.memory_space<vmem>>
      %dma_start3A_26 = tpu.memref_squeeze %dma_start3A_25 : memref<1x128xi32, #tpu.memory_space<vmem>> -> memref<128xi32, #tpu.memory_space<vmem>>
      %dma_start3A_27 = arith.constant 0 : i32
      %dma_start3A_28 = arith.constant 0 : i32
      %dma_start3A_29 = tpu.memref_slice %arg2[%dma_start3A_27, %dma_start3A_28] : memref<10000x64xi32, #tpu.memory_space<hbm>> -> memref<10000x64xi32, #tpu.memory_space<hbm>>
      tpu.enqueue_indirect_dma source(%dma_start3A_29 : memref<10000x64xi32, #tpu.memory_space<hbm>>) target(%dma_start3A_23 : memref<128x64xi32, #tpu.memory_space<vmem>>) offsets(%dma_start3A_26 : memref<128xi32, #tpu.memory_space<vmem>>) semaphore(%arg12 : memref<!tpu.dma_semaphore, #tpu.memory_space<semaphore_mem>>)
      %dma_start3A_30 = arith.constant 1 : i32
      %dma_start3A_31 = arith.constant 1 : i32
      %dma_start3A_32 = arith.constant 0 : i32
      %dma_start3A_33 = arith.constant 0 : i32
      %dma_start3A_34 = tpu.memref_slice %arg10[%dma_start3A_31, %dma_start3A_32, %dma_start3A_33] : memref<2x128x64xi32, #tpu.memory_space<vmem>> -> memref<1x128x64xi32, #tpu.memory_space<vmem>>
      %dma_start3A_35 = tpu.memref_squeeze %dma_start3A_34 : memref<1x128x64xi32, #tpu.memory_space<vmem>> -> memref<128x64xi32, #tpu.memory_space<vmem>>
      %dma_start3A_36 = arith.constant 0 : i32
      %dma_start3A_37 = tpu.memref_slice %arg8[%dma_start3A_30, %dma_start3A_36] : memref<40x128xi32, #tpu.memory_space<vmem>> -> memref<1x128xi32, #tpu.memory_space<vmem>>
      %dma_start3A_38 = tpu.memref_squeeze %dma_start3A_37 : memref<1x128xi32, #tpu.memory_space<vmem>> -> memref<128xi32, #tpu.memory_space<vmem>>
      %dma_start3A_39 = arith.constant 0 : i32
      %dma_start3A_40 = arith.constant 0 : i32
      %dma_start3A_41 = tpu.memref_slice %arg2[%dma_start3A_39, %dma_start3A_40] : memref<10000x64xi32, #tpu.memory_space<hbm>> -> memref<10000x64xi32, #tpu.memory_space<hbm>>
      tpu.enqueue_indirect_dma source(%dma_start3A_41 : memref<10000x64xi32, #tpu.memory_space<hbm>>) target(%dma_start3A_35 : memref<128x64xi32, #tpu.memory_space<vmem>>) offsets(%dma_start3A_38 : memref<128xi32, #tpu.memory_space<vmem>>) semaphore(%arg13 : memref<!tpu.dma_semaphore, #tpu.memory_space<semaphore_mem>>)
      %scan3A_42 = arith.constant 0 : i32
      %scan3A_43 = arith.constant 19 : i32
      %scan3A_44 = arith.addi %scan3A_42, %scan3A_43 : i32
      %scan3A_45 = arith.constant 1 : i32
      scf.for %scan3A_76 = %scan3A_42 to %scan3A_44 step %scan3A_45  : i32 {
        %mul3A_77 = arith.constant 2 : i32
        %mul3A_78 = arith.muli %scan3A_76, %mul3A_77 : i32
        %add3A_79 = arith.constant 0 : i32
        %add3A_80 = arith.addi %add3A_79, %mul3A_78 : i32
        %dma_wait3A_81 = arith.constant 0 : i32
        %dma_wait3A_82 = arith.constant 0 : i32
        %dma_wait3A_83 = arith.constant 0 : i32
        %dma_wait3A_84 = tpu.memref_slice %arg10[%dma_wait3A_81, %dma_wait3A_82, %dma_wait3A_83] : memref<2x128x64xi32, #tpu.memory_space<vmem>> -> memref<1x128x64xi32, #tpu.memory_space<vmem>>
        %dma_wait3A_85 = tpu.memref_squeeze %dma_wait3A_84 : memref<1x128x64xi32, #tpu.memory_space<vmem>> -> memref<128x64xi32, #tpu.memory_space<vmem>>
        %dma_wait3A_86 = arith.constant 0 : i32
        %dma_wait3A_87 = tpu.memref_slice %arg8[%add3A_80, %dma_wait3A_86] : memref<40x128xi32, #tpu.memory_space<vmem>> -> memref<1x128xi32, #tpu.memory_space<vmem>>
        %dma_wait3A_88 = tpu.memref_squeeze %dma_wait3A_87 : memref<1x128xi32, #tpu.memory_space<vmem>> -> memref<128xi32, #tpu.memory_space<vmem>>
        %dma_wait3A_89 = arith.constant 0 : i32
        %dma_wait3A_90 = arith.constant 0 : i32
        %dma_wait3A_91 = tpu.memref_slice %arg2[%dma_wait3A_89, %dma_wait3A_90] : memref<10000x64xi32, #tpu.memory_space<hbm>> -> memref<10000x64xi32, #tpu.memory_space<hbm>>
        tpu.wait_indirect_dma semaphore(%arg12 : memref<!tpu.dma_semaphore, #tpu.memory_space<semaphore_mem>>) src(%dma_wait3A_91 : memref<10000x64xi32, #tpu.memory_space<hbm>>) dst(%dma_wait3A_85 : memref<128x64xi32, #tpu.memory_space<vmem>>)
        %parallel_loop3A_92 = arith.constant 0 : i32
        %parallel_loop3A_93 = arith.constant 128 : i32
        %parallel_loop3A_94 = arith.constant 1 : i32
        scf.for %parallel_loop3A_137 = %parallel_loop3A_92 to %parallel_loop3A_93 step %parallel_loop3A_94  : i32 {
          %parallel_loop3A_138 = arith.constant 0 : i32
          %parallel_loop3A_139 = arith.index_cast %parallel_loop3A_138 : i32 to index
          %parallel_loop3A_140 = arith.index_cast %parallel_loop3A_137 : i32 to index
          %parallel_loop3A_141 = arith.constant 0 : index
          %parallel_loop3A_142 = tpu.vector_load %arg10[%parallel_loop3A_139, %parallel_loop3A_140, %parallel_loop3A_141] {strides = array<i32>} : memref<2x128x64xi32, #tpu.memory_space<vmem>>, vector<16xi32>,
          %parallel_loop3A_143 = arith.constant 16 : i32
          %parallel_loop3A_144 = vector.broadcast %parallel_loop3A_143 : i32 to vector<16xi32>
          %parallel_loop3A_145 = arith.shli %parallel_loop3A_142, %parallel_loop3A_144 : vector<16xi32>
          %parallel_loop3A_146 = vector.bitcast %parallel_loop3A_145 : vector<16xi32> to vector<16xf32>
          %parallel_loop3A_147 = vector.broadcast %scan3A : i32 to vector<16xi32>
          %parallel_loop3A_148 = arith.andi %parallel_loop3A_142, %parallel_loop3A_147 : vector<16xi32>
          %parallel_loop3A_149 = vector.bitcast %parallel_loop3A_148 : vector<16xi32> to vector<16xf32>
          %parallel_loop3A_150 = arith.index_cast %parallel_loop3A_137 : i32 to index
          %parallel_loop3A_151 = arith.constant 0 : index
          %parallel_loop3A_152 = tpu.vector_load %arg11[%parallel_loop3A_150, %parallel_loop3A_151] {strides = array<i32>} : memref<128x128xf32, #tpu.memory_space<vmem>>, vector<16xf32>,
          tpu.vector_store %arg11[%parallel_loop3A_150, %parallel_loop3A_151], %parallel_loop3A_146 {strides = array<i32>} : memref<128x128xf32, #tpu.memory_space<vmem>>, vector<16xf32>,
          %parallel_loop3A_153 = arith.index_cast %parallel_loop3A_137 : i32 to index
          %parallel_loop3A_154 = arith.constant 64 : index
          %parallel_loop3A_155 = tpu.vector_load %arg11[%parallel_loop3A_153, %parallel_loop3A_154] {strides = array<i32>} : memref<128x128xf32, #tpu.memory_space<vmem>>, vector<16xf32>,
          tpu.vector_store %arg11[%parallel_loop3A_153, %parallel_loop3A_154], %parallel_loop3A_149 {strides = array<i32>} : memref<128x128xf32, #tpu.memory_space<vmem>>, vector<16xf32>,
          %parallel_loop3A_156 = arith.constant 0 : i32
          %parallel_loop3A_157 = arith.index_cast %parallel_loop3A_156 : i32 to index
          %parallel_loop3A_158 = arith.index_cast %parallel_loop3A_137 : i32 to index
          %parallel_loop3A_159 = arith.constant 16 : index
          %parallel_loop3A_160 = tpu.vector_load %arg10[%parallel_loop3A_157, %parallel_loop3A_158, %parallel_loop3A_159] {strides = array<i32>} : memref<2x128x64xi32, #tpu.memory_space<vmem>>, vector<16xi32>,
          %parallel_loop3A_161 = arith.constant 16 : i32
          %parallel_loop3A_162 = vector.broadcast %parallel_loop3A_161 : i32 to vector<16xi32>
          %parallel_loop3A_163 = arith.shli %parallel_loop3A_160, %parallel_loop3A_162 : vector<16xi32>
          %parallel_loop3A_164 = vector.bitcast %parallel_loop3A_163 : vector<16xi32> to vector<16xf32>
          %parallel_loop3A_165 = vector.broadcast %scan3A : i32 to vector<16xi32>
          %parallel_loop3A_166 = arith.andi %parallel_loop3A_160, %parallel_loop3A_165 : vector<16xi32>
          %parallel_loop3A_167 = vector.bitcast %parallel_loop3A_166 : vector<16xi32> to vector<16xf32>
          %parallel_loop3A_168 = arith.index_cast %parallel_loop3A_137 : i32 to index
          %parallel_loop3A_169 = arith.constant 16 : index
          %parallel_loop3A_170 = tpu.vector_load %arg11[%parallel_loop3A_168, %parallel_loop3A_169] {strides = array<i32>} : memref<128x128xf32, #tpu.memory_space<vmem>>, vector<16xf32>,
          tpu.vector_store %arg11[%parallel_loop3A_168, %parallel_loop3A_169], %parallel_loop3A_164 {strides = array<i32>} : memref<128x128xf32, #tpu.memory_space<vmem>>, vector<16xf32>,
          %parallel_loop3A_171 = arith.index_cast %parallel_loop3A_137 : i32 to index
          %parallel_loop3A_172 = arith.constant 80 : index
          %parallel_loop3A_173 = tpu.vector_load %arg11[%parallel_loop3A_171, %parallel_loop3A_172] {strides = array<i32>} : memref<128x128xf32, #tpu.memory_space<vmem>>, vector<16xf32>,
          tpu.vector_store %arg11[%parallel_loop3A_171, %parallel_loop3A_172], %parallel_loop3A_167 {strides = array<i32>} : memref<128x128xf32, #tpu.memory_space<vmem>>, vector<16xf32>,
          %parallel_loop3A_174 = arith.constant 0 : i32
          %parallel_loop3A_175 = arith.index_cast %parallel_loop3A_174 : i32 to index
          %parallel_loop3A_176 = arith.index_cast %parallel_loop3A_137 : i32 to index
          %parallel_loop3A_177 = arith.constant 32 : index
          %parallel_loop3A_178 = tpu.vector_load %arg10[%parallel_loop3A_175, %parallel_loop3A_176, %parallel_loop3A_177] {strides = array<i32>} : memref<2x128x64xi32, #tpu.memory_space<vmem>>, vector<16xi32>,
          %parallel_loop3A_179 = arith.constant 16 : i32
          %parallel_loop3A_180 = vector.broadcast %parallel_loop3A_179 : i32 to vector<16xi32>
          %parallel_loop3A_181 = arith.shli %parallel_loop3A_178, %parallel_loop3A_180 : vector<16xi32>
          %parallel_loop3A_182 = vector.bitcast %parallel_loop3A_181 : vector<16xi32> to vector<16xf32>
          %parallel_loop3A_183 = vector.broadcast %scan3A : i32 to vector<16xi32>
          %parallel_loop3A_184 = arith.andi %parallel_loop3A_178, %parallel_loop3A_183 : vector<16xi32>
          %parallel_loop3A_185 = vector.bitcast %parallel_loop3A_184 : vector<16xi32> to vector<16xf32>
          %parallel_loop3A_186 = arith.index_cast %parallel_loop3A_137 : i32 to index
          %parallel_loop3A_187 = arith.constant 32 : index
          %parallel_loop3A_188 = tpu.vector_load %arg11[%parallel_loop3A_186, %parallel_loop3A_187] {strides = array<i32>} : memref<128x128xf32, #tpu.memory_space<vmem>>, vector<16xf32>,
          tpu.vector_store %arg11[%parallel_loop3A_186, %parallel_loop3A_187], %parallel_loop3A_182 {strides = array<i32>} : memref<128x128xf32, #tpu.memory_space<vmem>>, vector<16xf32>,
          %parallel_loop3A_189 = arith.index_cast %parallel_loop3A_137 : i32 to index
          %parallel_loop3A_190 = arith.constant 96 : index
          %parallel_loop3A_191 = tpu.vector_load %arg11[%parallel_loop3A_189, %parallel_loop3A_190] {strides = array<i32>} : memref<128x128xf32, #tpu.memory_space<vmem>>, vector<16xf32>,
          tpu.vector_store %arg11[%parallel_loop3A_189, %parallel_loop3A_190], %parallel_loop3A_185 {strides = array<i32>} : memref<128x128xf32, #tpu.memory_space<vmem>>, vector<16xf32>,
          %parallel_loop3A_192 = arith.constant 0 : i32
          %parallel_loop3A_193 = arith.index_cast %parallel_loop3A_192 : i32 to index
          %parallel_loop3A_194 = arith.index_cast %parallel_loop3A_137 : i32 to index
          %parallel_loop3A_195 = arith.constant 48 : index
          %parallel_loop3A_196 = tpu.vector_load %arg10[%parallel_loop3A_193, %parallel_loop3A_194, %parallel_loop3A_195] {strides = array<i32>} : memref<2x128x64xi32, #tpu.memory_space<vmem>>, vector<16xi32>,
          %parallel_loop3A_197 = arith.constant 16 : i32
          %parallel_loop3A_198 = vector.broadcast %parallel_loop3A_197 : i32 to vector<16xi32>
          %parallel_loop3A_199 = arith.shli %parallel_loop3A_196, %parallel_loop3A_198 : vector<16xi32>
          %parallel_loop3A_200 = vector.bitcast %parallel_loop3A_199 : vector<16xi32> to vector<16xf32>
          %parallel_loop3A_201 = vector.broadcast %scan3A : i32 to vector<16xi32>
          %parallel_loop3A_202 = arith.andi %parallel_loop3A_196, %parallel_loop3A_201 : vector<16xi32>
          %parallel_loop3A_203 = vector.bitcast %parallel_loop3A_202 : vector<16xi32> to vector<16xf32>
          %parallel_loop3A_204 = arith.index_cast %parallel_loop3A_137 : i32 to index
          %parallel_loop3A_205 = arith.constant 48 : index
          %parallel_loop3A_206 = tpu.vector_load %arg11[%parallel_loop3A_204, %parallel_loop3A_205] {strides = array<i32>} : memref<128x128xf32, #tpu.memory_space<vmem>>, vector<16xf32>,
          tpu.vector_store %arg11[%parallel_loop3A_204, %parallel_loop3A_205], %parallel_loop3A_200 {strides = array<i32>} : memref<128x128xf32, #tpu.memory_space<vmem>>, vector<16xf32>,
          %parallel_loop3A_207 = arith.index_cast %parallel_loop3A_137 : i32 to index
          %parallel_loop3A_208 = arith.constant 112 : index
          %parallel_loop3A_209 = tpu.vector_load %arg11[%parallel_loop3A_207, %parallel_loop3A_208] {strides = array<i32>} : memref<128x128xf32, #tpu.memory_space<vmem>>, vector<16xf32>,
          tpu.vector_store %arg11[%parallel_loop3A_207, %parallel_loop3A_208], %parallel_loop3A_203 {strides = array<i32>} : memref<128x128xf32, #tpu.memory_space<vmem>>, vector<16xf32>,
        } {sc.loop_unroll_factor = 4 : i64, sc.parallel_access}
        "tpu.region"() ({
          %run_scoped3A_137 = tpu.sem_alloc : memref<!tpu.dma_semaphore, #tpu.memory_space<semaphore_mem>>
          %dma_start3A_138 = arith.constant 0 : i32
          %dma_start3A_139 = tpu.memref_slice %arg9[%add3A_80, %dma_start3A_138] : memref<40x128xi32, #tpu.memory_space<vmem>> -> memref<1x128xi32, #tpu.memory_space<vmem>>
          %dma_start3A_140 = tpu.memref_squeeze %dma_start3A_139 : memref<1x128xi32, #tpu.memory_space<vmem>> -> memref<128xi32, #tpu.memory_space<vmem>>
          %dma_start3A_141 = arith.constant 0 : i32
          %dma_start3A_142 = arith.constant 0 : i32
          %dma_start3A_143 = tpu.memref_slice %arg7[%dma_start3A_141, %dma_start3A_142] : memref<10112x128xf32, #tpu.memory_space<vmem_shared>> -> memref<10112x128xf32, #tpu.memory_space<vmem_shared>>
          tpu.enqueue_indirect_dma source(%arg11 : memref<128x128xf32, #tpu.memory_space<vmem>>) target(%dma_start3A_143 : memref<10112x128xf32, #tpu.memory_space<vmem_shared>>) offsets(%dma_start3A_140 : memref<128xi32, #tpu.memory_space<vmem>>) semaphore(%run_scoped3A_137 : memref<!tpu.dma_semaphore, #tpu.memory_space<semaphore_mem>>) {add = true}
          %dma_wait3A_144 = arith.constant 0 : i32
          %dma_wait3A_145 = tpu.memref_slice %arg9[%add3A_80, %dma_wait3A_144] : memref<40x128xi32, #tpu.memory_space<vmem>> -> memref<1x128xi32, #tpu.memory_space<vmem>>
          %dma_wait3A_146 = tpu.memref_squeeze %dma_wait3A_145 : memref<1x128xi32, #tpu.memory_space<vmem>> -> memref<128xi32, #tpu.memory_space<vmem>>
          %dma_wait3A_147 = arith.constant 0 : i32
          %dma_wait3A_148 = arith.constant 0 : i32
          %dma_wait3A_149 = tpu.memref_slice %arg7[%dma_wait3A_147, %dma_wait3A_148] : memref<10112x128xf32, #tpu.memory_space<vmem_shared>> -> memref<10112x128xf32, #tpu.memory_space<vmem_shared>>
          tpu.wait_indirect_dma semaphore(%run_scoped3A_137 : memref<!tpu.dma_semaphore, #tpu.memory_space<semaphore_mem>>) src(%arg11 : memref<128x128xf32, #tpu.memory_space<vmem>>) dst(%dma_wait3A_149 : memref<10112x128xf32, #tpu.memory_space<vmem_shared>>)
          tpu.yield
        }) : () -> ()
        %add3A_95 = arith.constant 2 : i32
        %add3A_96 = arith.addi %add3A_80, %add3A_95 : i32
        %dma_start3A_97 = arith.constant 0 : i32
        %dma_start3A_98 = arith.constant 0 : i32
        %dma_start3A_99 = arith.constant 0 : i32
        %dma_start3A_100 = tpu.memref_slice %arg10[%dma_start3A_97, %dma_start3A_98, %dma_start3A_99] : memref<2x128x64xi32, #tpu.memory_space<vmem>> -> memref<1x128x64xi32, #tpu.memory_space<vmem>>
        %dma_start3A_101 = tpu.memref_squeeze %dma_start3A_100 : memref<1x128x64xi32, #tpu.memory_space<vmem>> -> memref<128x64xi32, #tpu.memory_space<vmem>>
        %dma_start3A_102 = arith.constant 0 : i32
        %dma_start3A_103 = tpu.memref_slice %arg8[%add3A_96, %dma_start3A_102] : memref<40x128xi32, #tpu.memory_space<vmem>> -> memref<1x128xi32, #tpu.memory_space<vmem>>
        %dma_start3A_104 = tpu.memref_squeeze %dma_start3A_103 : memref<1x128xi32, #tpu.memory_space<vmem>> -> memref<128xi32, #tpu.memory_space<vmem>>
        %dma_start3A_105 = arith.constant 0 : i32
        %dma_start3A_106 = arith.constant 0 : i32
        %dma_start3A_107 = tpu.memref_slice %arg2[%dma_start3A_105, %dma_start3A_106] : memref<10000x64xi32, #tpu.memory_space<hbm>> -> memref<10000x64xi32, #tpu.memory_space<hbm>>
        tpu.enqueue_indirect_dma source(%dma_start3A_107 : memref<10000x64xi32, #tpu.memory_space<hbm>>) target(%dma_start3A_101 : memref<128x64xi32, #tpu.memory_space<vmem>>) offsets(%dma_start3A_104 : memref<128xi32, #tpu.memory_space<vmem>>) semaphore(%arg12 : memref<!tpu.dma_semaphore, #tpu.memory_space<semaphore_mem>>)
        %add3A_108 = arith.constant 1 : i32
        %add3A_109 = arith.addi %add3A_80, %add3A_108 : i32
        %dma_wait3A_110 = arith.constant 1 : i32
        %dma_wait3A_111 = arith.constant 0 : i32
        %dma_wait3A_112 = arith.constant 0 : i32
        %dma_wait3A_113 = tpu.memref_slice %arg10[%dma_wait3A_110, %dma_wait3A_111, %dma_wait3A_112] : memref<2x128x64xi32, #tpu.memory_space<vmem>> -> memref<1x128x64xi32, #tpu.memory_space<vmem>>
        %dma_wait3A_114 = tpu.memref_squeeze %dma_wait3A_113 : memref<1x128x64xi32, #tpu.memory_space<vmem>> -> memref<128x64xi32, #tpu.memory_space<vmem>>
        %dma_wait3A_115 = arith.constant 0 : i32
        %dma_wait3A_116 = tpu.memref_slice %arg8[%add3A_109, %dma_wait3A_115] : memref<40x128xi32, #tpu.memory_space<vmem>> -> memref<1x128xi32, #tpu.memory_space<vmem>>
        %dma_wait3A_117 = tpu.memref_squeeze %dma_wait3A_116 : memref<1x128xi32, #tpu.memory_space<vmem>> -> memref<128xi32, #tpu.memory_space<vmem>>
        %dma_wait3A_118 = arith.constant 0 : i32
        %dma_wait3A_119 = arith.constant 0 : i32
        %dma_wait3A_120 = tpu.memref_slice %arg2[%dma_wait3A_118, %dma_wait3A_119] : memref<10000x64xi32, #tpu.memory_space<hbm>> -> memref<10000x64xi32, #tpu.memory_space<hbm>>
        tpu.wait_indirect_dma semaphore(%arg13 : memref<!tpu.dma_semaphore, #tpu.memory_space<semaphore_mem>>) src(%dma_wait3A_120 : memref<10000x64xi32, #tpu.memory_space<hbm>>) dst(%dma_wait3A_114 : memref<128x64xi32, #tpu.memory_space<vmem>>)
        %parallel_loop3A_121 = arith.constant 0 : i32
        %parallel_loop3A_122 = arith.constant 128 : i32
        %parallel_loop3A_123 = arith.constant 1 : i32
        scf.for %parallel_loop3A_137 = %parallel_loop3A_121 to %parallel_loop3A_122 step %parallel_loop3A_123  : i32 {
          %parallel_loop3A_138 = arith.constant 1 : i32
          %parallel_loop3A_139 = arith.index_cast %parallel_loop3A_138 : i32 to index
          %parallel_loop3A_140 = arith.index_cast %parallel_loop3A_137 : i32 to index
          %parallel_loop3A_141 = arith.constant 0 : index
          %parallel_loop3A_142 = tpu.vector_load %arg10[%parallel_loop3A_139, %parallel_loop3A_140, %parallel_loop3A_141] {strides = array<i32>} : memref<2x128x64xi32, #tpu.memory_space<vmem>>, vector<16xi32>,
          %parallel_loop3A_143 = arith.constant 16 : i32
          %parallel_loop3A_144 = vector.broadcast %parallel_loop3A_143 : i32 to vector<16xi32>
          %parallel_loop3A_145 = arith.shli %parallel_loop3A_142, %parallel_loop3A_144 : vector<16xi32>
          %parallel_loop3A_146 = vector.bitcast %parallel_loop3A_145 : vector<16xi32> to vector<16xf32>
          %parallel_loop3A_147 = vector.broadcast %scan3A : i32 to vector<16xi32>
          %parallel_loop3A_148 = arith.andi %parallel_loop3A_142, %parallel_loop3A_147 : vector<16xi32>
          %parallel_loop3A_149 = vector.bitcast %parallel_loop3A_148 : vector<16xi32> to vector<16xf32>
          %parallel_loop3A_150 = arith.index_cast %parallel_loop3A_137 : i32 to index
          %parallel_loop3A_151 = arith.constant 0 : index
          %parallel_loop3A_152 = tpu.vector_load %arg11[%parallel_loop3A_150, %parallel_loop3A_151] {strides = array<i32>} : memref<128x128xf32, #tpu.memory_space<vmem>>, vector<16xf32>,
          tpu.vector_store %arg11[%parallel_loop3A_150, %parallel_loop3A_151], %parallel_loop3A_146 {strides = array<i32>} : memref<128x128xf32, #tpu.memory_space<vmem>>, vector<16xf32>,
          %parallel_loop3A_153 = arith.index_cast %parallel_loop3A_137 : i32 to index
          %parallel_loop3A_154 = arith.constant 64 : index
          %parallel_loop3A_155 = tpu.vector_load %arg11[%parallel_loop3A_153, %parallel_loop3A_154] {strides = array<i32>} : memref<128x128xf32, #tpu.memory_space<vmem>>, vector<16xf32>,
          tpu.vector_store %arg11[%parallel_loop3A_153, %parallel_loop3A_154], %parallel_loop3A_149 {strides = array<i32>} : memref<128x128xf32, #tpu.memory_space<vmem>>, vector<16xf32>,
          %parallel_loop3A_156 = arith.constant 1 : i32
          %parallel_loop3A_157 = arith.index_cast %parallel_loop3A_156 : i32 to index
          %parallel_loop3A_158 = arith.index_cast %parallel_loop3A_137 : i32 to index
          %parallel_loop3A_159 = arith.constant 16 : index
          %parallel_loop3A_160 = tpu.vector_load %arg10[%parallel_loop3A_157, %parallel_loop3A_158, %parallel_loop3A_159] {strides = array<i32>} : memref<2x128x64xi32, #tpu.memory_space<vmem>>, vector<16xi32>,
          %parallel_loop3A_161 = arith.constant 16 : i32
          %parallel_loop3A_162 = vector.broadcast %parallel_loop3A_161 : i32 to vector<16xi32>
          %parallel_loop3A_163 = arith.shli %parallel_loop3A_160, %parallel_loop3A_162 : vector<16xi32>
          %parallel_loop3A_164 = vector.bitcast %parallel_loop3A_163 : vector<16xi32> to vector<16xf32>
          %parallel_loop3A_165 = vector.broadcast %scan3A : i32 to vector<16xi32>
          %parallel_loop3A_166 = arith.andi %parallel_loop3A_160, %parallel_loop3A_165 : vector<16xi32>
          %parallel_loop3A_167 = vector.bitcast %parallel_loop3A_166 : vector<16xi32> to vector<16xf32>
          %parallel_loop3A_168 = arith.index_cast %parallel_loop3A_137 : i32 to index
          %parallel_loop3A_169 = arith.constant 16 : index
          %parallel_loop3A_170 = tpu.vector_load %arg11[%parallel_loop3A_168, %parallel_loop3A_169] {strides = array<i32>} : memref<128x128xf32, #tpu.memory_space<vmem>>, vector<16xf32>,
          tpu.vector_store %arg11[%parallel_loop3A_168, %parallel_loop3A_169], %parallel_loop3A_164 {strides = array<i32>} : memref<128x128xf32, #tpu.memory_space<vmem>>, vector<16xf32>,
          %parallel_loop3A_171 = arith.index_cast %parallel_loop3A_137 : i32 to index
          %parallel_loop3A_172 = arith.constant 80 : index
          %parallel_loop3A_173 = tpu.vector_load %arg11[%parallel_loop3A_171, %parallel_loop3A_172] {strides = array<i32>} : memref<128x128xf32, #tpu.memory_space<vmem>>, vector<16xf32>,
          tpu.vector_store %arg11[%parallel_loop3A_171, %parallel_loop3A_172], %parallel_loop3A_167 {strides = array<i32>} : memref<128x128xf32, #tpu.memory_space<vmem>>, vector<16xf32>,
          %parallel_loop3A_174 = arith.constant 1 : i32
          %parallel_loop3A_175 = arith.index_cast %parallel_loop3A_174 : i32 to index
          %parallel_loop3A_176 = arith.index_cast %parallel_loop3A_137 : i32 to index
          %parallel_loop3A_177 = arith.constant 32 : index
          %parallel_loop3A_178 = tpu.vector_load %arg10[%parallel_loop3A_175, %parallel_loop3A_176, %parallel_loop3A_177] {strides = array<i32>} : memref<2x128x64xi32, #tpu.memory_space<vmem>>, vector<16xi32>,
          %parallel_loop3A_179 = arith.constant 16 : i32
          %parallel_loop3A_180 = vector.broadcast %parallel_loop3A_179 : i32 to vector<16xi32>
          %parallel_loop3A_181 = arith.shli %parallel_loop3A_178, %parallel_loop3A_180 : vector<16xi32>
          %parallel_loop3A_182 = vector.bitcast %parallel_loop3A_181 : vector<16xi32> to vector<16xf32>
          %parallel_loop3A_183 = vector.broadcast %scan3A : i32 to vector<16xi32>
          %parallel_loop3A_184 = arith.andi %parallel_loop3A_178, %parallel_loop3A_183 : vector<16xi32>
          %parallel_loop3A_185 = vector.bitcast %parallel_loop3A_184 : vector<16xi32> to vector<16xf32>
          %parallel_loop3A_186 = arith.index_cast %parallel_loop3A_137 : i32 to index
          %parallel_loop3A_187 = arith.constant 32 : index
          %parallel_loop3A_188 = tpu.vector_load %arg11[%parallel_loop3A_186, %parallel_loop3A_187] {strides = array<i32>} : memref<128x128xf32, #tpu.memory_space<vmem>>, vector<16xf32>,
          tpu.vector_store %arg11[%parallel_loop3A_186, %parallel_loop3A_187], %parallel_loop3A_182 {strides = array<i32>} : memref<128x128xf32, #tpu.memory_space<vmem>>, vector<16xf32>,
          %parallel_loop3A_189 = arith.index_cast %parallel_loop3A_137 : i32 to index
          %parallel_loop3A_190 = arith.constant 96 : index
          %parallel_loop3A_191 = tpu.vector_load %arg11[%parallel_loop3A_189, %parallel_loop3A_190] {strides = array<i32>} : memref<128x128xf32, #tpu.memory_space<vmem>>, vector<16xf32>,
          tpu.vector_store %arg11[%parallel_loop3A_189, %parallel_loop3A_190], %parallel_loop3A_185 {strides = array<i32>} : memref<128x128xf32, #tpu.memory_space<vmem>>, vector<16xf32>,
          %parallel_loop3A_192 = arith.constant 1 : i32
          %parallel_loop3A_193 = arith.index_cast %parallel_loop3A_192 : i32 to index
          %parallel_loop3A_194 = arith.index_cast %parallel_loop3A_137 : i32 to index
          %parallel_loop3A_195 = arith.constant 48 : index
          %parallel_loop3A_196 = tpu.vector_load %arg10[%parallel_loop3A_193, %parallel_loop3A_194, %parallel_loop3A_195] {strides = array<i32>} : memref<2x128x64xi32, #tpu.memory_space<vmem>>, vector<16xi32>,
          %parallel_loop3A_197 = arith.constant 16 : i32
          %parallel_loop3A_198 = vector.broadcast %parallel_loop3A_197 : i32 to vector<16xi32>
          %parallel_loop3A_199 = arith.shli %parallel_loop3A_196, %parallel_loop3A_198 : vector<16xi32>
          %parallel_loop3A_200 = vector.bitcast %parallel_loop3A_199 : vector<16xi32> to vector<16xf32>
          %parallel_loop3A_201 = vector.broadcast %scan3A : i32 to vector<16xi32>
          %parallel_loop3A_202 = arith.andi %parallel_loop3A_196, %parallel_loop3A_201 : vector<16xi32>
          %parallel_loop3A_203 = vector.bitcast %parallel_loop3A_202 : vector<16xi32> to vector<16xf32>
          %parallel_loop3A_204 = arith.index_cast %parallel_loop3A_137 : i32 to index
          %parallel_loop3A_205 = arith.constant 48 : index
          %parallel_loop3A_206 = tpu.vector_load %arg11[%parallel_loop3A_204, %parallel_loop3A_205] {strides = array<i32>} : memref<128x128xf32, #tpu.memory_space<vmem>>, vector<16xf32>,
          tpu.vector_store %arg11[%parallel_loop3A_204, %parallel_loop3A_205], %parallel_loop3A_200 {strides = array<i32>} : memref<128x128xf32, #tpu.memory_space<vmem>>, vector<16xf32>,
          %parallel_loop3A_207 = arith.index_cast %parallel_loop3A_137 : i32 to index
          %parallel_loop3A_208 = arith.constant 112 : index
          %parallel_loop3A_209 = tpu.vector_load %arg11[%parallel_loop3A_207, %parallel_loop3A_208] {strides = array<i32>} : memref<128x128xf32, #tpu.memory_space<vmem>>, vector<16xf32>,
          tpu.vector_store %arg11[%parallel_loop3A_207, %parallel_loop3A_208], %parallel_loop3A_203 {strides = array<i32>} : memref<128x128xf32, #tpu.memory_space<vmem>>, vector<16xf32>,
        } {sc.loop_unroll_factor = 4 : i64, sc.parallel_access}
        "tpu.region"() ({
          %run_scoped3A_137 = tpu.sem_alloc : memref<!tpu.dma_semaphore, #tpu.memory_space<semaphore_mem>>
          %dma_start3A_138 = arith.constant 0 : i32
          %dma_start3A_139 = tpu.memref_slice %arg9[%add3A_109, %dma_start3A_138] : memref<40x128xi32, #tpu.memory_space<vmem>> -> memref<1x128xi32, #tpu.memory_space<vmem>>
          %dma_start3A_140 = tpu.memref_squeeze %dma_start3A_139 : memref<1x128xi32, #tpu.memory_space<vmem>> -> memref<128xi32, #tpu.memory_space<vmem>>
          %dma_start3A_141 = arith.constant 0 : i32
          %dma_start3A_142 = arith.constant 0 : i32
          %dma_start3A_143 = tpu.memref_slice %arg7[%dma_start3A_141, %dma_start3A_142] : memref<10112x128xf32, #tpu.memory_space<vmem_shared>> -> memref<10112x128xf32, #tpu.memory_space<vmem_shared>>
          tpu.enqueue_indirect_dma source(%arg11 : memref<128x128xf32, #tpu.memory_space<vmem>>) target(%dma_start3A_143 : memref<10112x128xf32, #tpu.memory_space<vmem_shared>>) offsets(%dma_start3A_140 : memref<128xi32, #tpu.memory_space<vmem>>) semaphore(%run_scoped3A_137 : memref<!tpu.dma_semaphore, #tpu.memory_space<semaphore_mem>>) {add = true}
          %dma_wait3A_144 = arith.constant 0 : i32
          %dma_wait3A_145 = tpu.memref_slice %arg9[%add3A_109, %dma_wait3A_144] : memref<40x128xi32, #tpu.memory_space<vmem>> -> memref<1x128xi32, #tpu.memory_space<vmem>>
          %dma_wait3A_146 = tpu.memref_squeeze %dma_wait3A_145 : memref<1x128xi32, #tpu.memory_space<vmem>> -> memref<128xi32, #tpu.memory_space<vmem>>
          %dma_wait3A_147 = arith.constant 0 : i32
          %dma_wait3A_148 = arith.constant 0 : i32
          %dma_wait3A_149 = tpu.memref_slice %arg7[%dma_wait3A_147, %dma_wait3A_148] : memref<10112x128xf32, #tpu.memory_space<vmem_shared>> -> memref<10112x128xf32, #tpu.memory_space<vmem_shared>>
          tpu.wait_indirect_dma semaphore(%run_scoped3A_137 : memref<!tpu.dma_semaphore, #tpu.memory_space<semaphore_mem>>) src(%arg11 : memref<128x128xf32, #tpu.memory_space<vmem>>) dst(%dma_wait3A_149 : memref<10112x128xf32, #tpu.memory_space<vmem_shared>>)
          tpu.yield
        }) : () -> ()
        %add3A_124 = arith.constant 3 : i32
        %add3A_125 = arith.addi %add3A_80, %add3A_124 : i32
        %dma_start3A_126 = arith.constant 1 : i32
        %dma_start3A_127 = arith.constant 0 : i32
        %dma_start3A_128 = arith.constant 0 : i32
        %dma_start3A_129 = tpu.memref_slice %arg10[%dma_start3A_126, %dma_start3A_127, %dma_start3A_128] : memref<2x128x64xi32, #tpu.memory_space<vmem>> -> memref<1x128x64xi32, #tpu.memory_space<vmem>>
        %dma_start3A_130 = tpu.memref_squeeze %dma_start3A_129 : memref<1x128x64xi32, #tpu.memory_space<vmem>> -> memref<128x64xi32, #tpu.memory_space<vmem>>
        %dma_start3A_131 = arith.constant 0 : i32
        %dma_start3A_132 = tpu.memref_slice %arg8[%add3A_125, %dma_start3A_131] : memref<40x128xi32, #tpu.memory_space<vmem>> -> memref<1x128xi32, #tpu.memory_space<vmem>>
        %dma_start3A_133 = tpu.memref_squeeze %dma_start3A_132 : memref<1x128xi32, #tpu.memory_space<vmem>> -> memref<128xi32, #tpu.memory_space<vmem>>
        %dma_start3A_134 = arith.constant 0 : i32
        %dma_start3A_135 = arith.constant 0 : i32
        %dma_start3A_136 = tpu.memref_slice %arg2[%dma_start3A_134, %dma_start3A_135] : memref<10000x64xi32, #tpu.memory_space<hbm>> -> memref<10000x64xi32, #tpu.memory_space<hbm>>
        tpu.enqueue_indirect_dma source(%dma_start3A_136 : memref<10000x64xi32, #tpu.memory_space<hbm>>) target(%dma_start3A_130 : memref<128x64xi32, #tpu.memory_space<vmem>>) offsets(%dma_start3A_133 : memref<128xi32, #tpu.memory_space<vmem>>) semaphore(%arg13 : memref<!tpu.dma_semaphore, #tpu.memory_space<semaphore_mem>>)
      }
      %scan3A_46 = arith.constant 19 : i32
      %dma_wait3A = arith.constant 38 : i32
      %dma_wait3A_47 = arith.constant 0 : i32
      %dma_wait3A_48 = arith.constant 0 : i32
      %dma_wait3A_49 = arith.constant 0 : i32
      %dma_wait3A_50 = tpu.memref_slice %arg10[%dma_wait3A_47, %dma_wait3A_48, %dma_wait3A_49] : memref<2x128x64xi32, #tpu.memory_space<vmem>> -> memref<1x128x64xi32, #tpu.memory_space<vmem>>
      %dma_wait3A_51 = tpu.memref_squeeze %dma_wait3A_50 : memref<1x128x64xi32, #tpu.memory_space<vmem>> -> memref<128x64xi32, #tpu.memory_space<vmem>>
      %dma_wait3A_52 = arith.constant 0 : i32
      %dma_wait3A_53 = tpu.memref_slice %arg8[%dma_wait3A, %dma_wait3A_52] : memref<40x128xi32, #tpu.memory_space<vmem>> -> memref<1x128xi32, #tpu.memory_space<vmem>>
      %dma_wait3A_54 = tpu.memref_squeeze %dma_wait3A_53 : memref<1x128xi32, #tpu.memory_space<vmem>> -> memref<128xi32, #tpu.memory_space<vmem>>
      %dma_wait3A_55 = arith.constant 0 : i32
      %dma_wait3A_56 = arith.constant 0 : i32
      %dma_wait3A_57 = tpu.memref_slice %arg2[%dma_wait3A_55, %dma_wait3A_56] : memref<10000x64xi32, #tpu.memory_space<hbm>> -> memref<10000x64xi32, #tpu.memory_space<hbm>>
      tpu.wait_indirect_dma semaphore(%arg12 : memref<!tpu.dma_semaphore, #tpu.memory_space<semaphore_mem>>) src(%dma_wait3A_57 : memref<10000x64xi32, #tpu.memory_space<hbm>>) dst(%dma_wait3A_51 : memref<128x64xi32, #tpu.memory_space<vmem>>)
      %parallel_loop3A = arith.constant 0 : i32
      %parallel_loop3A_58 = arith.constant 128 : i32
      %parallel_loop3A_59 = arith.constant 1 : i32
      scf.for %parallel_loop3A_76 = %parallel_loop3A to %parallel_loop3A_58 step %parallel_loop3A_59  : i32 {
        %parallel_loop3A_77 = arith.constant 0 : i32
        %parallel_loop3A_78 = arith.index_cast %parallel_loop3A_77 : i32 to index
        %parallel_loop3A_79 = arith.index_cast %parallel_loop3A_76 : i32 to index
        %parallel_loop3A_80 = arith.constant 0 : index
        %parallel_loop3A_81 = tpu.vector_load %arg10[%parallel_loop3A_78, %parallel_loop3A_79, %parallel_loop3A_80] {strides = array<i32>} : memref<2x128x64xi32, #tpu.memory_space<vmem>>, vector<16xi32>,
        %parallel_loop3A_82 = arith.constant 16 : i32
        %parallel_loop3A_83 = vector.broadcast %parallel_loop3A_82 : i32 to vector<16xi32>
        %parallel_loop3A_84 = arith.shli %parallel_loop3A_81, %parallel_loop3A_83 : vector<16xi32>
        %parallel_loop3A_85 = vector.bitcast %parallel_loop3A_84 : vector<16xi32> to vector<16xf32>
        %parallel_loop3A_86 = vector.broadcast %scan3A : i32 to vector<16xi32>
        %parallel_loop3A_87 = arith.andi %parallel_loop3A_81, %parallel_loop3A_86 : vector<16xi32>
        %parallel_loop3A_88 = vector.bitcast %parallel_loop3A_87 : vector<16xi32> to vector<16xf32>
        %parallel_loop3A_89 = arith.index_cast %parallel_loop3A_76 : i32 to index
        %parallel_loop3A_90 = arith.constant 0 : index
        %parallel_loop3A_91 = tpu.vector_load %arg11[%parallel_loop3A_89, %parallel_loop3A_90] {strides = array<i32>} : memref<128x128xf32, #tpu.memory_space<vmem>>, vector<16xf32>,
        tpu.vector_store %arg11[%parallel_loop3A_89, %parallel_loop3A_90], %parallel_loop3A_85 {strides = array<i32>} : memref<128x128xf32, #tpu.memory_space<vmem>>, vector<16xf32>,
        %parallel_loop3A_92 = arith.index_cast %parallel_loop3A_76 : i32 to index
        %parallel_loop3A_93 = arith.constant 64 : index
        %parallel_loop3A_94 = tpu.vector_load %arg11[%parallel_loop3A_92, %parallel_loop3A_93] {strides = array<i32>} : memref<128x128xf32, #tpu.memory_space<vmem>>, vector<16xf32>,
        tpu.vector_store %arg11[%parallel_loop3A_92, %parallel_loop3A_93], %parallel_loop3A_88 {strides = array<i32>} : memref<128x128xf32, #tpu.memory_space<vmem>>, vector<16xf32>,
        %parallel_loop3A_95 = arith.constant 0 : i32
        %parallel_loop3A_96 = arith.index_cast %parallel_loop3A_95 : i32 to index
        %parallel_loop3A_97 = arith.index_cast %parallel_loop3A_76 : i32 to index
        %parallel_loop3A_98 = arith.constant 16 : index
        %parallel_loop3A_99 = tpu.vector_load %arg10[%parallel_loop3A_96, %parallel_loop3A_97, %parallel_loop3A_98] {strides = array<i32>} : memref<2x128x64xi32, #tpu.memory_space<vmem>>, vector<16xi32>,
        %parallel_loop3A_100 = arith.constant 16 : i32
        %parallel_loop3A_101 = vector.broadcast %parallel_loop3A_100 : i32 to vector<16xi32>
        %parallel_loop3A_102 = arith.shli %parallel_loop3A_99, %parallel_loop3A_101 : vector<16xi32>
        %parallel_loop3A_103 = vector.bitcast %parallel_loop3A_102 : vector<16xi32> to vector<16xf32>
        %parallel_loop3A_104 = vector.broadcast %scan3A : i32 to vector<16xi32>
        %parallel_loop3A_105 = arith.andi %parallel_loop3A_99, %parallel_loop3A_104 : vector<16xi32>
        %parallel_loop3A_106 = vector.bitcast %parallel_loop3A_105 : vector<16xi32> to vector<16xf32>
        %parallel_loop3A_107 = arith.index_cast %parallel_loop3A_76 : i32 to index
        %parallel_loop3A_108 = arith.constant 16 : index
        %parallel_loop3A_109 = tpu.vector_load %arg11[%parallel_loop3A_107, %parallel_loop3A_108] {strides = array<i32>} : memref<128x128xf32, #tpu.memory_space<vmem>>, vector<16xf32>,
        tpu.vector_store %arg11[%parallel_loop3A_107, %parallel_loop3A_108], %parallel_loop3A_103 {strides = array<i32>} : memref<128x128xf32, #tpu.memory_space<vmem>>, vector<16xf32>,
        %parallel_loop3A_110 = arith.index_cast %parallel_loop3A_76 : i32 to index
        %parallel_loop3A_111 = arith.constant 80 : index
        %parallel_loop3A_112 = tpu.vector_load %arg11[%parallel_loop3A_110, %parallel_loop3A_111] {strides = array<i32>} : memref<128x128xf32, #tpu.memory_space<vmem>>, vector<16xf32>,
        tpu.vector_store %arg11[%parallel_loop3A_110, %parallel_loop3A_111], %parallel_loop3A_106 {strides = array<i32>} : memref<128x128xf32, #tpu.memory_space<vmem>>, vector<16xf32>,
        %parallel_loop3A_113 = arith.constant 0 : i32
        %parallel_loop3A_114 = arith.index_cast %parallel_loop3A_113 : i32 to index
        %parallel_loop3A_115 = arith.index_cast %parallel_loop3A_76 : i32 to index
        %parallel_loop3A_116 = arith.constant 32 : index
        %parallel_loop3A_117 = tpu.vector_load %arg10[%parallel_loop3A_114, %parallel_loop3A_115, %parallel_loop3A_116] {strides = array<i32>} : memref<2x128x64xi32, #tpu.memory_space<vmem>>, vector<16xi32>,
        %parallel_loop3A_118 = arith.constant 16 : i32
        %parallel_loop3A_119 = vector.broadcast %parallel_loop3A_118 : i32 to vector<16xi32>
        %parallel_loop3A_120 = arith.shli %parallel_loop3A_117, %parallel_loop3A_119 : vector<16xi32>
        %parallel_loop3A_121 = vector.bitcast %parallel_loop3A_120 : vector<16xi32> to vector<16xf32>
        %parallel_loop3A_122 = vector.broadcast %scan3A : i32 to vector<16xi32>
        %parallel_loop3A_123 = arith.andi %parallel_loop3A_117, %parallel_loop3A_122 : vector<16xi32>
        %parallel_loop3A_124 = vector.bitcast %parallel_loop3A_123 : vector<16xi32> to vector<16xf32>
        %parallel_loop3A_125 = arith.index_cast %parallel_loop3A_76 : i32 to index
        %parallel_loop3A_126 = arith.constant 32 : index
        %parallel_loop3A_127 = tpu.vector_load %arg11[%parallel_loop3A_125, %parallel_loop3A_126] {strides = array<i32>} : memref<128x128xf32, #tpu.memory_space<vmem>>, vector<16xf32>,
        tpu.vector_store %arg11[%parallel_loop3A_125, %parallel_loop3A_126], %parallel_loop3A_121 {strides = array<i32>} : memref<128x128xf32, #tpu.memory_space<vmem>>, vector<16xf32>,
        %parallel_loop3A_128 = arith.index_cast %parallel_loop3A_76 : i32 to index
        %parallel_loop3A_129 = arith.constant 96 : index
        %parallel_loop3A_130 = tpu.vector_load %arg11[%parallel_loop3A_128, %parallel_loop3A_129] {strides = array<i32>} : memref<128x128xf32, #tpu.memory_space<vmem>>, vector<16xf32>,
        tpu.vector_store %arg11[%parallel_loop3A_128, %parallel_loop3A_129], %parallel_loop3A_124 {strides = array<i32>} : memref<128x128xf32, #tpu.memory_space<vmem>>, vector<16xf32>,
        %parallel_loop3A_131 = arith.constant 0 : i32
        %parallel_loop3A_132 = arith.index_cast %parallel_loop3A_131 : i32 to index
        %parallel_loop3A_133 = arith.index_cast %parallel_loop3A_76 : i32 to index
        %parallel_loop3A_134 = arith.constant 48 : index
        %parallel_loop3A_135 = tpu.vector_load %arg10[%parallel_loop3A_132, %parallel_loop3A_133, %parallel_loop3A_134] {strides = array<i32>} : memref<2x128x64xi32, #tpu.memory_space<vmem>>, vector<16xi32>,
        %parallel_loop3A_136 = arith.constant 16 : i32
        %parallel_loop3A_137 = vector.broadcast %parallel_loop3A_136 : i32 to vector<16xi32>
        %parallel_loop3A_138 = arith.shli %parallel_loop3A_135, %parallel_loop3A_137 : vector<16xi32>
        %parallel_loop3A_139 = vector.bitcast %parallel_loop3A_138 : vector<16xi32> to vector<16xf32>
        %parallel_loop3A_140 = vector.broadcast %scan3A : i32 to vector<16xi32>
        %parallel_loop3A_141 = arith.andi %parallel_loop3A_135, %parallel_loop3A_140 : vector<16xi32>
        %parallel_loop3A_142 = vector.bitcast %parallel_loop3A_141 : vector<16xi32> to vector<16xf32>
        %parallel_loop3A_143 = arith.index_cast %parallel_loop3A_76 : i32 to index
        %parallel_loop3A_144 = arith.constant 48 : index
        %parallel_loop3A_145 = tpu.vector_load %arg11[%parallel_loop3A_143, %parallel_loop3A_144] {strides = array<i32>} : memref<128x128xf32, #tpu.memory_space<vmem>>, vector<16xf32>,
        tpu.vector_store %arg11[%parallel_loop3A_143, %parallel_loop3A_144], %parallel_loop3A_139 {strides = array<i32>} : memref<128x128xf32, #tpu.memory_space<vmem>>, vector<16xf32>,
        %parallel_loop3A_146 = arith.index_cast %parallel_loop3A_76 : i32 to index
        %parallel_loop3A_147 = arith.constant 112 : index
        %parallel_loop3A_148 = tpu.vector_load %arg11[%parallel_loop3A_146, %parallel_loop3A_147] {strides = array<i32>} : memref<128x128xf32, #tpu.memory_space<vmem>>, vector<16xf32>,
        tpu.vector_store %arg11[%parallel_loop3A_146, %parallel_loop3A_147], %parallel_loop3A_142 {strides = array<i32>} : memref<128x128xf32, #tpu.memory_space<vmem>>, vector<16xf32>,
      } {sc.loop_unroll_factor = 4 : i64, sc.parallel_access}
      %run_scoped3A = arith.constant 38 : i32
      "tpu.region"() ({
        %run_scoped3A_76 = tpu.sem_alloc : memref<!tpu.dma_semaphore, #tpu.memory_space<semaphore_mem>>
        %dma_start3A_77 = arith.constant 0 : i32
        %dma_start3A_78 = tpu.memref_slice %arg9[%run_scoped3A, %dma_start3A_77] : memref<40x128xi32, #tpu.memory_space<vmem>> -> memref<1x128xi32, #tpu.memory_space<vmem>>
        %dma_start3A_79 = tpu.memref_squeeze %dma_start3A_78 : memref<1x128xi32, #tpu.memory_space<vmem>> -> memref<128xi32, #tpu.memory_space<vmem>>
        %dma_start3A_80 = arith.constant 0 : i32
        %dma_start3A_81 = arith.constant 0 : i32
        %dma_start3A_82 = tpu.memref_slice %arg7[%dma_start3A_80, %dma_start3A_81] : memref<10112x128xf32, #tpu.memory_space<vmem_shared>> -> memref<10112x128xf32, #tpu.memory_space<vmem_shared>>
        tpu.enqueue_indirect_dma source(%arg11 : memref<128x128xf32, #tpu.memory_space<vmem>>) target(%dma_start3A_82 : memref<10112x128xf32, #tpu.memory_space<vmem_shared>>) offsets(%dma_start3A_79 : memref<128xi32, #tpu.memory_space<vmem>>) semaphore(%run_scoped3A_76 : memref<!tpu.dma_semaphore, #tpu.memory_space<semaphore_mem>>) {add = true}
        %dma_wait3A_83 = arith.constant 0 : i32
        %dma_wait3A_84 = tpu.memref_slice %arg9[%run_scoped3A, %dma_wait3A_83] : memref<40x128xi32, #tpu.memory_space<vmem>> -> memref<1x128xi32, #tpu.memory_space<vmem>>
        %dma_wait3A_85 = tpu.memref_squeeze %dma_wait3A_84 : memref<1x128xi32, #tpu.memory_space<vmem>> -> memref<128xi32, #tpu.memory_space<vmem>>
        %dma_wait3A_86 = arith.constant 0 : i32
        %dma_wait3A_87 = arith.constant 0 : i32
        %dma_wait3A_88 = tpu.memref_slice %arg7[%dma_wait3A_86, %dma_wait3A_87] : memref<10112x128xf32, #tpu.memory_space<vmem_shared>> -> memref<10112x128xf32, #tpu.memory_space<vmem_shared>>
        tpu.wait_indirect_dma semaphore(%run_scoped3A_76 : memref<!tpu.dma_semaphore, #tpu.memory_space<semaphore_mem>>) src(%arg11 : memref<128x128xf32, #tpu.memory_space<vmem>>) dst(%dma_wait3A_88 : memref<10112x128xf32, #tpu.memory_space<vmem_shared>>)
        tpu.yield
      }) : () -> ()
      %dma_wait3A_60 = arith.constant 39 : i32
      %dma_wait3A_61 = arith.constant 1 : i32
      %dma_wait3A_62 = arith.constant 0 : i32
      %dma_wait3A_63 = arith.constant 0 : i32
      %dma_wait3A_64 = tpu.memref_slice %arg10[%dma_wait3A_61, %dma_wait3A_62, %dma_wait3A_63] : memref<2x128x64xi32, #tpu.memory_space<vmem>> -> memref<1x128x64xi32, #tpu.memory_space<vmem>>
      %dma_wait3A_65 = tpu.memref_squeeze %dma_wait3A_64 : memref<1x128x64xi32, #tpu.memory_space<vmem>> -> memref<128x64xi32, #tpu.memory_space<vmem>>
      %dma_wait3A_66 = arith.constant 0 : i32
      %dma_wait3A_67 = tpu.memref_slice %arg8[%dma_wait3A_60, %dma_wait3A_66] : memref<40x128xi32, #tpu.memory_space<vmem>> -> memref<1x128xi32, #tpu.memory_space<vmem>>
      %dma_wait3A_68 = tpu.memref_squeeze %dma_wait3A_67 : memref<1x128xi32, #tpu.memory_space<vmem>> -> memref<128xi32, #tpu.memory_space<vmem>>
      %dma_wait3A_69 = arith.constant 0 : i32
      %dma_wait3A_70 = arith.constant 0 : i32
      %dma_wait3A_71 = tpu.memref_slice %arg2[%dma_wait3A_69, %dma_wait3A_70] : memref<10000x64xi32, #tpu.memory_space<hbm>> -> memref<10000x64xi32, #tpu.memory_space<hbm>>
      tpu.wait_indirect_dma semaphore(%arg13 : memref<!tpu.dma_semaphore, #tpu.memory_space<semaphore_mem>>) src(%dma_wait3A_71 : memref<10000x64xi32, #tpu.memory_space<hbm>>) dst(%dma_wait3A_65 : memref<128x64xi32, #tpu.memory_space<vmem>>)
      %parallel_loop3A_72 = arith.constant 0 : i32
      %parallel_loop3A_73 = arith.constant 128 : i32
      %parallel_loop3A_74 = arith.constant 1 : i32
      scf.for %parallel_loop3A_76 = %parallel_loop3A_72 to %parallel_loop3A_73 step %parallel_loop3A_74  : i32 {
        %parallel_loop3A_77 = arith.constant 1 : i32
        %parallel_loop3A_78 = arith.index_cast %parallel_loop3A_77 : i32 to index
        %parallel_loop3A_79 = arith.index_cast %parallel_loop3A_76 : i32 to index
        %parallel_loop3A_80 = arith.constant 0 : index
        %parallel_loop3A_81 = tpu.vector_load %arg10[%parallel_loop3A_78, %parallel_loop3A_79, %parallel_loop3A_80] {strides = array<i32>} : memref<2x128x64xi32, #tpu.memory_space<vmem>>, vector<16xi32>,
        %parallel_loop3A_82 = arith.constant 16 : i32
        %parallel_loop3A_83 = vector.broadcast %parallel_loop3A_82 : i32 to vector<16xi32>
        %parallel_loop3A_84 = arith.shli %parallel_loop3A_81, %parallel_loop3A_83 : vector<16xi32>
        %parallel_loop3A_85 = vector.bitcast %parallel_loop3A_84 : vector<16xi32> to vector<16xf32>
        %parallel_loop3A_86 = vector.broadcast %scan3A : i32 to vector<16xi32>
        %parallel_loop3A_87 = arith.andi %parallel_loop3A_81, %parallel_loop3A_86 : vector<16xi32>
        %parallel_loop3A_88 = vector.bitcast %parallel_loop3A_87 : vector<16xi32> to vector<16xf32>
        %parallel_loop3A_89 = arith.index_cast %parallel_loop3A_76 : i32 to index
        %parallel_loop3A_90 = arith.constant 0 : index
        %parallel_loop3A_91 = tpu.vector_load %arg11[%parallel_loop3A_89, %parallel_loop3A_90] {strides = array<i32>} : memref<128x128xf32, #tpu.memory_space<vmem>>, vector<16xf32>,
        tpu.vector_store %arg11[%parallel_loop3A_89, %parallel_loop3A_90], %parallel_loop3A_85 {strides = array<i32>} : memref<128x128xf32, #tpu.memory_space<vmem>>, vector<16xf32>,
        %parallel_loop3A_92 = arith.index_cast %parallel_loop3A_76 : i32 to index
        %parallel_loop3A_93 = arith.constant 64 : index
        %parallel_loop3A_94 = tpu.vector_load %arg11[%parallel_loop3A_92, %parallel_loop3A_93] {strides = array<i32>} : memref<128x128xf32, #tpu.memory_space<vmem>>, vector<16xf32>,
        tpu.vector_store %arg11[%parallel_loop3A_92, %parallel_loop3A_93], %parallel_loop3A_88 {strides = array<i32>} : memref<128x128xf32, #tpu.memory_space<vmem>>, vector<16xf32>,
        %parallel_loop3A_95 = arith.constant 1 : i32
        %parallel_loop3A_96 = arith.index_cast %parallel_loop3A_95 : i32 to index
        %parallel_loop3A_97 = arith.index_cast %parallel_loop3A_76 : i32 to index
        %parallel_loop3A_98 = arith.constant 16 : index
        %parallel_loop3A_99 = tpu.vector_load %arg10[%parallel_loop3A_96, %parallel_loop3A_97, %parallel_loop3A_98] {strides = array<i32>} : memref<2x128x64xi32, #tpu.memory_space<vmem>>, vector<16xi32>,
        %parallel_loop3A_100 = arith.constant 16 : i32
        %parallel_loop3A_101 = vector.broadcast %parallel_loop3A_100 : i32 to vector<16xi32>
        %parallel_loop3A_102 = arith.shli %parallel_loop3A_99, %parallel_loop3A_101 : vector<16xi32>
        %parallel_loop3A_103 = vector.bitcast %parallel_loop3A_102 : vector<16xi32> to vector<16xf32>
        %parallel_loop3A_104 = vector.broadcast %scan3A : i32 to vector<16xi32>
        %parallel_loop3A_105 = arith.andi %parallel_loop3A_99, %parallel_loop3A_104 : vector<16xi32>
        %parallel_loop3A_106 = vector.bitcast %parallel_loop3A_105 : vector<16xi32> to vector<16xf32>
        %parallel_loop3A_107 = arith.index_cast %parallel_loop3A_76 : i32 to index
        %parallel_loop3A_108 = arith.constant 16 : index
        %parallel_loop3A_109 = tpu.vector_load %arg11[%parallel_loop3A_107, %parallel_loop3A_108] {strides = array<i32>} : memref<128x128xf32, #tpu.memory_space<vmem>>, vector<16xf32>,
        tpu.vector_store %arg11[%parallel_loop3A_107, %parallel_loop3A_108], %parallel_loop3A_103 {strides = array<i32>} : memref<128x128xf32, #tpu.memory_space<vmem>>, vector<16xf32>,
        %parallel_loop3A_110 = arith.index_cast %parallel_loop3A_76 : i32 to index
        %parallel_loop3A_111 = arith.constant 80 : index
        %parallel_loop3A_112 = tpu.vector_load %arg11[%parallel_loop3A_110, %parallel_loop3A_111] {strides = array<i32>} : memref<128x128xf32, #tpu.memory_space<vmem>>, vector<16xf32>,
        tpu.vector_store %arg11[%parallel_loop3A_110, %parallel_loop3A_111], %parallel_loop3A_106 {strides = array<i32>} : memref<128x128xf32, #tpu.memory_space<vmem>>, vector<16xf32>,
        %parallel_loop3A_113 = arith.constant 1 : i32
        %parallel_loop3A_114 = arith.index_cast %parallel_loop3A_113 : i32 to index
        %parallel_loop3A_115 = arith.index_cast %parallel_loop3A_76 : i32 to index
        %parallel_loop3A_116 = arith.constant 32 : index
        %parallel_loop3A_117 = tpu.vector_load %arg10[%parallel_loop3A_114, %parallel_loop3A_115, %parallel_loop3A_116] {strides = array<i32>} : memref<2x128x64xi32, #tpu.memory_space<vmem>>, vector<16xi32>,
        %parallel_loop3A_118 = arith.constant 16 : i32
        %parallel_loop3A_119 = vector.broadcast %parallel_loop3A_118 : i32 to vector<16xi32>
        %parallel_loop3A_120 = arith.shli %parallel_loop3A_117, %parallel_loop3A_119 : vector<16xi32>
        %parallel_loop3A_121 = vector.bitcast %parallel_loop3A_120 : vector<16xi32> to vector<16xf32>
        %parallel_loop3A_122 = vector.broadcast %scan3A : i32 to vector<16xi32>
        %parallel_loop3A_123 = arith.andi %parallel_loop3A_117, %parallel_loop3A_122 : vector<16xi32>
        %parallel_loop3A_124 = vector.bitcast %parallel_loop3A_123 : vector<16xi32> to vector<16xf32>
        %parallel_loop3A_125 = arith.index_cast %parallel_loop3A_76 : i32 to index
        %parallel_loop3A_126 = arith.constant 32 : index
        %parallel_loop3A_127 = tpu.vector_load %arg11[%parallel_loop3A_125, %parallel_loop3A_126] {strides = array<i32>} : memref<128x128xf32, #tpu.memory_space<vmem>>, vector<16xf32>,
        tpu.vector_store %arg11[%parallel_loop3A_125, %parallel_loop3A_126], %parallel_loop3A_121 {strides = array<i32>} : memref<128x128xf32, #tpu.memory_space<vmem>>, vector<16xf32>,
        %parallel_loop3A_128 = arith.index_cast %parallel_loop3A_76 : i32 to index
        %parallel_loop3A_129 = arith.constant 96 : index
        %parallel_loop3A_130 = tpu.vector_load %arg11[%parallel_loop3A_128, %parallel_loop3A_129] {strides = array<i32>} : memref<128x128xf32, #tpu.memory_space<vmem>>, vector<16xf32>,
        tpu.vector_store %arg11[%parallel_loop3A_128, %parallel_loop3A_129], %parallel_loop3A_124 {strides = array<i32>} : memref<128x128xf32, #tpu.memory_space<vmem>>, vector<16xf32>,
        %parallel_loop3A_131 = arith.constant 1 : i32
        %parallel_loop3A_132 = arith.index_cast %parallel_loop3A_131 : i32 to index
        %parallel_loop3A_133 = arith.index_cast %parallel_loop3A_76 : i32 to index
        %parallel_loop3A_134 = arith.constant 48 : index
        %parallel_loop3A_135 = tpu.vector_load %arg10[%parallel_loop3A_132, %parallel_loop3A_133, %parallel_loop3A_134] {strides = array<i32>} : memref<2x128x64xi32, #tpu.memory_space<vmem>>, vector<16xi32>,
        %parallel_loop3A_136 = arith.constant 16 : i32
        %parallel_loop3A_137 = vector.broadcast %parallel_loop3A_136 : i32 to vector<16xi32>
        %parallel_loop3A_138 = arith.shli %parallel_loop3A_135, %parallel_loop3A_137 : vector<16xi32>
        %parallel_loop3A_139 = vector.bitcast %parallel_loop3A_138 : vector<16xi32> to vector<16xf32>
        %parallel_loop3A_140 = vector.broadcast %scan3A : i32 to vector<16xi32>
        %parallel_loop3A_141 = arith.andi %parallel_loop3A_135, %parallel_loop3A_140 : vector<16xi32>
        %parallel_loop3A_142 = vector.bitcast %parallel_loop3A_141 : vector<16xi32> to vector<16xf32>
        %parallel_loop3A_143 = arith.index_cast %parallel_loop3A_76 : i32 to index
        %parallel_loop3A_144 = arith.constant 48 : index
        %parallel_loop3A_145 = tpu.vector_load %arg11[%parallel_loop3A_143, %parallel_loop3A_144] {strides = array<i32>} : memref<128x128xf32, #tpu.memory_space<vmem>>, vector<16xf32>,
        tpu.vector_store %arg11[%parallel_loop3A_143, %parallel_loop3A_144], %parallel_loop3A_139 {strides = array<i32>} : memref<128x128xf32, #tpu.memory_space<vmem>>, vector<16xf32>,
        %parallel_loop3A_146 = arith.index_cast %parallel_loop3A_76 : i32 to index
        %parallel_loop3A_147 = arith.constant 112 : index
        %parallel_loop3A_148 = tpu.vector_load %arg11[%parallel_loop3A_146, %parallel_loop3A_147] {strides = array<i32>} : memref<128x128xf32, #tpu.memory_space<vmem>>, vector<16xf32>,
        tpu.vector_store %arg11[%parallel_loop3A_146, %parallel_loop3A_147], %parallel_loop3A_142 {strides = array<i32>} : memref<128x128xf32, #tpu.memory_space<vmem>>, vector<16xf32>,
      } {sc.loop_unroll_factor = 4 : i64, sc.parallel_access}
      %run_scoped3A_75 = arith.constant 39 : i32
      "tpu.region"() ({
        %run_scoped3A_76 = tpu.sem_alloc : memref<!tpu.dma_semaphore, #tpu.memory_space<semaphore_mem>>
        %dma_start3A_77 = arith.constant 0 : i32
        %dma_start3A_78 = tpu.memref_slice %arg9[%run_scoped3A_75, %dma_start3A_77] : memref<40x128xi32, #tpu.memory_space<vmem>> -> memref<1x128xi32, #tpu.memory_space<vmem>>
        %dma_start3A_79 = tpu.memref_squeeze %dma_start3A_78 : memref<1x128xi32, #tpu.memory_space<vmem>> -> memref<128xi32, #tpu.memory_space<vmem>>
        %dma_start3A_80 = arith.constant 0 : i32
        %dma_start3A_81 = arith.constant 0 : i32
        %dma_start3A_82 = tpu.memref_slice %arg7[%dma_start3A_80, %dma_start3A_81] : memref<10112x128xf32, #tpu.memory_space<vmem_shared>> -> memref<10112x128xf32, #tpu.memory_space<vmem_shared>>
        tpu.enqueue_indirect_dma source(%arg11 : memref<128x128xf32, #tpu.memory_space<vmem>>) target(%dma_start3A_82 : memref<10112x128xf32, #tpu.memory_space<vmem_shared>>) offsets(%dma_start3A_79 : memref<128xi32, #tpu.memory_space<vmem>>) semaphore(%run_scoped3A_76 : memref<!tpu.dma_semaphore, #tpu.memory_space<semaphore_mem>>) {add = true}
        %dma_wait3A_83 = arith.constant 0 : i32
        %dma_wait3A_84 = tpu.memref_slice %arg9[%run_scoped3A_75, %dma_wait3A_83] : memref<40x128xi32, #tpu.memory_space<vmem>> -> memref<1x128xi32, #tpu.memory_space<vmem>>
        %dma_wait3A_85 = tpu.memref_squeeze %dma_wait3A_84 : memref<1x128xi32, #tpu.memory_space<vmem>> -> memref<128xi32, #tpu.memory_space<vmem>>
        %dma_wait3A_86 = arith.constant 0 : i32
        %dma_wait3A_87 = arith.constant 0 : i32
        %dma_wait3A_88 = tpu.memref_slice %arg7[%dma_wait3A_86, %dma_wait3A_87] : memref<10112x128xf32, #tpu.memory_space<vmem_shared>> -> memref<10112x128xf32, #tpu.memory_space<vmem_shared>>
        tpu.wait_indirect_dma semaphore(%run_scoped3A_76 : memref<!tpu.dma_semaphore, #tpu.memory_space<semaphore_mem>>) src(%arg11 : memref<128x128xf32, #tpu.memory_space<vmem>>) dst(%dma_wait3A_88 : memref<10112x128xf32, #tpu.memory_space<vmem_shared>>)
        tpu.yield
      }) : () -> ()
    }
    %scan3A_9 = arith.constant 2 : i32
    %barrier3A_10 = arith.constant 0 : index
    tpu.barrier barrier_id(%barrier3A_10)
    "tpu.region"() ({
      %run_scoped3A = tpu.sem_alloc : memref<!tpu.dma_semaphore, #tpu.memory_space<semaphore_mem>>
      %dma_start3A = arith.constant 0 : i32
      %dma_start3A_11 = tpu.memref_slice %arg6[%arg0, %mul3A_4, %dma_start3A] : memref<2x10112x128xf32, #tpu.memory_space<hbm>> -> memref<1x632x128xf32, #tpu.memory_space<hbm>>
      %dma_start3A_12 = tpu.memref_squeeze %dma_start3A_11 : memref<1x632x128xf32, #tpu.memory_space<hbm>> -> memref<632x128xf32, #tpu.memory_space<hbm>>
      %dma_start3A_13 = arith.constant 0 : i32
      %dma_start3A_14 = tpu.memref_slice %arg7[%mul3A_4, %dma_start3A_13] : memref<10112x128xf32, #tpu.memory_space<vmem_shared>> -> memref<632x128xf32, #tpu.memory_space<vmem_shared>>
      tpu.enqueue_dma source(%dma_start3A_14 : memref<632x128xf32, #tpu.memory_space<vmem_shared>>) target(%dma_start3A_12 : memref<632x128xf32, #tpu.memory_space<hbm>>) target_semaphore(%run_scoped3A : memref<!tpu.dma_semaphore, #tpu.memory_space<semaphore_mem>>)
      %dma_wait3A = arith.constant 0 : i32
      %dma_wait3A_15 = tpu.memref_slice %arg6[%arg0, %mul3A_4, %dma_wait3A] : memref<2x10112x128xf32, #tpu.memory_space<hbm>> -> memref<1x632x128xf32, #tpu.memory_space<hbm>>
      %dma_wait3A_16 = tpu.memref_squeeze %dma_wait3A_15 : memref<1x632x128xf32, #tpu.memory_space<hbm>> -> memref<632x128xf32, #tpu.memory_space<hbm>>
      %dma_wait3A_17 = arith.constant 0 : i32
      %dma_wait3A_18 = tpu.memref_slice %arg7[%mul3A_4, %dma_wait3A_17] : memref<10112x128xf32, #tpu.memory_space<vmem_shared>> -> memref<632x128xf32, #tpu.memory_space<vmem_shared>>
      tpu.wait_dma2 semaphore(%run_scoped3A : memref<!tpu.dma_semaphore, #tpu.memory_space<semaphore_mem>>) src(%dma_wait3A_18 : memref<632x128xf32, #tpu.memory_space<vmem_shared>>) dst(%dma_wait3A_16 : memref<632x128xf32, #tpu.memory_space<hbm>>)
      tpu.yield
    }) : () -> ()
    return
  }
}

module attributes {stable_mosaic.version = 14 : i64} {
  func.func @_deg_body(%arg0: i32, %arg1: memref<1x4096xi32, #tpu.memory_space<vmem>>, %arg2: memref<4096x1xi32, #tpu.memory_space<vmem>>, %arg3: memref<79x128xf32, #tpu.memory_space<vmem>>) attributes {dimension_semantics = [#tpu.dimension_semantics<arbitrary>], iteration_bounds = array<i64: 80>, scalar_prefetch = 0 : i64, scratch_operands = 0 : i64, tpu.core_type = #tpu.core_type<tc>, window_params = [{transform_indices = @transform_0, window_bounds = array<i64: 1, 4096>}, {transform_indices = @transform_1, window_bounds = array<i64: 4096, 1>}, {pipeline_mode = #tpu.pipeline_mode<synchronous>, transform_indices = @transform_2, window_bounds = array<i64: 79, 128>}]} {
    %get3A = arith.constant 0 : index
    %get3A_0 = arith.constant 0 : index
    %get3A_1 = vector.load %arg1[%get3A, %get3A_0] : memref<1x4096xi32, #tpu.memory_space<vmem>>, vector<1x4096xi32>
    %shift_right_arithmetic3A = arith.constant 7 : i32
    %shift_right_arithmetic3A_2 = vector.broadcast %shift_right_arithmetic3A : i32 to vector<1x4096xi32>
    %shift_right_arithmetic3A_3 = arith.shrsi %get3A_1, %shift_right_arithmetic3A_2 : vector<1x4096xi32>
    %get3A_4 = arith.constant 0 : index
    %get3A_5 = arith.constant 0 : index
    %get3A_6 = vector.load %arg2[%get3A_4, %get3A_5] : memref<4096x1xi32, #tpu.memory_space<vmem>>, vector<4096x1xi32>
    %and3A = arith.constant 127 : i32
    %and3A_7 = vector.broadcast %and3A : i32 to vector<4096x1xi32>
    %and3A_8 = arith.andi %get3A_6, %and3A_7 : vector<4096x1xi32>
    %iota3A = tpu.iota {dimensions = array<i32: 0>} : vector<79x4096xi32>
    %eq3A = vector.broadcast %shift_right_arithmetic3A_3 : vector<1x4096xi32> to vector<79x4096xi32>
    %eq3A_9 = arith.cmpi eq, %eq3A, %iota3A : vector<79x4096xi32>
    %convert_element_type3A = arith.extui %eq3A_9 : vector<79x4096xi1> to vector<79x4096xi32>
    %convert_element_type3A_10 = arith.sitofp %convert_element_type3A : vector<79x4096xi32> to vector<79x4096xf32>
    %convert_element_type3A_11 = arith.truncf %convert_element_type3A_10 : vector<79x4096xf32> to vector<79x4096xbf16>
    %iota3A_12 = tpu.iota {dimensions = array<i32: 1>} : vector<4096x128xi32>
    %eq3A_13 = vector.broadcast %and3A_8 : vector<4096x1xi32> to vector<4096x128xi32>
    %eq3A_14 = arith.cmpi eq, %eq3A_13, %iota3A_12 : vector<4096x128xi32>
    %convert_element_type3A_15 = arith.extui %eq3A_14 : vector<4096x128xi1> to vector<4096x128xi32>
    %convert_element_type3A_16 = arith.sitofp %convert_element_type3A_15 : vector<4096x128xi32> to vector<4096x128xf32>
    %convert_element_type3A_17 = arith.truncf %convert_element_type3A_16 : vector<4096x128xf32> to vector<4096x128xbf16>
    %dot_general3A = arith.constant dense<0.000000e+00> : vector<79x128xf32>
    %dot_general3A_18 = tpu.matmul %convert_element_type3A_11, %convert_element_type3A_17, %dot_general3A {dimension_numbers = #tpu.dot_dimension_numbers<[1], [0], [0], [1], [0, 0, 1, 1], [], []>, transpose_lhs_hint = false} : vector<79x4096xbf16>, vector<4096x128xbf16>, vector<79x128xf32> -> vector<79x128xf32>
    %eq3A_19 = arith.constant 0 : i32
    %eq3A_20 = arith.cmpi eq, %arg0, %eq3A_19 : i32
    %convert_element_type3A_21 = arith.extui %eq3A_20 : i1 to i32
    %cond3A = arith.constant 0 : i32
    %cond3A_22 = arith.cmpi ne, %convert_element_type3A_21, %cond3A : i32
    scf.if %cond3A_22 {
      %broadcast_in_dim3A = arith.constant 0.000000e+00 : f32
      %broadcast_in_dim3A_28 = vector.broadcast %broadcast_in_dim3A : f32 to vector<79x128xf32>
      %swap3A_29 = arith.constant 0 : index
      %swap3A_30 = arith.constant 0 : index
      %swap3A_31 = vector.load %arg3[%swap3A_29, %swap3A_30] : memref<79x128xf32, #tpu.memory_space<vmem>>, vector<79x128xf32>
      tpu.vector_store %arg3[%swap3A_29, %swap3A_30], %broadcast_in_dim3A_28 {strides = array<i32>} : memref<79x128xf32, #tpu.memory_space<vmem>>, vector<79x128xf32>,
    } else {
    }
    %get3A_23 = arith.constant 0 : index
    %get3A_24 = arith.constant 0 : index
    %get3A_25 = vector.load %arg3[%get3A_23, %get3A_24] : memref<79x128xf32, #tpu.memory_space<vmem>>, vector<79x128xf32>
    %add3A = arith.addf %get3A_25, %dot_general3A_18 : vector<79x128xf32>
    %swap3A = arith.constant 0 : index
    %swap3A_26 = arith.constant 0 : index
    %swap3A_27 = vector.load %arg3[%swap3A, %swap3A_26] : memref<79x128xf32, #tpu.memory_space<vmem>>, vector<79x128xf32>
    tpu.vector_store %arg3[%swap3A, %swap3A_26], %add3A {strides = array<i32>} : memref<79x128xf32, #tpu.memory_space<vmem>>, vector<79x128xf32>,
    return
  }
  func.func @transform_0(%arg0: i32) -> (i32, i32) {
    %c0_i32 = arith.constant 0 : i32
    %c0_i32_0 = arith.constant 0 : i32
    return %c0_i32, %arg0 : i32, i32
  }
  func.func @transform_1(%arg0: i32) -> (i32, i32) {
    %c0_i32 = arith.constant 0 : i32
    %c0_i32_0 = arith.constant 0 : i32
    return %arg0, %c0_i32 : i32, i32
  }
  func.func @transform_2(%arg0: i32) -> (i32, i32) {
    %c0_i32 = arith.constant 0 : i32
    %c0_i32_0 = arith.constant 0 : i32
    %c0_i32_1 = arith.constant 0 : i32
    return %c0_i32, %c0_i32_0 : i32, i32
  }
}

module attributes {stable_mosaic.version = 14 : i64} {
  func.func @_tc_layer0_body(%arg0: i32, %arg1: memref<1000x128xf32, #tpu.memory_space<vmem>>, %arg2: memref<2x1000x128xf32, #tpu.memory_space<vmem>>, %arg3: memref<1000x1xf32, #tpu.memory_space<vmem>>, %arg4: memref<128x128xf32, #tpu.memory_space<vmem>>, %arg5: memref<128x128xf32, #tpu.memory_space<vmem>>, %arg6: memref<1x128xf32, #tpu.memory_space<vmem>>, %arg7: memref<1000x128xf32, #tpu.memory_space<vmem>>) attributes {dimension_semantics = [#tpu.dimension_semantics<arbitrary>], iteration_bounds = array<i64: 10>, scalar_prefetch = 0 : i64, scratch_operands = 0 : i64, tpu.core_type = #tpu.core_type<tc>, window_params = [{transform_indices = @transform_0, window_bounds = array<i64: 1000, 128>}, {transform_indices = @transform_1, window_bounds = array<i64: 2, 1000, 128>}, {transform_indices = @transform_2, window_bounds = array<i64: 1000, 1>}, {pipeline_mode = #tpu.pipeline_mode<synchronous>, transform_indices = @transform_3, window_bounds = array<i64: 128, 128>}, {pipeline_mode = #tpu.pipeline_mode<synchronous>, transform_indices = @transform_4, window_bounds = array<i64: 128, 128>}, {pipeline_mode = #tpu.pipeline_mode<synchronous>, transform_indices = @transform_5, window_bounds = array<i64: 1, 128>}, {transform_indices = @transform_6, window_bounds = array<i64: 1000, 128>}]} {
    %get3A = arith.constant 0 : index
    %get3A_0 = arith.constant 0 : index
    %get3A_1 = arith.constant 0 : index
    %get3A_2 = vector.load %arg2[%get3A, %get3A_0, %get3A_1] : memref<2x1000x128xf32, #tpu.memory_space<vmem>>, vector<1x1000x128xf32>
    %get3A_3 = vector.shape_cast %get3A_2 : vector<1x1000x128xf32> to vector<1000x128xf32>
    %get3A_4 = arith.constant 1 : index
    %get3A_5 = arith.constant 0 : index
    %get3A_6 = arith.constant 0 : index
    %get3A_7 = vector.load %arg2[%get3A_4, %get3A_5, %get3A_6] : memref<2x1000x128xf32, #tpu.memory_space<vmem>>, vector<1x1000x128xf32>
    %get3A_8 = vector.shape_cast %get3A_7 : vector<1x1000x128xf32> to vector<1000x128xf32>
    %add3A = arith.addf %get3A_3, %get3A_8 : vector<1000x128xf32>
    %get3A_9 = arith.constant 0 : index
    %get3A_10 = arith.constant 0 : index
    %get3A_11 = vector.load %arg3[%get3A_9, %get3A_10] : memref<1000x1xf32, #tpu.memory_space<vmem>>, vector<1000x1xf32>
    %max3A = arith.constant 1.000000e+00 : f32
    %max3A_12 = vector.broadcast %max3A : f32 to vector<1000x1xf32>
    %max3A_13 = arith.maximumf %get3A_11, %max3A_12 : vector<1000x1xf32>
    %div3A = arith.constant 1.000000e+00 : f32
    %div3A_14 = vector.broadcast %div3A : f32 to vector<1000x1xf32>
    %div3A_15 = arith.divf %div3A_14, %max3A_13 : vector<1000x1xf32>
    %mul3A = vector.broadcast %div3A_15 : vector<1000x1xf32> to vector<1000x128xf32>
    %mul3A_16 = arith.mulf %add3A, %mul3A : vector<1000x128xf32>
    %get3A_17 = arith.constant 0 : index
    %get3A_18 = arith.constant 0 : index
    %get3A_19 = vector.load %arg1[%get3A_17, %get3A_18] : memref<1000x128xf32, #tpu.memory_space<vmem>>, vector<1000x128xf32>
    %get3A_20 = arith.constant 0 : index
    %get3A_21 = arith.constant 0 : index
    %get3A_22 = vector.load %arg4[%get3A_20, %get3A_21] : memref<128x128xf32, #tpu.memory_space<vmem>>, vector<128x128xf32>
    %dot_general3A = arith.constant dense<0.000000e+00> : vector<1000x128xf32>
    %dot_general3A_23 = tpu.matmul %get3A_19, %get3A_22, %dot_general3A {dimension_numbers = #tpu.dot_dimension_numbers<[1], [0], [0], [1], [0, 0, 1, 1], [], []>, transpose_lhs_hint = false} : vector<1000x128xf32>, vector<128x128xf32>, vector<1000x128xf32> -> vector<1000x128xf32>
    %get3A_24 = arith.constant 0 : index
    %get3A_25 = arith.constant 0 : index
    %get3A_26 = vector.load %arg5[%get3A_24, %get3A_25] : memref<128x128xf32, #tpu.memory_space<vmem>>, vector<128x128xf32>
    %dot_general3A_27 = arith.constant dense<0.000000e+00> : vector<1000x128xf32>
    %dot_general3A_28 = tpu.matmul %mul3A_16, %get3A_26, %dot_general3A_27 {dimension_numbers = #tpu.dot_dimension_numbers<[1], [0], [0], [1], [0, 0, 1, 1], [], []>, transpose_lhs_hint = false} : vector<1000x128xf32>, vector<128x128xf32>, vector<1000x128xf32> -> vector<1000x128xf32>
    %add3A_29 = arith.addf %dot_general3A_23, %dot_general3A_28 : vector<1000x128xf32>
    %get3A_30 = arith.constant 0 : index
    %get3A_31 = arith.constant 0 : index
    %get3A_32 = vector.load %arg6[%get3A_30, %get3A_31] : memref<1x128xf32, #tpu.memory_space<vmem>>, vector<1x128xf32>
    %add3A_33 = vector.broadcast %get3A_32 : vector<1x128xf32> to vector<1000x128xf32>
    %add3A_34 = arith.addf %add3A_29, %add3A_33 : vector<1000x128xf32>
    %max3A_35 = arith.constant 0.000000e+00 : f32
    %max3A_36 = vector.broadcast %max3A_35 : f32 to vector<1000x128xf32>
    %max3A_37 = arith.maximumf %add3A_34, %max3A_36 : vector<1000x128xf32>
    %swap3A = arith.constant 0 : index
    %swap3A_38 = arith.constant 0 : index
    %swap3A_39 = vector.load %arg7[%swap3A, %swap3A_38] : memref<1000x128xf32, #tpu.memory_space<vmem>>, vector<1000x128xf32>
    tpu.vector_store %arg7[%swap3A, %swap3A_38], %max3A_37 {strides = array<i32>} : memref<1000x128xf32, #tpu.memory_space<vmem>>, vector<1000x128xf32>,
    return
  }
  func.func @transform_0(%arg0: i32) -> (i32, i32) {
    %c0_i32 = arith.constant 0 : i32
    %c0_i32_0 = arith.constant 0 : i32
    return %arg0, %c0_i32 : i32, i32
  }
  func.func @transform_1(%arg0: i32) -> (i32, i32, i32) {
    %c0_i32 = arith.constant 0 : i32
    %c0_i32_0 = arith.constant 0 : i32
    %c0_i32_1 = arith.constant 0 : i32
    return %c0_i32, %arg0, %c0_i32_0 : i32, i32, i32
  }
  func.func @transform_2(%arg0: i32) -> (i32, i32) {
    %c0_i32 = arith.constant 0 : i32
    %c0_i32_0 = arith.constant 0 : i32
    return %arg0, %c0_i32 : i32, i32
  }
  func.func @transform_3(%arg0: i32) -> (i32, i32) {
    %c0_i32 = arith.constant 0 : i32
    %c0_i32_0 = arith.constant 0 : i32
    %c0_i32_1 = arith.constant 0 : i32
    return %c0_i32, %c0_i32_0 : i32, i32
  }
  func.func @transform_4(%arg0: i32) -> (i32, i32) {
    %c0_i32 = arith.constant 0 : i32
    %c0_i32_0 = arith.constant 0 : i32
    %c0_i32_1 = arith.constant 0 : i32
    return %c0_i32, %c0_i32_0 : i32, i32
  }
  func.func @transform_5(%arg0: i32) -> (i32, i32) {
    %c0_i32 = arith.constant 0 : i32
    %c0_i32_0 = arith.constant 0 : i32
    %c0_i32_1 = arith.constant 0 : i32
    return %c0_i32, %c0_i32_0 : i32, i32
  }
  func.func @transform_6(%arg0: i32) -> (i32, i32) {
    %c0_i32 = arith.constant 0 : i32
    %c0_i32_0 = arith.constant 0 : i32
    return %arg0, %c0_i32 : i32, i32
  }
}

module attributes {stable_mosaic.version = 14 : i64} {
  func.func @_tc_layer1_body(%arg0: i32, %arg1: memref<1000x128xf32, #tpu.memory_space<vmem>>, %arg2: memref<2x1000x128xf32, #tpu.memory_space<vmem>>, %arg3: memref<1000x1xf32, #tpu.memory_space<vmem>>, %arg4: memref<128x128xf32, #tpu.memory_space<vmem>>, %arg5: memref<128x128xf32, #tpu.memory_space<vmem>>, %arg6: memref<1x128xf32, #tpu.memory_space<vmem>>, %arg7: memref<256x16xf32, #tpu.memory_space<vmem>>, %arg8: memref<1000x16xf32, #tpu.memory_space<vmem>>) attributes {dimension_semantics = [#tpu.dimension_semantics<arbitrary>], iteration_bounds = array<i64: 10>, scalar_prefetch = 0 : i64, scratch_operands = 0 : i64, tpu.core_type = #tpu.core_type<tc>, window_params = [{transform_indices = @transform_0, window_bounds = array<i64: 1000, 128>}, {transform_indices = @transform_1, window_bounds = array<i64: 2, 1000, 128>}, {transform_indices = @transform_2, window_bounds = array<i64: 1000, 1>}, {pipeline_mode = #tpu.pipeline_mode<synchronous>, transform_indices = @transform_3, window_bounds = array<i64: 128, 128>}, {pipeline_mode = #tpu.pipeline_mode<synchronous>, transform_indices = @transform_4, window_bounds = array<i64: 128, 128>}, {pipeline_mode = #tpu.pipeline_mode<synchronous>, transform_indices = @transform_5, window_bounds = array<i64: 1, 128>}, {pipeline_mode = #tpu.pipeline_mode<synchronous>, transform_indices = @transform_6, window_bounds = array<i64: 256, 16>}, {transform_indices = @transform_7, window_bounds = array<i64: 1000, 16>}]} {
    %get3A = arith.constant 0 : index
    %get3A_0 = arith.constant 0 : index
    %get3A_1 = arith.constant 0 : index
    %get3A_2 = vector.load %arg2[%get3A, %get3A_0, %get3A_1] : memref<2x1000x128xf32, #tpu.memory_space<vmem>>, vector<1x1000x128xf32>
    %get3A_3 = vector.shape_cast %get3A_2 : vector<1x1000x128xf32> to vector<1000x128xf32>
    %get3A_4 = arith.constant 1 : index
    %get3A_5 = arith.constant 0 : index
    %get3A_6 = arith.constant 0 : index
    %get3A_7 = vector.load %arg2[%get3A_4, %get3A_5, %get3A_6] : memref<2x1000x128xf32, #tpu.memory_space<vmem>>, vector<1x1000x128xf32>
    %get3A_8 = vector.shape_cast %get3A_7 : vector<1x1000x128xf32> to vector<1000x128xf32>
    %add3A = arith.addf %get3A_3, %get3A_8 : vector<1000x128xf32>
    %get3A_9 = arith.constant 0 : index
    %get3A_10 = arith.constant 0 : index
    %get3A_11 = vector.load %arg3[%get3A_9, %get3A_10] : memref<1000x1xf32, #tpu.memory_space<vmem>>, vector<1000x1xf32>
    %max3A = arith.constant 1.000000e+00 : f32
    %max3A_12 = vector.broadcast %max3A : f32 to vector<1000x1xf32>
    %max3A_13 = arith.maximumf %get3A_11, %max3A_12 : vector<1000x1xf32>
    %div3A = arith.constant 1.000000e+00 : f32
    %div3A_14 = vector.broadcast %div3A : f32 to vector<1000x1xf32>
    %div3A_15 = arith.divf %div3A_14, %max3A_13 : vector<1000x1xf32>
    %mul3A = vector.broadcast %div3A_15 : vector<1000x1xf32> to vector<1000x128xf32>
    %mul3A_16 = arith.mulf %add3A, %mul3A : vector<1000x128xf32>
    %get3A_17 = arith.constant 0 : index
    %get3A_18 = arith.constant 0 : index
    %get3A_19 = vector.load %arg1[%get3A_17, %get3A_18] : memref<1000x128xf32, #tpu.memory_space<vmem>>, vector<1000x128xf32>
    %get3A_20 = arith.constant 0 : index
    %get3A_21 = arith.constant 0 : index
    %get3A_22 = vector.load %arg4[%get3A_20, %get3A_21] : memref<128x128xf32, #tpu.memory_space<vmem>>, vector<128x128xf32>
    %dot_general3A = arith.constant dense<0.000000e+00> : vector<1000x128xf32>
    %dot_general3A_23 = tpu.matmul %get3A_19, %get3A_22, %dot_general3A {dimension_numbers = #tpu.dot_dimension_numbers<[1], [0], [0], [1], [0, 0, 1, 1], [], []>, transpose_lhs_hint = false} : vector<1000x128xf32>, vector<128x128xf32>, vector<1000x128xf32> -> vector<1000x128xf32>
    %get3A_24 = arith.constant 0 : index
    %get3A_25 = arith.constant 0 : index
    %get3A_26 = vector.load %arg5[%get3A_24, %get3A_25] : memref<128x128xf32, #tpu.memory_space<vmem>>, vector<128x128xf32>
    %dot_general3A_27 = arith.constant dense<0.000000e+00> : vector<1000x128xf32>
    %dot_general3A_28 = tpu.matmul %mul3A_16, %get3A_26, %dot_general3A_27 {dimension_numbers = #tpu.dot_dimension_numbers<[1], [0], [0], [1], [0, 0, 1, 1], [], []>, transpose_lhs_hint = false} : vector<1000x128xf32>, vector<128x128xf32>, vector<1000x128xf32> -> vector<1000x128xf32>
    %add3A_29 = arith.addf %dot_general3A_23, %dot_general3A_28 : vector<1000x128xf32>
    %get3A_30 = arith.constant 0 : index
    %get3A_31 = arith.constant 0 : index
    %get3A_32 = vector.load %arg6[%get3A_30, %get3A_31] : memref<1x128xf32, #tpu.memory_space<vmem>>, vector<1x128xf32>
    %add3A_33 = vector.broadcast %get3A_32 : vector<1x128xf32> to vector<1000x128xf32>
    %add3A_34 = arith.addf %add3A_29, %add3A_33 : vector<1000x128xf32>
    %max3A_35 = arith.constant 0.000000e+00 : f32
    %max3A_36 = vector.broadcast %max3A_35 : f32 to vector<1000x128xf32>
    %max3A_37 = arith.maximumf %add3A_34, %max3A_36 : vector<1000x128xf32>
    %get3A_38 = arith.constant 0 : index
    %get3A_39 = arith.constant 0 : index
    %get3A_40 = vector.load %arg7[%get3A_38, %get3A_39] : memref<256x16xf32, #tpu.memory_space<vmem>>, vector<128x16xf32>
    %dot_general3A_41 = arith.constant dense<0.000000e+00> : vector<1000x16xf32>
    %dot_general3A_42 = tpu.matmul %max3A_37, %get3A_40, %dot_general3A_41 {dimension_numbers = #tpu.dot_dimension_numbers<[1], [0], [0], [1], [0, 0, 1, 1], [], []>, transpose_lhs_hint = false} : vector<1000x128xf32>, vector<128x16xf32>, vector<1000x16xf32> -> vector<1000x16xf32>
    %max3A_43 = arith.constant 0.000000e+00 : f32
    %max3A_44 = vector.broadcast %max3A_43 : f32 to vector<1000x128xf32>
    %max3A_45 = arith.maximumf %get3A_19, %max3A_44 : vector<1000x128xf32>
    %get3A_46 = arith.constant 128 : index
    %get3A_47 = arith.constant 0 : index
    %get3A_48 = vector.load %arg7[%get3A_46, %get3A_47] : memref<256x16xf32, #tpu.memory_space<vmem>>, vector<128x16xf32>
    %dot_general3A_49 = arith.constant dense<0.000000e+00> : vector<1000x16xf32>
    %dot_general3A_50 = tpu.matmul %max3A_45, %get3A_48, %dot_general3A_49 {dimension_numbers = #tpu.dot_dimension_numbers<[1], [0], [0], [1], [0, 0, 1, 1], [], []>, transpose_lhs_hint = false} : vector<1000x128xf32>, vector<128x16xf32>, vector<1000x16xf32> -> vector<1000x16xf32>
    %add3A_51 = arith.addf %dot_general3A_42, %dot_general3A_50 : vector<1000x16xf32>
    %swap3A = arith.constant 0 : index
    %swap3A_52 = arith.constant 0 : index
    %swap3A_53 = vector.load %arg8[%swap3A, %swap3A_52] : memref<1000x16xf32, #tpu.memory_space<vmem>>, vector<1000x16xf32>
    tpu.vector_store %arg8[%swap3A, %swap3A_52], %add3A_51 {strides = array<i32>} : memref<1000x16xf32, #tpu.memory_space<vmem>>, vector<1000x16xf32>,
    return
  }
  func.func @transform_0(%arg0: i32) -> (i32, i32) {
    %c0_i32 = arith.constant 0 : i32
    %c0_i32_0 = arith.constant 0 : i32
    return %arg0, %c0_i32 : i32, i32
  }
  func.func @transform_1(%arg0: i32) -> (i32, i32, i32) {
    %c0_i32 = arith.constant 0 : i32
    %c0_i32_0 = arith.constant 0 : i32
    %c0_i32_1 = arith.constant 0 : i32
    return %c0_i32, %arg0, %c0_i32_0 : i32, i32, i32
  }
  func.func @transform_2(%arg0: i32) -> (i32, i32) {
    %c0_i32 = arith.constant 0 : i32
    %c0_i32_0 = arith.constant 0 : i32
    return %arg0, %c0_i32 : i32, i32
  }
  func.func @transform_3(%arg0: i32) -> (i32, i32) {
    %c0_i32 = arith.constant 0 : i32
    %c0_i32_0 = arith.constant 0 : i32
    %c0_i32_1 = arith.constant 0 : i32
    return %c0_i32, %c0_i32_0 : i32, i32
  }
  func.func @transform_4(%arg0: i32) -> (i32, i32) {
    %c0_i32 = arith.constant 0 : i32
    %c0_i32_0 = arith.constant 0 : i32
    %c0_i32_1 = arith.constant 0 : i32
    return %c0_i32, %c0_i32_0 : i32, i32
  }
  func.func @transform_5(%arg0: i32) -> (i32, i32) {
    %c0_i32 = arith.constant 0 : i32
    %c0_i32_0 = arith.constant 0 : i32
    %c0_i32_1 = arith.constant 0 : i32
    return %c0_i32, %c0_i32_0 : i32, i32
  }
  func.func @transform_6(%arg0: i32) -> (i32, i32) {
    %c0_i32 = arith.constant 0 : i32
    %c0_i32_0 = arith.constant 0 : i32
    %c0_i32_1 = arith.constant 0 : i32
    return %c0_i32, %c0_i32_0 : i32, i32
  }
  func.func @transform_7(%arg0: i32) -> (i32, i32) {
    %c0_i32 = arith.constant 0 : i32
    %c0_i32_0 = arith.constant 0 : i32
    return %arg0, %c0_i32 : i32, i32
  }
}

</mosaic_0001>

<sc_bundles>
// kernel: kernel.10.cloned.1.call-start
scs
__scs_entry_jumppad:
0x0: {  	(pc) =	sbr.rel $0x88, $3  }
0x1: {  	(tag) =	ssettag $0x0;
	lr =	simm.s32 $0x1  }
0x2: {  	[smem:$0x3F98] =	sst lr;
	_ =	strace $0xD0000000  }
0x3: {  	_ = 	snop  }
0x4: {  	_ = 	snop  }
0x5: {  	_ = 	snop  }
0x6: {  	_ = 	snop  }
0x7: {  	_ = 	snop  }
__scs_overlays_trampoline_lowered:
0x8: {  	[smem:$0x3FA7] =	sst s0  }
0x9: {  	[smem:$0x3FA8] =	sst s1  }
0xa: {  	[smem:$0x3FA9] =	sst s2  }
0xb: {  	[smem:$0x3FAA] =	sst s3  }
0xc: {  	[smem:$0x3FAB] =	sst s4  }
0xd: {  	[smem:$0x3FAC] =	sst s5  }
0xe: {  	[smem:$0x3FAD] =	sst s6  }
0xf: {  	[smem:$0x3FAE] =	sst s7  }
0x10: {  	[smem:$0x3FAF] =	sst s8  }
0x11: {  	[smem:$0x3FB0] =	sst s9;
	s0 =	simm.s32 @!p0 $0x0  }
0x12: {  	s1 =	sld [smem:$0x3F96];
	s0 =	simm.s32 @p0 $0x1  }
0x13: {  	[smem:$0x3FB1] =	sst s0;
	s0 =	simm.s32 @!p1 $0x0  }
0x14: {  	s2 =	sld [smem:$0x3F95];
	s0 =	simm.s32 @p1 $0x1  }
0x15: {  	[smem:$0x3FB2] =	sst s0;
	s0 =	simm.s32 @!p2 $0x0  }
0x16: {  	s3 =	sld [smem:$0x3FDB];
	s0 =	simm.s32 @p2 $0x1  }
0x17: {  	s4 =	simm.s32 $0x1BF5;
	[smem:$0x3FB4] =	sst s0  }
0x18: {  	s0 =	sld [smem:$0x3F97];
	_ =	swait.ge [sflag:s4], $0x0  }
0x19: {  	s7 =	sld [smem:$0x3F98]  }
0x1a: {  	s8 =	sadd.s32 $0xFFFFE003, lr  }
0x1b: {  	s9 =	sadd.s32 $0xFFFFFEF7, lr;
	s5 =	simm.s32 $0xFFFFFFFF;
	p2 =	slt.u32 s8, $0xFFFFF086  }
0x1c: {  	p1 =	slt.u32 s9, $0xF7A;
	s5 =	simm.s32 @!p2 $0x0  }
0x1d: {  	s5 =	simm.s32 @p1 $0x1;
	p0 =	seq.s32 s7, s2  }
0x1e: {  	s7 =	smul.u32 @!p0 $0xF7A, s2;
	p2 =	seq.s32 @!p0 s5, $0x0  }
0x1f: {  	s9 =	smul.u32 $0xF7A, s1;
	s8 =	simm.s32 @!p0 $0x1BF5;
	p2 =	por !p2, p0  }
0x20: {  	[sflag:s8] =	ssyncset.s32 @!p0 $0xFFFFF086;
	s6 =	sadd.s32 @!p0 s3, s7;
	s7 =	simm.s32 @!p0 $0x108  }
0x21: {  	s3 =	sadd.s32 s3, s9;
	s6 =	sadd.s32 @!p0 $0x88, s6;
	s7 =	simm.s32 @p2 $0x1082  }
0x22: {  	[simem:s7], [sflag:s8] =	dma.local @!p0 [hbm:s6], $0xF7A  }
0x23: {  	s9 =	sor.u32 $0xD0000000, s2;
	s6 =	simm.s32 $0x108;
	_ =	swait.ge @!p0 [sflag:s8], $0x0  }
0x24: {  	s3 =	sadd.s32 $0x88, s3;
	s6 =	simm.s32 @!p1 $0x1082;
	[sflag:s4] =	ssyncset.s32 $0xFFFFF086  }
0x25: {  	[simem:s6], [sflag:s4] =	dma.local [hbm:s3], $0xF7A  }
0x26: {  	[smem:$0x3F98] =	sst s1;
	(tag) =	ssettag s2;
	_ =	strace s9  }
0x27: {  	s1 =	sld [smem:$0x3FA8]  }
0x28: {  	s2 =	sld [smem:$0x3FA9]  }
0x29: {  	s4 =	sld [smem:$0x3FAB]  }
0x2a: {  	p0 =	seq.s32 s5, $0x0;
	s5 =	sld [smem:$0x3FAC]  }
0x2b: {  	s6 =	sld [smem:$0x3FAD]  }
0x2c: {  	s7 =	sld [smem:$0x3FAE]  }
0x2d: {  	s3 =	simm.s32 $0x108;
	s8 =	sld [smem:$0x3FAF]  }
0x2e: {  	s3 =	simm.s32 @!p0 $0x1082;
	s9 =	sld [smem:$0x3FB0]  }
0x2f: {  	lr =	sadd.s32 s0, s3;
	s0 =	sld [smem:$0x3FA7]  }
0x30: {  	s3 =	sld [smem:$0x3FAA]  }
0x31: {  	[smem:$0x3FB3] =	sst s10  }
0x32: {  	s10 =	sld [smem:$0x3FB1];
	_ =	sdelay $0x3  }
0x33: {  	p0 =	seq.s32 s10, $0x1;
	s10 =	sld [smem:$0x3FB3];
	_ =	sdelay $0x3  }
0x34: {  	[smem:$0x3FB3] =	sst s10  }
0x35: {  	s10 =	sld [smem:$0x3FB2];
	_ =	sdelay $0x3  }
0x36: {  	p1 =	seq.s32 s10, $0x1;
	s10 =	sld [smem:$0x3FB3];
	_ =	sdelay $0x3  }
0x37: {  	[smem:$0x3FB3] =	sst s10  }
0x38: {  	s10 =	sld [smem:$0x3FB4]  }
0x39: {  	_ = 	snop;
	(pc) =	sbr.ind lr, $3  }
0x3a: {  	_ = 	snop  }
0x3b: {  	_ = 	snop  }
0x3c: {  	p2 =	seq.s32 s10, $0x1;
	s10 =	sld [smem:$0x3FB3]  }
0x3d: {  	_ =	shalt  }
0x3e: {  	_ =	shalt  }
0x3f: {  	_ =	shalt  }
0x40: {  	_ =	shalt  }
0x41: {  	_ =	shalt  }
0x42: {  	_ =	shalt  }
0x43: {  	_ =	shalt  }
0x44: {  	_ =	shalt  }
0x45: {  	_ =	shalt  }
0x46: {  	_ =	shalt  }
0x47: {  	_ =	shalt  }
0x48: {  	_ =	shalt  }
0x49: {  	_ =	shalt  }
0x4a: {  	_ =	shalt  }
0x4b: {  	_ =	shalt  }
0x4c: {  	_ =	shalt  }
0x4d: {  	_ =	shalt  }
0x4e: {  	_ =	shalt  }
0x4f: {  	_ =	shalt  }
0x50: {  	_ =	shalt  }
0x51: {  	_ =	shalt  }
0x52: {  	_ =	shalt  }
0x53: {  	_ =	shalt  }
0x54: {  	_ =	shalt  }
0x55: {  	_ =	shalt  }
0x56: {  	_ =	shalt  }
0x57: {  	_ =	shalt  }
0x58: {  	_ =	shalt  }
0x59: {  	_ =	shalt  }
0x5a: {  	_ =	shalt  }
0x5b: {  	_ =	shalt  }
0x5c: {  	_ =	shalt  }
0x5d: {  	_ =	shalt  }
0x5e: {  	_ =	shalt  }
0x5f: {  	_ =	shalt  }
0x60: {  	_ =	shalt  }
0x61: {  	_ =	shalt  }
0x62: {  	_ =	shalt  }
0x63: {  	_ =	shalt  }
0x64: {  	_ =	shalt  }
0x65: {  	_ =	shalt  }
0x66: {  	_ =	shalt  }
0x67: {  	_ =	shalt  }
0x68: {  	_ =	shalt  }
0x69: {  	_ =	shalt  }
0x6a: {  	_ =	shalt  }
0x6b: {  	_ =	shalt  }
0x6c: {  	_ =	shalt  }
0x6d: {  	_ =	shalt  }
0x6e: {  	_ =	shalt  }
0x6f: {  	_ =	shalt  }
0x70: {  	_ =	shalt  }
0x71: {  	_ =	shalt  }
0x72: {  	_ =	shalt  }
0x73: {  	_ =	shalt  }
0x74: {  	_ =	shalt  }
0x75: {  	_ =	shalt  }
0x76: {  	_ =	shalt  }
0x77: {  	_ =	shalt  }
0x78: {  	_ =	shalt  }
0x79: {  	_ =	shalt  }
0x7a: {  	_ =	shalt  }
0x7b: {  	_ =	shalt  }
0x7c: {  	_ =	shalt  }
0x7d: {  	_ =	shalt  }
0x7e: {  	_ =	shalt  }
0x7f: {  	_ =	shalt  }
0x80: {  	_ =	shalt  }
0x81: {  	_ =	shalt  }
0x82: {  	_ =	shalt  }
0x83: {  	_ =	shalt  }
0x84: {  	_ =	shalt  }
0x85: {  	_ =	shalt  }
0x86: {  	_ =	shalt  }
0x87: {  	_ =	shalt  }
.Lfunc_end0:
.L_simem_size_0:
called_computation.1_lowered:
.L_overlay_start_0:
0x88: {  	s2 =	sld [smem:$0x3FD9]  }
0x89: {  	s3 =	sld [smem:$0x3FFE];
	_ =	sdelay $0x1  }
0x8a: {  	s1 =	srdreg.scid  }
0x8b: {  	s0 =	sand.u32 $0x1, s1  }
0x8c: {  	s17 =	sshll.u32 s0, $0xA;
	s2 =	sadd.s32 s3, s2  }
0x8d: {  	s2 =	sadd.s32 s2, s17  }
0x8e: {  	[smem:$0x3FBF] =	sst s2  }
0x8f: {  	_ = 	snop  }
0x90: {  	s2 =	sld [smem:$0x3FD0];
	(tm) =	ssettm $0x1  }
0x91: {  	s18 =	sld [smem:$0x3FFB];
	_ =	sdelay $0x3  }
0x92: {  	_ =	strace s18  }
0x93: {  	s3 =	sld [smem:$0x3FFC];
	_ =	sdelay $0x3  }
0x94: {  	_ =	strace s3  }
0x95: {  	s3 =	sld [smem:$0x3FFD];
	_ =	sdelay $0x3  }
0x96: {  	_ =	strace s3  }
0x97: {  	_ =	strace $0x8FFFFFFF  }
0x98: {  	s19 =	sld [smem:$0x3FDB];
	_ =	sdelay $0x1  }
0x99: {  	s4 =	simm.s32 $_scs_section_size  }
0x9a: {  	s5 =	simm.s32 $_size__tile_overlayer_lowered;
	s6 =	simm.s32 $_tile_overlayer_lowered  }
0x9b: {  	s22 =	simm.s32 $0x1BFF;
	s21 =	sshll.u32 s6, $0x1;
	s3 =	sadd.s32 s4, s19  }
0x9c: {  	s7 =	simm.s32 $0x0;
	s20 =	sshll.u32 s5, $0x1;
	s5 =	sadd.s32 s21, s3  }
0x9d: {  	[timem:s7], [sflag:s22] =	dma.local [hbm:s5], s20  }
0x9e: {  	_ =	swait.ge [sflag:s22], s20  }
0x9f: {  	s4 =	ssub.s32 $0x0, s20;
	[sflag:s22] =	ssyncset.done $0x0  }
0xa0: {  	[sflag:s22] =	ssyncadd.s32 s4;
	_ =	sdelay $0x1  }
0xa1: {  	s23 =	simm.s32 $0x1B8B  }
0xa2: {  	_ =	swait.ge [sflag:s23], $0x1  }
0xa3: {  	[sflag:s23] =	ssyncset.done $0x0  }
0xa4: {  	s25 =	simm.s32 $0x1B8E;
	s24 =	sld [smem:$0x3FFE];
	[sflag:s23] =	ssyncadd.s32 $0xFFFFFFFF  }
0xa5: {  	s26 =	simm.s32 $execute0_lowered;
	[smem:$0x3FD2] =	sst s25  }
0xa6: {  	s5 =	sshll.u32 s26, $0x1;
	_ =	strace $0x80000049;
	[dreg:$0x1] =	wrdreg $0xFFFFFFFF  }
0xa7: {  	s28 =	simm.s32 $_size_execute0_lowered;
	s3 =	sadd.s32 s3, s5;
	[dreg:$0x0] =	wrdreg $0x0  }
0xa8: {  	s5 =	sshll.u32 s28, $0x1;
	[dreg:$0x2] =	wrdreg s3  }
0xa9: {  	[dreg:$0x3] =	wrdreg s5  }
0xaa: {  	[dreg:$0x4] =	wrdreg $0xC0  }
0xab: {  	_ =	task [dreg:s7], $0x5FFFF  }
0xac: {  	[dreg:$0x1] =	wrdreg $0xFFFFFFFF  }
0xad: {  	[dreg:$0x0] =	wrdreg $0x60  }
0xae: {  	[dreg:$0x2] =	wrdreg s24  }
0xaf: {  	[dreg:$0x3] =	wrdreg s2  }
0xb0: {  	[dreg:$0x4] =	wrdreg $0x0  }
0xb1: {  	[dreg:$0x5] =	wrdreg $0x9  }
0xb2: {  	_ =	task.clear_ibuf [dreg:s7], $0x6FFFF;
	_ =	strace $0x90000049  }
0xb3: {  	s29 =	simm.s32 $0x9;
	_ =	strace $0x8000004B  }
0xb4: {  	_ =	swait.ge [sflag:s29], $0x1  }
0xb5: {  	[sflag:s29] =	ssyncadd.s32 $0xFFFFFFFF  }
0xb6: {  	_ =	strace $0x9000004B  }
0xb7: {  	_ =	sfence  }
0xb8: {  	s30 =	sld [smem:$0x0];
	_ =	sdelay $0x2  }
0xb9: {  	s31 =	sshll.u32 s1, $0xD;
	s1 =	sshrl.u32 s1, $0x2  }
0xba: {  	s3 =	sand.u32 $0x4000, s31;
	s1 =	sadd.s32 s1, s30  }
0xbb: {  	s0 =	sor.u32 s3, s0;
	s1 =	sshll.u32 s1, $0x11  }
0xbc: {  	s0 =	sor.u32 s1, s0  }
0xbd: {  	s0 =	sadd.s32 $0x8F2B, s0  }
0xbe: {  	[sflag:s0] =	ssyncadd.remote.s32 $0x1  }
0xbf: {  	_ =	sfence.sel $0xFFFF  }
0xc0: {  	[dreg:$0x0] =	wrdreg $0xFFFFFFFF;
	(pc) =	sbr.abs _section_cstart, $3  }
0xc1: {  	[dreg:$0x1] =	wrdreg $0xFFFFFFFF  }
0xc2: {  	_ =	task.clear_ibuf [dreg:s7], $0x2FFFF;
	_ =	strace $0x9FFFFFFF  }
0xc3: {  	(tm) =	ssettm $0x7FFFFFFF  }
tec
execute0_lowered:
.L_overlay_start_1:
0x0: {  	(tag) =	ssettag $0x1  }
0x1: {  	s0 =	rddreg [dreg:$0x0]  }
0x2: {  	s2 =	rddreg [dreg:$0x1]  }
0x3: {  	s3 =	rddreg [dreg:$0x2]  }
0x4: {  	s5 =	srdreg.scid;
	s1 =	stileid.u32  }
0x5: {  	s4 =	simm.s32 $0x0;
	s13 =	simm.s32 $0x3;
	s14 =	simm.s32 $0x13C00  }
0x6: {  	s15 =	simm.s32 $0x15000;
	s16 =	simm.s32 $0x80;
	s17 =	simm.s32 $0x16400  }
0x7: {  	s18 =	simm.s32 $0x13C80;
	s19 =	simm.s32 $0x18400;
	s20 =	simm.s32 $0x1  }
0x8: {  	s21 =	simm.s32 $0x1A400;
	s22 =	simm.s32 $0x2;
	s23 =	simm.s32 $0x16300  }
0x9: {  	s24 =	simm.s32 $0x16380;
	s8 =	sand.u32 $0x1, s5;
	s9 =	smul.u32 $0x13C00, s1  }
0xa: {  	[smem:$0x7FF] =	sst s4;
	s5 =	sadd.s32 $0x800, s0;
	s6 =	sadd.s32 $0x1E200, s0  }
0xb: {  	s31 =	sshll.u32 s1, $0x6;
	s7 =	smul.u32 $0x13C000, s8;
	s11 =	ssub.s32 $0x2, s8  }
0xc: {  	_ =	strace $0x8000004A;
	s8 =	sshll.u32 s8, $0x4;
	s30 =	sshrl.u32 s11, $0x1  }
0xd: {  	s8 =	sor.u32 s1, s8;
	s12 =	sadd.s32 s9, s3;
	s10 =	sadd.s32 s9, s7  }
0xe: {  	s7 =	sadd.s32 $0x14200, s0;
	s11 =	ssub.s32 s11, s30;
	s10 =	sshrl.u32 s10, $0x3  }
0xf: {  	s8 =	smul.u32 $0x50, s8;
	s9 =	sor.u32 $0x1C03, s31;
	s0 =	sadd.s32 s10, s0  }
0x10: {  	s12 =	sshrl.u32 s12, $0x3;
	s11 =	smax.u32 s11, $0x1;
	s10 =	sadd.s32 $0x28200, s0  }
.LBB2_1:
0x11: {  	[spmem:s12], [sflag:s9] =	dma.local [hbm:s2], $0x2780  }
0x12: {  	_ =	swait.ge [sflag:s13], $0x2780  }
0x13: {  	[sflag:s13] =	ssyncset.done $0x0  }
0x14: {  	[sflag:s13] =	ssyncadd.s32 $0xFFFFD880  }
0x15: {  	p1 =	por $0x1, $0x1;
	s0 =	simm.s32 $0x0;
	[bflag:$0x0] =	sbarrier.arrive $0xFFFF  }
.LBB2_2:
0x16: {  	s0 =	sadd.s32 s8, s0  }
0x17: {  	s0 =	sshll.u32 s0, $0x4  }
0x18: {  	s25 =	simm.s32 $0x0;
	s26 =	sadd.s32 s6, s0  }
0x19: {  	[tilespmem:s14], [sflag:$0x3] =	stream.linear.gather [hbm4b:s26+s25], $0x1400, $0x38;
	[tilespmem:$0x1E400] =	vst v63  }
0x1a: {  	_ =	swait.ge [sflag:s13], $0x1400  }
0x1b: {  	[sflag:s13] =	ssyncset.done $0x0  }
0x1c: {  	s0 =	sadd.s32 s7, s0;
	[sflag:s13] =	ssyncadd.s32 $0xFFFFEC00  }
0x1d: {  	[tilespmem:s15], [sflag:$0x3] =	stream.linear.gather [hbm4b:s0+s25], $0x1400, $0x38;
	[tilespmem:$0x1E400] =	vst v63  }
0x1e: {  	_ =	swait.ge [sflag:s13], $0x1400  }
0x1f: {  	[sflag:s13] =	ssyncset.done $0x0  }
0x20: {  	[sflag:s13] =	ssyncadd.s32 $0xFFFFEC00  }
0x21: {  	[tilespmem:s17], [sflag:$0x1] =	stream.indirect.gather [hbm4b:s5+s16], $0x40, s14, s16, $0xb8;
	[tilespmem:$0x1E400] =	vst v63  }
0x22: {  	p0 =	por p1, p1  }
0x23: {  	[tilespmem:s19], [sflag:$0x2] =	stream.indirect.gather [hbm4b:s5+s16], $0x40, s18, s16, $0xb8;
	[tilespmem:$0x1E400] =	vst v63  }
.LBB2_3:
0x24: {  	_ =	swait.ge [sflag:s20], $0x2000  }
0x25: {  	[sflag:s20] =	ssyncset.done $0x0  }
0x26: {  	s28 =	simm.s32 $0x16480;
	[sflag:s20] =	ssyncadd.s32 $0xFFFFE000  }
0x27: {  	v0 =	vld [tilespmem:s28+$0x40];
	_ =	sdelay $0x1  }
0x28: {  	v1 =	vld [tilespmem:s28+$0xFFFFFFC0]  }
0x29: {  	v2 =	vld [tilespmem:s28+$0xFFFFFF80];
	_ =	sdelay $0x1  }
0x2a: {  	s26 =	simm.s32 $0x1A500;
	v3 =	vshll.u32 v0, $0x10  }
0x2b: {  	v4 =	vld [tilespmem:s28+$0x0];
	v0 =	vand.u32 $0xFFFF0000, v0;
	[tilespmem:s26+$0x80] =	vst v3  }
0x2c: {  	v3 =	vshll.u32 v1, $0x10;
	[tilespmem:s26+$0xC0] =	vst v0  }
0x2d: {  	v0 =	vshll.u32 v2, $0x10;
	[tilespmem:s26+$0xFFFFFF80] =	vst v3;
	v3 =	vld [tilespmem:s28+$0x50]  }
0x2e: {  	v2 =	vand.u32 $0xFFFF0000, v2;
	[tilespmem:s26+$0xFFFFFF00] =	vst v0  }
0x2f: {  	v0 =	vand.u32 $0xFFFF0000, v1;
	[tilespmem:s26+$0xFFFFFF40] =	vst v2  }
0x30: {  	v1 =	vshll.u32 v4, $0x10;
	v2 =	vld [tilespmem:s28+$0xFFFFFF90];
	[tilespmem:s26+$0xFFFFFFC0] =	vst v0  }
0x31: {  	v0 =	vand.u32 $0xFFFF0000, v4;
	[tilespmem:s26+$0x0] =	vst v1  }
0x32: {  	v1 =	vld [tilespmem:s28+$0xFFFFFFD0];
	[tilespmem:s26+$0x40] =	vst v0;
	v0 =	vshll.u32 v3, $0x10  }
0x33: {  	v3 =	vand.u32 $0xFFFF0000, v3;
	[tilespmem:s26+$0x90] =	vst v0  }
0x34: {  	v0 =	vld [tilespmem:s28+$0x10];
	[tilespmem:s26+$0xD0] =	vst v3  }
0x35: {  	v3 =	vshll.u32 v2, $0x10;
	v4 =	vld [tilespmem:s28+$0x60]  }
0x36: {  	v2 =	vand.u32 $0xFFFF0000, v2;
	[tilespmem:s26+$0xFFFFFF10] =	vst v3  }
0x37: {  	v3 =	vshll.u32 v1, $0x10;
	[tilespmem:s26+$0xFFFFFF50] =	vst v2  }
0x38: {  	v1 =	vand.u32 $0xFFFF0000, v1;
	[tilespmem:s26+$0xFFFFFF90] =	vst v3  }
0x39: {  	v2 =	vld [tilespmem:s28+$0xFFFFFFA0];
	[tilespmem:s26+$0xFFFFFFD0] =	vst v1;
	v3 =	vshll.u32 v0, $0x10  }
0x3a: {  	[tilespmem:s26+$0x10] =	vst v3;
	v1 =	vshll.u32 v4, $0x10  }
0x3b: {  	v3 =	vld [tilespmem:s28+$0xFFFFFFE0];
	v4 =	vand.u32 $0xFFFF0000, v4;
	[tilespmem:s26+$0xA0] =	vst v1  }
0x3c: {  	v0 =	vand.u32 $0xFFFF0000, v0;
	[tilespmem:s26+$0xE0] =	vst v4  }
0x3d: {  	[tilespmem:s26+$0x50] =	vst v0;
	v0 =	vld [tilespmem:s28+$0x70]  }
0x3e: {  	v1 =	vshll.u32 v2, $0x10  }
0x3f: {  	v4 =	vld [tilespmem:s28+$0x20];
	v2 =	vand.u32 $0xFFFF0000, v2;
	[tilespmem:s26+$0xFFFFFF20] =	vst v1  }
0x40: {  	[tilespmem:s26+$0xFFFFFF60] =	vst v2;
	v2 =	vand.u32 $0xFFFF0000, v3  }
0x41: {  	v1 =	vshll.u32 v3, $0x10;
	[tilespmem:s26+$0xFFFFFFE0] =	vst v2;
	v2 =	vld [tilespmem:s28+$0xFFFFFFB0]  }
0x42: {  	[tilespmem:s26+$0xFFFFFFA0] =	vst v1;
	v1 =	vand.u32 $0xFFFF0000, v0  }
0x43: {  	[tilespmem:s26+$0xF0] =	vst v1;
	v1 =	vld [tilespmem:s28+$0xFFFFFFF0]  }
0x44: {  	v5 =	vshll.u32 v4, $0x10  }
0x45: {  	s30 =	simm.s32 $0x0;
	s31 =	simm.s32 $0x16580;
	s29 =	simm.s32 $0x1A500;
	v3 =	vand.u32 $0xFFFF0000, v4;
	v0 =	vshll.u32 v0, $0x10;
	[tilespmem:s26+$0x20] =	vst v5  }
.LBB2_4:
0x46: {  	v4 =	vld [tilespmem:s31+$0x40];
	v5 =	vshll.u32 v2, $0x10;
	v2 =	vand.u32 $0xFFFF0000, v2;
	[tilespmem:s26+$0x60] =	vst v3  }
0x47: {  	v3 =	vld [tilespmem:s31+$0xFFFFFFC0];
	[tilespmem:s26+$0xFFFFFF30] =	vst v5  }
0x48: {  	v5 =	vld [tilespmem:s31+$0x0];
	[tilespmem:s26+$0xFFFFFF70] =	vst v2;
	v2 =	vshll.u32 v1, $0x10;
	v1 =	vand.u32 $0xFFFF0000, v1  }
0x49: {  	s30 =	sadd.s32 $0x4, s30;
	v6 =	vld [tilespmem:s31+$0xFFFFFF80];
	[tilespmem:s26+$0xFFFFFFB0] =	vst v2  }
0x4a: {  	p1 =	slt.u32 s30, $0x7C;
	[tilespmem:s26+$0xFFFFFFF0] =	vst v1;
	v1 =	vld [tilespmem:s28+$0x30];
	s28 =	smov.u32 s31  }
0x4b: {  	s26 =	sadd.s32 $0x200, s26;
	v2 =	vshll.u32 v4, $0x10;
	[tilespmem:s29+$0xB0] =	vst v0  }
0x4c: {  	v4 =	vand.u32 $0xFFFF0000, v4;
	v0 =	vshll.u32 v3, $0x10;
	v3 =	vand.u32 $0xFFFF0000, v3;
	[tilespmem:s26+$0x80] =	vst v2  }
0x4d: {  	v2 =	vshll.u32 v5, $0x10;
	v5 =	vand.u32 $0xFFFF0000, v5;
	[tilespmem:s26+$0xC0] =	vst v4  }
0x4e: {  	v4 =	vshll.u32 v6, $0x10;
	v6 =	vand.u32 $0xFFFF0000, v6;
	[tilespmem:s26+$0xFFFFFF80] =	vst v0;
	v0 =	vld [tilespmem:s31+$0x50]  }
0x4f: {  	[tilespmem:s26+$0xFFFFFF00] =	vst v4;
	v4 =	vshll.u32 v1, $0x10;
	v7 =	vand.u32 $0xFFFF0000, v1  }
0x50: {  	[tilespmem:s26+$0xFFFFFF40] =	vst v6  }
0x51: {  	v1 =	vld [tilespmem:s31+$0xFFFFFF90];
	[tilespmem:s26+$0xFFFFFFC0] =	vst v3  }
0x52: {  	v3 =	vld [tilespmem:s31+$0xFFFFFFD0];
	[tilespmem:s26+$0x0] =	vst v2  }
0x53: {  	[tilespmem:s26+$0x40] =	vst v5;
	v2 =	vshll.u32 v0, $0x10  }
0x54: {  	v0 =	vand.u32 $0xFFFF0000, v0;
	v5 =	vld [tilespmem:s31+$0x10];
	[tilespmem:s26+$0x90] =	vst v2  }
0x55: {  	[tilespmem:s26+$0xD0] =	vst v0  }
0x56: {  	v0 =	vshll.u32 v1, $0x10;
	v1 =	vand.u32 $0xFFFF0000, v1;
	v2 =	vld [tilespmem:s31+$0x60];
	[tilespmem:s29+$0x30] =	vst v4  }
0x57: {  	[tilespmem:s26+$0xFFFFFF10] =	vst v0;
	v0 =	vshll.u32 v3, $0x10;
	v3 =	vand.u32 $0xFFFF0000, v3  }
0x58: {  	[tilespmem:s26+$0xFFFFFF50] =	vst v1  }
0x59: {  	v1 =	vld [tilespmem:s31+$0xFFFFFFA0];
	[tilespmem:s26+$0xFFFFFF90] =	vst v0;
	v0 =	vshll.u32 v5, $0x10;
	v4 =	vand.u32 $0xFFFF0000, v5  }
0x5a: {  	[tilespmem:s26+$0xFFFFFFD0] =	vst v3  }
0x5b: {  	v3 =	vld [tilespmem:s31+$0xFFFFFFE0];
	[tilespmem:s26+$0x10] =	vst v0;
	v0 =	vshll.u32 v2, $0x10  }
0x5c: {  	v2 =	vand.u32 $0xFFFF0000, v2;
	[tilespmem:s26+$0xA0] =	vst v0  }
0x5d: {  	[tilespmem:s26+$0xE0] =	vst v2  }
0x5e: {  	v0 =	vshll.u32 v1, $0x10;
	v1 =	vand.u32 $0xFFFF0000, v1;
	[tilespmem:s26+$0x50] =	vst v4;
	v4 =	vld [tilespmem:s31+$0x70]  }
0x5f: {  	[tilespmem:s26+$0xFFFFFF20] =	vst v0;
	v5 =	vld [tilespmem:s31+$0x20]  }
0x60: {  	[tilespmem:s26+$0xFFFFFF60] =	vst v1;
	v0 =	vshll.u32 v3, $0x10;
	v1 =	vand.u32 $0xFFFF0000, v3  }
.Ltmp0:
0x61: {  	v2 =	vld [tilespmem:s31+$0xFFFFFFB0];
	[tilespmem:s26+$0xFFFFFFA0] =	vst v0;
	(pc) =	sbr.rel @p1 .LBB2_4-.Ltmp0, $4  }
0x62: {  	[tilespmem:s26+$0xFFFFFFE0] =	vst v1  }
0x63: {  	v1 =	vld [tilespmem:s31+$0xFFFFFFF0];
	v0 =	vshll.u32 v4, $0x10;
	v4 =	vand.u32 $0xFFFF0000, v4;
	[tilespmem:s29+$0x70] =	vst v7;
	s29 =	smov.u32 s26  }
0x64: {  	v6 =	vshll.u32 v5, $0x10;
	v3 =	vand.u32 $0xFFFF0000, v5;
	[tilespmem:s26+$0xF0] =	vst v4  }
0x65: {  	s31 =	sadd.s32 $0x100, s31;
	[tilespmem:s26+$0x20] =	vst v6  }
0x66: {  	[tilespmem:s26+$0x60] =	vst v3  }
0x67: {  	v4 =	vld [tilespmem:s28+$0x30]  }
0x68: {  	v3 =	vshll.u32 v2, $0x10;
	[tilespmem:s29+$0xB0] =	vst v0  }
0x69: {  	v2 =	vand.u32 $0xFFFF0000, v2;
	[tilespmem:s26+$0xFFFFFF30] =	vst v3  }
0x6a: {  	[tilespmem:s26+$0xFFFFFF70] =	vst v2;
	v2 =	vshll.u32 v1, $0x10  }
0x6b: {  	v1 =	vand.u32 $0xFFFF0000, v1;
	[tilespmem:s26+$0xFFFFFFB0] =	vst v2  }
0x6c: {  	s0 =	sshll.u32 s25, $0x8;
	[tilespmem:s26+$0xFFFFFFF0] =	vst v1;
	v0 =	vshll.u32 v4, $0x10  }
0x6d: {  	s26 =	sand.u32 $0x3FFFFF00, s0;
	v1 =	vand.u32 $0xFFFF0000, v4;
	[tilespmem:s29+$0x30] =	vst v0  }
0x6e: {  	s0 =	sadd.s32 $0x15000, s26;
	[tilespmem:s29+$0x70] =	vst v1  }
0x6f: {  	[spmem:s3] =	stream.indirect.scatter.add.f32 [tilespmem:s21], [sflag:$0x3], $0x80, s0, s16, $0xb8;
	[tilespmem:$0x1E400] =	vst v63  }
0x70: {  	_ =	swait.ge [sflag:s13], $0x4000  }
0x71: {  	[sflag:s13] =	ssyncset.done $0x0  }
0x72: {  	s0 =	sadd.s32 $0x13D00, s26;
	[sflag:s13] =	ssyncadd.s32 $0xFFFFC000  }
0x73: {  	[tilespmem:s17], [sflag:$0x1] =	stream.indirect.gather [hbm4b:s5+s16], $0x40, s0, s16, $0xb8;
	[tilespmem:$0x1E400] =	vst v63  }
0x74: {  	_ =	swait.ge [sflag:s22], $0x2000  }
0x75: {  	[sflag:s22] =	ssyncset.done $0x0  }
0x76: {  	s29 =	simm.s32 $0x184F0;
	[sflag:s22] =	ssyncadd.s32 $0xFFFFE000  }
0x77: {  	v0 =	vld [tilespmem:s29+$0xFFFFFFD0];
	_ =	sdelay $0x1  }
0x78: {  	v1 =	vld [tilespmem:s29+$0xFFFFFF50]  }
0x79: {  	v2 =	vld [tilespmem:s29+$0xFFFFFF10];
	_ =	sdelay $0x1  }
0x7a: {  	s28 =	simm.s32 $0x1A500;
	v3 =	vshll.u32 v0, $0x10  }
0x7b: {  	v4 =	vld [tilespmem:s29+$0xFFFFFF90];
	v0 =	vand.u32 $0xFFFF0000, v0;
	[tilespmem:s28+$0x80] =	vst v3  }
0x7c: {  	v3 =	vshll.u32 v1, $0x10;
	[tilespmem:s28+$0xC0] =	vst v0  }
0x7d: {  	v0 =	vshll.u32 v2, $0x10;
	[tilespmem:s28+$0xFFFFFF80] =	vst v3;
	v3 =	vld [tilespmem:s29+$0xFFFFFFE0]  }
0x7e: {  	v2 =	vand.u32 $0xFFFF0000, v2;
	[tilespmem:s28+$0xFFFFFF00] =	vst v0  }
0x7f: {  	v0 =	vand.u32 $0xFFFF0000, v1;
	[tilespmem:s28+$0xFFFFFF40] =	vst v2  }
0x80: {  	v1 =	vshll.u32 v4, $0x10;
	v2 =	vld [tilespmem:s29+$0xFFFFFF20];
	[tilespmem:s28+$0xFFFFFFC0] =	vst v0  }
0x81: {  	v0 =	vand.u32 $0xFFFF0000, v4;
	[tilespmem:s28+$0x0] =	vst v1  }
0x82: {  	v1 =	vld [tilespmem:s29+$0xFFFFFF60];
	[tilespmem:s28+$0x40] =	vst v0;
	v0 =	vshll.u32 v3, $0x10  }
0x83: {  	v3 =	vand.u32 $0xFFFF0000, v3;
	[tilespmem:s28+$0x90] =	vst v0  }
0x84: {  	v0 =	vld [tilespmem:s29+$0xFFFFFFA0];
	[tilespmem:s28+$0xD0] =	vst v3  }
0x85: {  	v3 =	vshll.u32 v2, $0x10;
	v4 =	vld [tilespmem:s29+$0xFFFFFFF0]  }
0x86: {  	v2 =	vand.u32 $0xFFFF0000, v2;
	[tilespmem:s28+$0xFFFFFF10] =	vst v3  }
0x87: {  	v3 =	vshll.u32 v1, $0x10;
	[tilespmem:s28+$0xFFFFFF50] =	vst v2  }
0x88: {  	v1 =	vand.u32 $0xFFFF0000, v1;
	[tilespmem:s28+$0xFFFFFF90] =	vst v3  }
0x89: {  	v2 =	vld [tilespmem:s29+$0xFFFFFF30];
	[tilespmem:s28+$0xFFFFFFD0] =	vst v1;
	v3 =	vshll.u32 v0, $0x10  }
0x8a: {  	[tilespmem:s28+$0x10] =	vst v3;
	v1 =	vshll.u32 v4, $0x10  }
0x8b: {  	v3 =	vld [tilespmem:s29+$0xFFFFFF70];
	v4 =	vand.u32 $0xFFFF0000, v4;
	[tilespmem:s28+$0xA0] =	vst v1  }
0x8c: {  	v0 =	vand.u32 $0xFFFF0000, v0;
	[tilespmem:s28+$0xE0] =	vst v4  }
0x8d: {  	[tilespmem:s28+$0x50] =	vst v0;
	v0 =	vld [tilespmem:s29+$0x0]  }
0x8e: {  	v1 =	vshll.u32 v2, $0x10  }
0x8f: {  	v4 =	vld [tilespmem:s29+$0xFFFFFFB0];
	v2 =	vand.u32 $0xFFFF0000, v2;
	[tilespmem:s28+$0xFFFFFF20] =	vst v1  }
0x90: {  	[tilespmem:s28+$0xFFFFFF60] =	vst v2;
	v2 =	vand.u32 $0xFFFF0000, v3  }
0x91: {  	v1 =	vshll.u32 v3, $0x10;
	[tilespmem:s28+$0xFFFFFFE0] =	vst v2;
	v2 =	vld [tilespmem:s29+$0xFFFFFF40]  }
0x92: {  	[tilespmem:s28+$0xFFFFFFA0] =	vst v1;
	v1 =	vand.u32 $0xFFFF0000, v0  }
0x93: {  	[tilespmem:s28+$0xF0] =	vst v1;
	v1 =	vld [tilespmem:s29+$0xFFFFFF80]  }
0x94: {  	v5 =	vshll.u32 v4, $0x10  }
0x95: {  	s31 =	simm.s32 $0x0;
	s30 =	simm.s32 $0x1A500;
	s0 =	simm.s32 $0x185F0;
	v3 =	vand.u32 $0xFFFF0000, v4;
	v0 =	vshll.u32 v0, $0x10;
	[tilespmem:s28+$0x20] =	vst v5  }
.LBB2_6:
0x96: {  	v4 =	vld [tilespmem:s0+$0xFFFFFFD0];
	v5 =	vshll.u32 v2, $0x10;
	v2 =	vand.u32 $0xFFFF0000, v2;
	[tilespmem:s28+$0x60] =	vst v3  }
0x97: {  	v3 =	vld [tilespmem:s0+$0xFFFFFF50];
	[tilespmem:s28+$0xFFFFFF30] =	vst v5  }
0x98: {  	v5 =	vld [tilespmem:s0+$0xFFFFFF90];
	[tilespmem:s28+$0xFFFFFF70] =	vst v2;
	v2 =	vshll.u32 v1, $0x10;
	v1 =	vand.u32 $0xFFFF0000, v1  }
0x99: {  	s31 =	sadd.s32 $0x4, s31;
	v6 =	vld [tilespmem:s0+$0xFFFFFF10];
	[tilespmem:s28+$0xFFFFFFB0] =	vst v2  }
0x9a: {  	p1 =	slt.u32 s31, $0x7C;
	[tilespmem:s28+$0xFFFFFFF0] =	vst v1;
	v1 =	vld [tilespmem:s29+$0xFFFFFFC0];
	s29 =	smov.u32 s0  }
0x9b: {  	s28 =	sadd.s32 $0x200, s28;
	v2 =	vshll.u32 v4, $0x10;
	[tilespmem:s30+$0xB0] =	vst v0  }
0x9c: {  	v4 =	vand.u32 $0xFFFF0000, v4;
	v0 =	vshll.u32 v3, $0x10;
	v3 =	vand.u32 $0xFFFF0000, v3;
	[tilespmem:s28+$0x80] =	vst v2  }
0x9d: {  	v2 =	vshll.u32 v5, $0x10;
	v5 =	vand.u32 $0xFFFF0000, v5;
	[tilespmem:s28+$0xC0] =	vst v4  }
0x9e: {  	v4 =	vshll.u32 v6, $0x10;
	v6 =	vand.u32 $0xFFFF0000, v6;
	[tilespmem:s28+$0xFFFFFF80] =	vst v0;
	v0 =	vld [tilespmem:s0+$0xFFFFFFE0]  }
0x9f: {  	[tilespmem:s28+$0xFFFFFF00] =	vst v4;
	v4 =	vshll.u32 v1, $0x10;
	v7 =	vand.u32 $0xFFFF0000, v1  }
0xa0: {  	[tilespmem:s28+$0xFFFFFF40] =	vst v6  }
0xa1: {  	v1 =	vld [tilespmem:s0+$0xFFFFFF20];
	[tilespmem:s28+$0xFFFFFFC0] =	vst v3  }
0xa2: {  	v3 =	vld [tilespmem:s0+$0xFFFFFF60];
	[tilespmem:s28+$0x0] =	vst v2  }
0xa3: {  	[tilespmem:s28+$0x40] =	vst v5;
	v2 =	vshll.u32 v0, $0x10  }
0xa4: {  	v0 =	vand.u32 $0xFFFF0000, v0;
	v5 =	vld [tilespmem:s0+$0xFFFFFFA0];
	[tilespmem:s28+$0x90] =	vst v2  }
0xa5: {  	[tilespmem:s28+$0xD0] =	vst v0  }
0xa6: {  	v0 =	vshll.u32 v1, $0x10;
	v1 =	vand.u32 $0xFFFF0000, v1;
	v2 =	vld [tilespmem:s0+$0xFFFFFFF0];
	[tilespmem:s30+$0x30] =	vst v4  }
0xa7: {  	[tilespmem:s28+$0xFFFFFF10] =	vst v0;
	v0 =	vshll.u32 v3, $0x10;
	v3 =	vand.u32 $0xFFFF0000, v3  }
0xa8: {  	[tilespmem:s28+$0xFFFFFF50] =	vst v1  }
0xa9: {  	v1 =	vld [tilespmem:s0+$0xFFFFFF30];
	[tilespmem:s28+$0xFFFFFF90] =	vst v0;
	v0 =	vshll.u32 v5, $0x10;
	v4 =	vand.u32 $0xFFFF0000, v5  }
0xaa: {  	[tilespmem:s28+$0xFFFFFFD0] =	vst v3  }
0xab: {  	v3 =	vld [tilespmem:s0+$0xFFFFFF70];
	[tilespmem:s28+$0x10] =	vst v0;
	v0 =	vshll.u32 v2, $0x10  }
0xac: {  	v2 =	vand.u32 $0xFFFF0000, v2;
	[tilespmem:s28+$0xA0] =	vst v0  }
0xad: {  	[tilespmem:s28+$0xE0] =	vst v2  }
0xae: {  	v0 =	vshll.u32 v1, $0x10;
	v1 =	vand.u32 $0xFFFF0000, v1;
	[tilespmem:s28+$0x50] =	vst v4;
	v4 =	vld [tilespmem:s0+$0x0]  }
0xaf: {  	[tilespmem:s28+$0xFFFFFF20] =	vst v0;
	v5 =	vld [tilespmem:s0+$0xFFFFFFB0]  }
0xb0: {  	[tilespmem:s28+$0xFFFFFF60] =	vst v1;
	v0 =	vshll.u32 v3, $0x10;
	v1 =	vand.u32 $0xFFFF0000, v3  }
.Ltmp1:
0xb1: {  	v2 =	vld [tilespmem:s0+$0xFFFFFF40];
	[tilespmem:s28+$0xFFFFFFA0] =	vst v0;
	(pc) =	sbr.rel @p1 .LBB2_6-.Ltmp1, $4  }
0xb2: {  	[tilespmem:s28+$0xFFFFFFE0] =	vst v1  }
0xb3: {  	v1 =	vld [tilespmem:s0+$0xFFFFFF80];
	v0 =	vshll.u32 v4, $0x10;
	v4 =	vand.u32 $0xFFFF0000, v4;
	[tilespmem:s30+$0x70] =	vst v7;
	s30 =	smov.u32 s28  }
0xb4: {  	v6 =	vshll.u32 v5, $0x10;
	v3 =	vand.u32 $0xFFFF0000, v5;
	[tilespmem:s28+$0xF0] =	vst v4  }
0xb5: {  	s0 =	sadd.s32 $0x100, s0;
	[tilespmem:s28+$0x20] =	vst v6  }
0xb6: {  	[tilespmem:s28+$0x60] =	vst v3  }
0xb7: {  	v4 =	vld [tilespmem:s29+$0xFFFFFFC0]  }
0xb8: {  	v58 =	vshll.u32 v2, $0x10;
	[tilespmem:s30+$0xB0] =	vst v0  }
0xb9: {  	v59 =	vand.u32 $0xFFFF0000, v2;
	[tilespmem:s28+$0xFFFFFF30] =	vst v58  }
0xba: {  	[tilespmem:s28+$0xFFFFFF70] =	vst v59;
	v60 =	vshll.u32 v1, $0x10  }
0xbb: {  	v61 =	vand.u32 $0xFFFF0000, v1;
	[tilespmem:s28+$0xFFFFFFB0] =	vst v60  }
0xbc: {  	[tilespmem:s28+$0xFFFFFFF0] =	vst v61;
	v62 =	vshll.u32 v4, $0x10  }
0xbd: {  	s25 =	sadd.s32 $0x1, s25;
	v63 =	vand.u32 $0xFFFF0000, v4;
	[tilespmem:s30+$0x30] =	vst v62  }
0xbe: {  	s0 =	sadd.s32 $0x15080, s26;
	p1 =	sne.s32 s25, $0x13;
	[tilespmem:s30+$0x70] =	vst v63  }
0xbf: {  	[spmem:s3] =	stream.indirect.scatter.add.f32 [tilespmem:s21], [sflag:$0x3], $0x80, s0, s16, $0xb8;
	[tilespmem:$0x1E400] =	vst v63  }
.Ltmp2:
0xc0: {  	_ = 	snop;
	(pc) =	sbr.rel @p1 .LBB2_3-.Ltmp2, $4  }
0xc1: {  	_ =	swait.ge [sflag:s13], $0x4000  }
0xc2: {  	[sflag:s13] =	ssyncset.done $0x0  }
0xc3: {  	s31 =	sadd.s32 $0x13D80, s26;
	[sflag:s13] =	ssyncadd.s32 $0xFFFFC000  }
0xc4: {  	[tilespmem:s19], [sflag:$0x2] =	stream.indirect.gather [hbm4b:s5+s16], $0x40, s31, s16, $0xb8;
	[tilespmem:$0x1E400] =	vst v63  }
0xc5: {  	_ =	swait.ge [sflag:s20], $0x2000  }
0xc6: {  	[sflag:s20] =	ssyncset.done $0x0  }
0xc7: {  	s26 =	simm.s32 $0x16480;
	[sflag:s20] =	ssyncadd.s32 $0xFFFFE000  }
0xc8: {  	v0 =	vld [tilespmem:s26+$0x40];
	_ =	sdelay $0x1  }
0xc9: {  	v1 =	vld [tilespmem:s26+$0xFFFFFFC0]  }
0xca: {  	v2 =	vld [tilespmem:s26+$0xFFFFFF80];
	_ =	sdelay $0x1  }
0xcb: {  	s25 =	simm.s32 $0x1A500;
	v3 =	vshll.u32 v0, $0x10  }
0xcc: {  	v4 =	vld [tilespmem:s26+$0x0];
	v0 =	vand.u32 $0xFFFF0000, v0;
	[tilespmem:s25+$0x80] =	vst v3  }
0xcd: {  	v3 =	vshll.u32 v1, $0x10;
	[tilespmem:s25+$0xC0] =	vst v0  }
0xce: {  	v0 =	vshll.u32 v2, $0x10;
	[tilespmem:s25+$0xFFFFFF80] =	vst v3;
	v3 =	vld [tilespmem:s26+$0x50]  }
0xcf: {  	v2 =	vand.u32 $0xFFFF0000, v2;
	[tilespmem:s25+$0xFFFFFF00] =	vst v0  }
0xd0: {  	v0 =	vand.u32 $0xFFFF0000, v1;
	[tilespmem:s25+$0xFFFFFF40] =	vst v2  }
0xd1: {  	v1 =	vshll.u32 v4, $0x10;
	v2 =	vld [tilespmem:s26+$0xFFFFFF90];
	[tilespmem:s25+$0xFFFFFFC0] =	vst v0  }
0xd2: {  	v0 =	vand.u32 $0xFFFF0000, v4;
	[tilespmem:s25+$0x0] =	vst v1  }
0xd3: {  	v1 =	vld [tilespmem:s26+$0xFFFFFFD0];
	[tilespmem:s25+$0x40] =	vst v0;
	v0 =	vshll.u32 v3, $0x10  }
0xd4: {  	v3 =	vand.u32 $0xFFFF0000, v3;
	[tilespmem:s25+$0x90] =	vst v0  }
0xd5: {  	v0 =	vld [tilespmem:s26+$0x10];
	[tilespmem:s25+$0xD0] =	vst v3  }
0xd6: {  	v3 =	vshll.u32 v2, $0x10;
	v4 =	vld [tilespmem:s26+$0x60]  }
0xd7: {  	v2 =	vand.u32 $0xFFFF0000, v2;
	[tilespmem:s25+$0xFFFFFF10] =	vst v3  }
0xd8: {  	v3 =	vshll.u32 v1, $0x10;
	[tilespmem:s25+$0xFFFFFF50] =	vst v2  }
0xd9: {  	v1 =	vand.u32 $0xFFFF0000, v1;
	[tilespmem:s25+$0xFFFFFF90] =	vst v3  }
0xda: {  	v2 =	vld [tilespmem:s26+$0xFFFFFFA0];
	[tilespmem:s25+$0xFFFFFFD0] =	vst v1;
	v3 =	vshll.u32 v0, $0x10  }
0xdb: {  	[tilespmem:s25+$0x10] =	vst v3;
	v1 =	vshll.u32 v4, $0x10  }
0xdc: {  	v3 =	vld [tilespmem:s26+$0xFFFFFFE0];
	v4 =	vand.u32 $0xFFFF0000, v4;
	[tilespmem:s25+$0xA0] =	vst v1  }
0xdd: {  	v0 =	vand.u32 $0xFFFF0000, v0;
	[tilespmem:s25+$0xE0] =	vst v4  }
0xde: {  	[tilespmem:s25+$0x50] =	vst v0;
	v0 =	vld [tilespmem:s26+$0x70]  }
0xdf: {  	v1 =	vshll.u32 v2, $0x10  }
0xe0: {  	v4 =	vld [tilespmem:s26+$0x20];
	v2 =	vand.u32 $0xFFFF0000, v2;
	[tilespmem:s25+$0xFFFFFF20] =	vst v1  }
0xe1: {  	[tilespmem:s25+$0xFFFFFF60] =	vst v2;
	v2 =	vand.u32 $0xFFFF0000, v3  }
0xe2: {  	v1 =	vshll.u32 v3, $0x10;
	[tilespmem:s25+$0xFFFFFFE0] =	vst v2;
	v2 =	vld [tilespmem:s26+$0xFFFFFFB0]  }
0xe3: {  	[tilespmem:s25+$0xFFFFFFA0] =	vst v1;
	v1 =	vand.u32 $0xFFFF0000, v0  }
0xe4: {  	[tilespmem:s25+$0xF0] =	vst v1;
	v1 =	vld [tilespmem:s26+$0xFFFFFFF0]  }
0xe5: {  	v5 =	vshll.u32 v4, $0x10  }
0xe6: {  	s29 =	simm.s32 $0x0;
	s0 =	simm.s32 $0x16580;
	s28 =	simm.s32 $0x1A500;
	v3 =	vand.u32 $0xFFFF0000, v4;
	v0 =	vshll.u32 v0, $0x10;
	[tilespmem:s25+$0x20] =	vst v5  }
.LBB2_9:
0xe7: {  	v4 =	vld [tilespmem:s0+$0x40];
	v5 =	vshll.u32 v2, $0x10;
	v2 =	vand.u32 $0xFFFF0000, v2;
	[tilespmem:s25+$0x60] =	vst v3  }
0xe8: {  	v3 =	vld [tilespmem:s0+$0xFFFFFFC0];
	[tilespmem:s25+$0xFFFFFF30] =	vst v5  }
0xe9: {  	v5 =	vld [tilespmem:s0+$0x0];
	[tilespmem:s25+$0xFFFFFF70] =	vst v2;
	v2 =	vshll.u32 v1, $0x10;
	v1 =	vand.u32 $0xFFFF0000, v1  }
0xea: {  	s29 =	sadd.s32 $0x4, s29;
	v6 =	vld [tilespmem:s0+$0xFFFFFF80];
	[tilespmem:s25+$0xFFFFFFB0] =	vst v2  }
0xeb: {  	p1 =	slt.u32 s29, $0x7C;
	[tilespmem:s25+$0xFFFFFFF0] =	vst v1;
	v1 =	vld [tilespmem:s26+$0x30];
	s26 =	smov.u32 s0  }
0xec: {  	s25 =	sadd.s32 $0x200, s25;
	v2 =	vshll.u32 v4, $0x10;
	[tilespmem:s28+$0xB0] =	vst v0  }
0xed: {  	v4 =	vand.u32 $0xFFFF0000, v4;
	v0 =	vshll.u32 v3, $0x10;
	v3 =	vand.u32 $0xFFFF0000, v3;
	[tilespmem:s25+$0x80] =	vst v2  }
0xee: {  	v2 =	vshll.u32 v5, $0x10;
	v5 =	vand.u32 $0xFFFF0000, v5;
	[tilespmem:s25+$0xC0] =	vst v4  }
0xef: {  	v4 =	vshll.u32 v6, $0x10;
	v6 =	vand.u32 $0xFFFF0000, v6;
	[tilespmem:s25+$0xFFFFFF80] =	vst v0;
	v0 =	vld [tilespmem:s0+$0x50]  }
0xf0: {  	[tilespmem:s25+$0xFFFFFF00] =	vst v4;
	v4 =	vshll.u32 v1, $0x10;
	v7 =	vand.u32 $0xFFFF0000, v1  }
0xf1: {  	[tilespmem:s25+$0xFFFFFF40] =	vst v6  }
0xf2: {  	v1 =	vld [tilespmem:s0+$0xFFFFFF90];
	[tilespmem:s25+$0xFFFFFFC0] =	vst v3  }
0xf3: {  	v3 =	vld [tilespmem:s0+$0xFFFFFFD0];
	[tilespmem:s25+$0x0] =	vst v2  }
0xf4: {  	[tilespmem:s25+$0x40] =	vst v5;
	v2 =	vshll.u32 v0, $0x10  }
0xf5: {  	v0 =	vand.u32 $0xFFFF0000, v0;
	v5 =	vld [tilespmem:s0+$0x10];
	[tilespmem:s25+$0x90] =	vst v2  }
0xf6: {  	[tilespmem:s25+$0xD0] =	vst v0  }
0xf7: {  	v0 =	vshll.u32 v1, $0x10;
	v1 =	vand.u32 $0xFFFF0000, v1;
	v2 =	vld [tilespmem:s0+$0x60];
	[tilespmem:s28+$0x30] =	vst v4  }
0xf8: {  	[tilespmem:s25+$0xFFFFFF10] =	vst v0;
	v0 =	vshll.u32 v3, $0x10;
	v3 =	vand.u32 $0xFFFF0000, v3  }
0xf9: {  	[tilespmem:s25+$0xFFFFFF50] =	vst v1  }
0xfa: {  	v1 =	vld [tilespmem:s0+$0xFFFFFFA0];
	[tilespmem:s25+$0xFFFFFF90] =	vst v0;
	v0 =	vshll.u32 v5, $0x10;
	v4 =	vand.u32 $0xFFFF0000, v5  }
0xfb: {  	[tilespmem:s25+$0xFFFFFFD0] =	vst v3  }
0xfc: {  	v3 =	vld [tilespmem:s0+$0xFFFFFFE0];
	[tilespmem:s25+$0x10] =	vst v0;
	v0 =	vshll.u32 v2, $0x10  }
0xfd: {  	v2 =	vand.u32 $0xFFFF0000, v2;
	[tilespmem:s25+$0xA0] =	vst v0  }
0xfe: {  	[tilespmem:s25+$0xE0] =	vst v2  }
0xff: {  	v0 =	vshll.u32 v1, $0x10;
	v1 =	vand.u32 $0xFFFF0000, v1;
	[tilespmem:s25+$0x50] =	vst v4;
	v4 =	vld [tilespmem:s0+$0x70]  }
0x100: {  	[tilespmem:s25+$0xFFFFFF20] =	vst v0;
	v5 =	vld [tilespmem:s0+$0x20]  }
0x101: {  	[tilespmem:s25+$0xFFFFFF60] =	vst v1;
	v0 =	vshll.u32 v3, $0x10;
	v1 =	vand.u32 $0xFFFF0000, v3  }
.Ltmp3:
0x102: {  	v2 =	vld [tilespmem:s0+$0xFFFFFFB0];
	[tilespmem:s25+$0xFFFFFFA0] =	vst v0;
	(pc) =	sbr.rel @p1 .LBB2_9-.Ltmp3, $4  }
0x103: {  	[tilespmem:s25+$0xFFFFFFE0] =	vst v1  }
0x104: {  	v1 =	vld [tilespmem:s0+$0xFFFFFFF0];
	v0 =	vshll.u32 v4, $0x10;
	v4 =	vand.u32 $0xFFFF0000, v4;
	[tilespmem:s28+$0x70] =	vst v7;
	s28 =	smov.u32 s25  }
0x105: {  	v6 =	vshll.u32 v5, $0x10;
	v3 =	vand.u32 $0xFFFF0000, v5;
	[tilespmem:s25+$0xF0] =	vst v4  }
0x106: {  	s0 =	sadd.s32 $0x100, s0;
	[tilespmem:s25+$0x20] =	vst v6  }
0x107: {  	[tilespmem:s25+$0x60] =	vst v3  }
0x108: {  	v4 =	vld [tilespmem:s26+$0x30]  }
0x109: {  	v3 =	vshll.u32 v2, $0x10;
	[tilespmem:s28+$0xB0] =	vst v0  }
0x10a: {  	v2 =	vand.u32 $0xFFFF0000, v2;
	[tilespmem:s25+$0xFFFFFF30] =	vst v3  }
0x10b: {  	[tilespmem:s25+$0xFFFFFF70] =	vst v2;
	v2 =	vshll.u32 v1, $0x10  }
0x10c: {  	v1 =	vand.u32 $0xFFFF0000, v1;
	[tilespmem:s25+$0xFFFFFFB0] =	vst v2  }
0x10d: {  	[tilespmem:s25+$0xFFFFFFF0] =	vst v1;
	v0 =	vshll.u32 v4, $0x10  }
0x10e: {  	v1 =	vand.u32 $0xFFFF0000, v4;
	[tilespmem:s28+$0x30] =	vst v0  }
0x10f: {  	[tilespmem:s28+$0x70] =	vst v1  }
0x110: {  	[spmem:s3] =	stream.indirect.scatter.add.f32 [tilespmem:s21], [sflag:$0x3], $0x80, s23, s16, $0xb8;
	[tilespmem:$0x1E400] =	vst v63  }
0x111: {  	_ =	swait.ge [sflag:s13], $0x4000  }
0x112: {  	[sflag:s13] =	ssyncset.done $0x0  }
0x113: {  	[sflag:s13] =	ssyncadd.s32 $0xFFFFC000  }
0x114: {  	_ =	swait.ge [sflag:s22], $0x2000  }
0x115: {  	[sflag:s22] =	ssyncset.done $0x0  }
0x116: {  	s26 =	simm.s32 $0x184F0;
	[sflag:s22] =	ssyncadd.s32 $0xFFFFE000  }
0x117: {  	v0 =	vld [tilespmem:s26+$0xFFFFFFD0];
	_ =	sdelay $0x1  }
0x118: {  	v1 =	vld [tilespmem:s26+$0xFFFFFF50]  }
0x119: {  	v2 =	vld [tilespmem:s26+$0xFFFFFF10];
	_ =	sdelay $0x1  }
0x11a: {  	s25 =	simm.s32 $0x1A500;
	v3 =	vshll.u32 v0, $0x10  }
0x11b: {  	v4 =	vld [tilespmem:s26+$0xFFFFFF90];
	v0 =	vand.u32 $0xFFFF0000, v0;
	[tilespmem:s25+$0x80] =	vst v3  }
0x11c: {  	v3 =	vshll.u32 v1, $0x10;
	[tilespmem:s25+$0xC0] =	vst v0  }
0x11d: {  	v0 =	vshll.u32 v2, $0x10;
	[tilespmem:s25+$0xFFFFFF80] =	vst v3;
	v3 =	vld [tilespmem:s26+$0xFFFFFFE0]  }
0x11e: {  	v2 =	vand.u32 $0xFFFF0000, v2;
	[tilespmem:s25+$0xFFFFFF00] =	vst v0  }
0x11f: {  	v0 =	vand.u32 $0xFFFF0000, v1;
	[tilespmem:s25+$0xFFFFFF40] =	vst v2  }
0x120: {  	v1 =	vshll.u32 v4, $0x10;
	v2 =	vld [tilespmem:s26+$0xFFFFFF20];
	[tilespmem:s25+$0xFFFFFFC0] =	vst v0  }
0x121: {  	v0 =	vand.u32 $0xFFFF0000, v4;
	[tilespmem:s25+$0x0] =	vst v1  }
0x122: {  	v1 =	vld [tilespmem:s26+$0xFFFFFF60];
	[tilespmem:s25+$0x40] =	vst v0;
	v0 =	vshll.u32 v3, $0x10  }
0x123: {  	v3 =	vand.u32 $0xFFFF0000, v3;
	[tilespmem:s25+$0x90] =	vst v0  }
0x124: {  	v0 =	vld [tilespmem:s26+$0xFFFFFFA0];
	[tilespmem:s25+$0xD0] =	vst v3  }
0x125: {  	v3 =	vshll.u32 v2, $0x10;
	v4 =	vld [tilespmem:s26+$0xFFFFFFF0]  }
0x126: {  	v2 =	vand.u32 $0xFFFF0000, v2;
	[tilespmem:s25+$0xFFFFFF10] =	vst v3  }
0x127: {  	v3 =	vshll.u32 v1, $0x10;
	[tilespmem:s25+$0xFFFFFF50] =	vst v2  }
0x128: {  	v1 =	vand.u32 $0xFFFF0000, v1;
	[tilespmem:s25+$0xFFFFFF90] =	vst v3  }
0x129: {  	v2 =	vld [tilespmem:s26+$0xFFFFFF30];
	[tilespmem:s25+$0xFFFFFFD0] =	vst v1;
	v3 =	vshll.u32 v0, $0x10  }
0x12a: {  	[tilespmem:s25+$0x10] =	vst v3;
	v1 =	vshll.u32 v4, $0x10  }
0x12b: {  	v3 =	vld [tilespmem:s26+$0xFFFFFF70];
	v4 =	vand.u32 $0xFFFF0000, v4;
	[tilespmem:s25+$0xA0] =	vst v1  }
0x12c: {  	v0 =	vand.u32 $0xFFFF0000, v0;
	[tilespmem:s25+$0xE0] =	vst v4  }
0x12d: {  	[tilespmem:s25+$0x50] =	vst v0;
	v0 =	vld [tilespmem:s26+$0x0]  }
0x12e: {  	v1 =	vshll.u32 v2, $0x10  }
0x12f: {  	v4 =	vld [tilespmem:s26+$0xFFFFFFB0];
	v2 =	vand.u32 $0xFFFF0000, v2;
	[tilespmem:s25+$0xFFFFFF20] =	vst v1  }
0x130: {  	[tilespmem:s25+$0xFFFFFF60] =	vst v2;
	v2 =	vand.u32 $0xFFFF0000, v3  }
0x131: {  	v1 =	vshll.u32 v3, $0x10;
	[tilespmem:s25+$0xFFFFFFE0] =	vst v2;
	v2 =	vld [tilespmem:s26+$0xFFFFFF40]  }
0x132: {  	[tilespmem:s25+$0xFFFFFFA0] =	vst v1;
	v1 =	vand.u32 $0xFFFF0000, v0  }
0x133: {  	[tilespmem:s25+$0xF0] =	vst v1;
	v1 =	vld [tilespmem:s26+$0xFFFFFF80]  }
0x134: {  	v5 =	vshll.u32 v4, $0x10  }
0x135: {  	s29 =	simm.s32 $0x0;
	s0 =	simm.s32 $0x185F0;
	s28 =	simm.s32 $0x1A500;
	v3 =	vand.u32 $0xFFFF0000, v4;
	v0 =	vshll.u32 v0, $0x10;
	[tilespmem:s25+$0x20] =	vst v5  }
.LBB2_11:
0x136: {  	v4 =	vld [tilespmem:s0+$0xFFFFFFD0];
	v5 =	vshll.u32 v2, $0x10;
	v2 =	vand.u32 $0xFFFF0000, v2;
	[tilespmem:s25+$0x60] =	vst v3  }
0x137: {  	v3 =	vld [tilespmem:s0+$0xFFFFFF50];
	[tilespmem:s25+$0xFFFFFF30] =	vst v5  }
0x138: {  	v5 =	vld [tilespmem:s0+$0xFFFFFF90];
	[tilespmem:s25+$0xFFFFFF70] =	vst v2;
	v2 =	vshll.u32 v1, $0x10;
	v1 =	vand.u32 $0xFFFF0000, v1  }
0x139: {  	s29 =	sadd.s32 $0x4, s29;
	v6 =	vld [tilespmem:s0+$0xFFFFFF10];
	[tilespmem:s25+$0xFFFFFFB0] =	vst v2  }
0x13a: {  	p1 =	slt.u32 s29, $0x7C;
	[tilespmem:s25+$0xFFFFFFF0] =	vst v1;
	v1 =	vld [tilespmem:s26+$0xFFFFFFC0];
	s26 =	smov.u32 s0  }
0x13b: {  	s25 =	sadd.s32 $0x200, s25;
	v2 =	vshll.u32 v4, $0x10;
	[tilespmem:s28+$0xB0] =	vst v0  }
0x13c: {  	v4 =	vand.u32 $0xFFFF0000, v4;
	v0 =	vshll.u32 v3, $0x10;
	v3 =	vand.u32 $0xFFFF0000, v3;
	[tilespmem:s25+$0x80] =	vst v2  }
0x13d: {  	v2 =	vshll.u32 v5, $0x10;
	v5 =	vand.u32 $0xFFFF0000, v5;
	[tilespmem:s25+$0xC0] =	vst v4  }
0x13e: {  	v4 =	vshll.u32 v6, $0x10;
	v6 =	vand.u32 $0xFFFF0000, v6;
	[tilespmem:s25+$0xFFFFFF80] =	vst v0;
	v0 =	vld [tilespmem:s0+$0xFFFFFFE0]  }
0x13f: {  	[tilespmem:s25+$0xFFFFFF00] =	vst v4;
	v4 =	vshll.u32 v1, $0x10;
	v7 =	vand.u32 $0xFFFF0000, v1  }
0x140: {  	[tilespmem:s25+$0xFFFFFF40] =	vst v6  }
0x141: {  	v1 =	vld [tilespmem:s0+$0xFFFFFF20];
	[tilespmem:s25+$0xFFFFFFC0] =	vst v3  }
0x142: {  	v3 =	vld [tilespmem:s0+$0xFFFFFF60];
	[tilespmem:s25+$0x0] =	vst v2  }
0x143: {  	[tilespmem:s25+$0x40] =	vst v5;
	v2 =	vshll.u32 v0, $0x10  }
0x144: {  	v0 =	vand.u32 $0xFFFF0000, v0;
	v5 =	vld [tilespmem:s0+$0xFFFFFFA0];
	[tilespmem:s25+$0x90] =	vst v2  }
0x145: {  	[tilespmem:s25+$0xD0] =	vst v0  }
0x146: {  	v0 =	vshll.u32 v1, $0x10;
	v1 =	vand.u32 $0xFFFF0000, v1;
	v2 =	vld [tilespmem:s0+$0xFFFFFFF0];
	[tilespmem:s28+$0x30] =	vst v4  }
0x147: {  	[tilespmem:s25+$0xFFFFFF10] =	vst v0;
	v0 =	vshll.u32 v3, $0x10;
	v3 =	vand.u32 $0xFFFF0000, v3  }
0x148: {  	[tilespmem:s25+$0xFFFFFF50] =	vst v1  }
0x149: {  	v1 =	vld [tilespmem:s0+$0xFFFFFF30];
	[tilespmem:s25+$0xFFFFFF90] =	vst v0;
	v0 =	vshll.u32 v5, $0x10;
	v4 =	vand.u32 $0xFFFF0000, v5  }
0x14a: {  	[tilespmem:s25+$0xFFFFFFD0] =	vst v3  }
0x14b: {  	v3 =	vld [tilespmem:s0+$0xFFFFFF70];
	[tilespmem:s25+$0x10] =	vst v0;
	v0 =	vshll.u32 v2, $0x10  }
0x14c: {  	v2 =	vand.u32 $0xFFFF0000, v2;
	[tilespmem:s25+$0xA0] =	vst v0  }
0x14d: {  	[tilespmem:s25+$0xE0] =	vst v2  }
0x14e: {  	v0 =	vshll.u32 v1, $0x10;
	v1 =	vand.u32 $0xFFFF0000, v1;
	[tilespmem:s25+$0x50] =	vst v4;
	v4 =	vld [tilespmem:s0+$0x0]  }
0x14f: {  	[tilespmem:s25+$0xFFFFFF20] =	vst v0;
	v5 =	vld [tilespmem:s0+$0xFFFFFFB0]  }
0x150: {  	[tilespmem:s25+$0xFFFFFF60] =	vst v1;
	v0 =	vshll.u32 v3, $0x10;
	v1 =	vand.u32 $0xFFFF0000, v3  }
.Ltmp4:
0x151: {  	v2 =	vld [tilespmem:s0+$0xFFFFFF40];
	[tilespmem:s25+$0xFFFFFFA0] =	vst v0;
	(pc) =	sbr.rel @p1 .LBB2_11-.Ltmp4, $4  }
0x152: {  	[tilespmem:s25+$0xFFFFFFE0] =	vst v1  }
0x153: {  	v1 =	vld [tilespmem:s0+$0xFFFFFF80];
	v0 =	vshll.u32 v4, $0x10;
	v4 =	vand.u32 $0xFFFF0000, v4;
	[tilespmem:s28+$0x70] =	vst v7;
	s28 =	smov.u32 s25  }
0x154: {  	v6 =	vshll.u32 v5, $0x10;
	v3 =	vand.u32 $0xFFFF0000, v5;
	[tilespmem:s25+$0xF0] =	vst v4  }
0x155: {  	s0 =	sadd.s32 $0x100, s0;
	[tilespmem:s25+$0x20] =	vst v6  }
0x156: {  	[tilespmem:s25+$0x60] =	vst v3  }
0x157: {  	v4 =	vld [tilespmem:s26+$0xFFFFFFC0]  }
0x158: {  	v58 =	vshll.u32 v2, $0x10;
	[tilespmem:s28+$0xB0] =	vst v0  }
0x159: {  	v59 =	vand.u32 $0xFFFF0000, v2;
	[tilespmem:s25+$0xFFFFFF30] =	vst v58  }
0x15a: {  	[tilespmem:s25+$0xFFFFFF70] =	vst v59;
	v60 =	vshll.u32 v1, $0x10  }
0x15b: {  	v61 =	vand.u32 $0xFFFF0000, v1;
	[tilespmem:s25+$0xFFFFFFB0] =	vst v60  }
0x15c: {  	[tilespmem:s25+$0xFFFFFFF0] =	vst v61;
	v62 =	vshll.u32 v4, $0x10  }
0x15d: {  	v63 =	vand.u32 $0xFFFF0000, v4;
	[tilespmem:s28+$0x30] =	vst v62  }
.Ltmp5:
0x15e: {  	[tilespmem:s28+$0x70] =	vst v63;
	(pc) =	sbr.rel @p0 .LBB2_2-.Ltmp5, $4  }
0x15f: {  	[spmem:s3] =	stream.indirect.scatter.add.f32 [tilespmem:s21], [sflag:$0x3], $0x80, s24, s16, $0xb8;
	[tilespmem:$0x1E400] =	vst v63  }
0x160: {  	_ =	swait.ge [sflag:s13], $0x4000  }
0x161: {  	[sflag:s13] =	ssyncset.done $0x0  }
0x162: {  	s0 =	simm.s32 $0x28;
	p1 =	por $0x0, $0x0;
	[sflag:s13] =	ssyncadd.s32 $0xFFFFC000  }
0x163: {  	s4 =	sadd.s32 $0x1, s4  }
0x164: {  	p0 =	sne.s32 s4, s11  }
.Ltmp6:
0x165: {  	[bflag:$0x0] =	sbarrier.arrive $0xFFFF;
	(pc) =	sbr.rel @p0 .LBB2_1-.Ltmp6, $4  }
0x166: {  	[hbm:s10], [sflag:s9] =	dma.local [spmem:s12], $0x2780  }
0x167: {  	_ =	swait.ge [sflag:s13], $0x2780  }
0x168: {  	[sflag:s13] =	ssyncset.done $0x0  }
0x169: {  	[sflag:s13] =	ssyncadd.s32 $0xFFFFD880  }
0x16a: {  	_ =	sfence.sel $0x180000  }
0x16b: {  	[bflag:$0x0] =	sbarrier.arrive $0xFFFF  }
0x16c: {  	_ =	strace $0x9000004A  }
0x16d: {  	[bflag:$0x2] =	sbarrier.arrive $0xFFFF  }
0x16e: {  	p0 =	sne.s32 s1, $0x0;
	s0 =	rddreg [dreg:$0x3]  }
0x16f: {  	s0 =	sadd.s32 @!p0 $0x100000, s0  }
0x170: {  	[sflag:s0] =	ssyncadd.tile.s32 @!p0 $0x1;
	_ =	shalt  }
.Lfunc_end2:
_tile_overlayer_lowered:
.L_overlay_start_2:
0x171: {  	(tag) =	ssettag $0x2  }
0x172: {  	s0 =	rddreg [dreg:$0x0];
	s2 =	stileid.u32  }
0x173: {  	s1 =	rddreg [dreg:$0x1];
	p0 =	sne.s32 s2, $0x0  }
0x174: {  	s3 =	rddreg [dreg:$0x2];
	[bflag:$0x3] =	sbarrier.arrive $0xFFFF;
	s2 =	simm.s32 @!p0 $0x1C03  }
0x175: {  	[timem:s3], [sflag:s2] =	dma.local @!p0 [hbm:s0], s1  }
0x176: {  	s0 =	simm.s32 @!p0 $0x3  }
0x177: {  	_ =	swait.ge @!p0 [sflag:s0], s1  }
0x178: {  	s1 =	ssub.s32 @!p0 $0x0, s1;
	[sflag:s0] =	ssyncset.done @!p0 $0x0  }
0x179: {  	[sflag:s0] =	ssyncadd.s32 @!p0 s1  }
0x17a: {  	[bflag:$0x3] =	sbarrier.arrive $0xFFFF  }
0x17b: {  	_ =	shalt  }

// kernel: kernel.7.cloned.1.call-start
scs
__scs_entry_jumppad:
0x0: {  	(pc) =	sbr.rel $0x88, $3  }
0x1: {  	(tag) =	ssettag $0x0;
	lr =	simm.s32 $0x1  }
0x2: {  	[smem:$0x3F98] =	sst lr;
	_ =	strace $0xD0000000  }
0x3: {  	_ = 	snop  }
0x4: {  	_ = 	snop  }
0x5: {  	_ = 	snop  }
0x6: {  	_ = 	snop  }
0x7: {  	_ = 	snop  }
__scs_overlays_trampoline_lowered:
0x8: {  	[smem:$0x3FA7] =	sst s0  }
0x9: {  	[smem:$0x3FA8] =	sst s1  }
0xa: {  	[smem:$0x3FA9] =	sst s2  }
0xb: {  	[smem:$0x3FAA] =	sst s3  }
0xc: {  	[smem:$0x3FAB] =	sst s4  }
0xd: {  	[smem:$0x3FAC] =	sst s5  }
0xe: {  	[smem:$0x3FAD] =	sst s6  }
0xf: {  	[smem:$0x3FAE] =	sst s7  }
0x10: {  	[smem:$0x3FAF] =	sst s8  }
0x11: {  	[smem:$0x3FB0] =	sst s9;
	s0 =	simm.s32 @!p0 $0x0  }
0x12: {  	s1 =	sld [smem:$0x3F96];
	s0 =	simm.s32 @p0 $0x1  }
0x13: {  	[smem:$0x3FB1] =	sst s0;
	s0 =	simm.s32 @!p1 $0x0  }
0x14: {  	s2 =	sld [smem:$0x3F95];
	s0 =	simm.s32 @p1 $0x1  }
0x15: {  	[smem:$0x3FB2] =	sst s0;
	s0 =	simm.s32 @!p2 $0x0  }
0x16: {  	s3 =	sld [smem:$0x3FDB];
	s0 =	simm.s32 @p2 $0x1  }
0x17: {  	s4 =	simm.s32 $0x1BF5;
	[smem:$0x3FB4] =	sst s0  }
0x18: {  	s0 =	sld [smem:$0x3F97];
	_ =	swait.ge [sflag:s4], $0x0  }
0x19: {  	s7 =	sld [smem:$0x3F98]  }
0x1a: {  	s8 =	sadd.s32 $0xFFFFE003, lr  }
0x1b: {  	s9 =	sadd.s32 $0xFFFFFEF7, lr;
	s5 =	simm.s32 $0xFFFFFFFF;
	p2 =	slt.u32 s8, $0xFFFFF086  }
0x1c: {  	p1 =	slt.u32 s9, $0xF7A;
	s5 =	simm.s32 @!p2 $0x0  }
0x1d: {  	s5 =	simm.s32 @p1 $0x1;
	p0 =	seq.s32 s7, s2  }
0x1e: {  	s7 =	smul.u32 @!p0 $0xF7A, s2;
	p2 =	seq.s32 @!p0 s5, $0x0  }
0x1f: {  	s9 =	smul.u32 $0xF7A, s1;
	s8 =	simm.s32 @!p0 $0x1BF5;
	p2 =	por !p2, p0  }
0x20: {  	[sflag:s8] =	ssyncset.s32 @!p0 $0xFFFFF086;
	s6 =	sadd.s32 @!p0 s3, s7;
	s7 =	simm.s32 @!p0 $0x108  }
0x21: {  	s3 =	sadd.s32 s3, s9;
	s6 =	sadd.s32 @!p0 $0x88, s6;
	s7 =	simm.s32 @p2 $0x1082  }
0x22: {  	[simem:s7], [sflag:s8] =	dma.local @!p0 [hbm:s6], $0xF7A  }
0x23: {  	s9 =	sor.u32 $0xD0000000, s2;
	s6 =	simm.s32 $0x108;
	_ =	swait.ge @!p0 [sflag:s8], $0x0  }
0x24: {  	s3 =	sadd.s32 $0x88, s3;
	s6 =	simm.s32 @!p1 $0x1082;
	[sflag:s4] =	ssyncset.s32 $0xFFFFF086  }
0x25: {  	[simem:s6], [sflag:s4] =	dma.local [hbm:s3], $0xF7A  }
0x26: {  	[smem:$0x3F98] =	sst s1;
	(tag) =	ssettag s2;
	_ =	strace s9  }
0x27: {  	s1 =	sld [smem:$0x3FA8]  }
0x28: {  	s2 =	sld [smem:$0x3FA9]  }
0x29: {  	s4 =	sld [smem:$0x3FAB]  }
0x2a: {  	p0 =	seq.s32 s5, $0x0;
	s5 =	sld [smem:$0x3FAC]  }
0x2b: {  	s6 =	sld [smem:$0x3FAD]  }
0x2c: {  	s7 =	sld [smem:$0x3FAE]  }
0x2d: {  	s3 =	simm.s32 $0x108;
	s8 =	sld [smem:$0x3FAF]  }
0x2e: {  	s3 =	simm.s32 @!p0 $0x1082;
	s9 =	sld [smem:$0x3FB0]  }
0x2f: {  	lr =	sadd.s32 s0, s3;
	s0 =	sld [smem:$0x3FA7]  }
0x30: {  	s3 =	sld [smem:$0x3FAA]  }
0x31: {  	[smem:$0x3FB3] =	sst s10  }
0x32: {  	s10 =	sld [smem:$0x3FB1];
	_ =	sdelay $0x3  }
0x33: {  	p0 =	seq.s32 s10, $0x1;
	s10 =	sld [smem:$0x3FB3];
	_ =	sdelay $0x3  }
0x34: {  	[smem:$0x3FB3] =	sst s10  }
0x35: {  	s10 =	sld [smem:$0x3FB2];
	_ =	sdelay $0x3  }
0x36: {  	p1 =	seq.s32 s10, $0x1;
	s10 =	sld [smem:$0x3FB3];
	_ =	sdelay $0x3  }
0x37: {  	[smem:$0x3FB3] =	sst s10  }
0x38: {  	s10 =	sld [smem:$0x3FB4]  }
0x39: {  	_ = 	snop;
	(pc) =	sbr.ind lr, $3  }
0x3a: {  	_ = 	snop  }
0x3b: {  	_ = 	snop  }
0x3c: {  	p2 =	seq.s32 s10, $0x1;
	s10 =	sld [smem:$0x3FB3]  }
0x3d: {  	_ =	shalt  }
0x3e: {  	_ =	shalt  }
0x3f: {  	_ =	shalt  }
0x40: {  	_ =	shalt  }
0x41: {  	_ =	shalt  }
0x42: {  	_ =	shalt  }
0x43: {  	_ =	shalt  }
0x44: {  	_ =	shalt  }
0x45: {  	_ =	shalt  }
0x46: {  	_ =	shalt  }
0x47: {  	_ =	shalt  }
0x48: {  	_ =	shalt  }
0x49: {  	_ =	shalt  }
0x4a: {  	_ =	shalt  }
0x4b: {  	_ =	shalt  }
0x4c: {  	_ =	shalt  }
0x4d: {  	_ =	shalt  }
0x4e: {  	_ =	shalt  }
0x4f: {  	_ =	shalt  }
0x50: {  	_ =	shalt  }
0x51: {  	_ =	shalt  }
0x52: {  	_ =	shalt  }
0x53: {  	_ =	shalt  }
0x54: {  	_ =	shalt  }
0x55: {  	_ =	shalt  }
0x56: {  	_ =	shalt  }
0x57: {  	_ =	shalt  }
0x58: {  	_ =	shalt  }
0x59: {  	_ =	shalt  }
0x5a: {  	_ =	shalt  }
0x5b: {  	_ =	shalt  }
0x5c: {  	_ =	shalt  }
0x5d: {  	_ =	shalt  }
0x5e: {  	_ =	shalt  }
0x5f: {  	_ =	shalt  }
0x60: {  	_ =	shalt  }
0x61: {  	_ =	shalt  }
0x62: {  	_ =	shalt  }
0x63: {  	_ =	shalt  }
0x64: {  	_ =	shalt  }
0x65: {  	_ =	shalt  }
0x66: {  	_ =	shalt  }
0x67: {  	_ =	shalt  }
0x68: {  	_ =	shalt  }
0x69: {  	_ =	shalt  }
0x6a: {  	_ =	shalt  }
0x6b: {  	_ =	shalt  }
0x6c: {  	_ =	shalt  }
0x6d: {  	_ =	shalt  }
0x6e: {  	_ =	shalt  }
0x6f: {  	_ =	shalt  }
0x70: {  	_ =	shalt  }
0x71: {  	_ =	shalt  }
0x72: {  	_ =	shalt  }
0x73: {  	_ =	shalt  }
0x74: {  	_ =	shalt  }
0x75: {  	_ =	shalt  }
0x76: {  	_ =	shalt  }
0x77: {  	_ =	shalt  }
0x78: {  	_ =	shalt  }
0x79: {  	_ =	shalt  }
0x7a: {  	_ =	shalt  }
0x7b: {  	_ =	shalt  }
0x7c: {  	_ =	shalt  }
0x7d: {  	_ =	shalt  }
0x7e: {  	_ =	shalt  }
0x7f: {  	_ =	shalt  }
0x80: {  	_ =	shalt  }
0x81: {  	_ =	shalt  }
0x82: {  	_ =	shalt  }
0x83: {  	_ =	shalt  }
0x84: {  	_ =	shalt  }
0x85: {  	_ =	shalt  }
0x86: {  	_ =	shalt  }
0x87: {  	_ =	shalt  }
.Lfunc_end0:
.L_simem_size_0:
called_computation_lowered:
.L_overlay_start_0:
0x88: {  	s2 =	sld [smem:$0x3FD9]  }
0x89: {  	s3 =	sld [smem:$0x3FFE];
	_ =	sdelay $0x1  }
0x8a: {  	s1 =	srdreg.scid  }
0x8b: {  	s0 =	sand.u32 $0x1, s1  }
0x8c: {  	s17 =	sshll.u32 s0, $0xA;
	s2 =	sadd.s32 s3, s2  }
0x8d: {  	s2 =	sadd.s32 s2, s17  }
0x8e: {  	[smem:$0x3FBF] =	sst s2  }
0x8f: {  	_ = 	snop  }
0x90: {  	s2 =	sld [smem:$0x3FD0];
	(tm) =	ssettm $0x1  }
0x91: {  	s18 =	sld [smem:$0x3FFB];
	_ =	sdelay $0x3  }
0x92: {  	_ =	strace s18  }
0x93: {  	s3 =	sld [smem:$0x3FFC];
	_ =	sdelay $0x3  }
0x94: {  	_ =	strace s3  }
0x95: {  	s3 =	sld [smem:$0x3FFD];
	_ =	sdelay $0x3  }
0x96: {  	_ =	strace s3  }
0x97: {  	_ =	strace $0x8FFFFFFF  }
0x98: {  	s19 =	sld [smem:$0x3FDB];
	_ =	sdelay $0x1  }
0x99: {  	s4 =	simm.s32 $_scs_section_size  }
0x9a: {  	s5 =	simm.s32 $_size__tile_overlayer_lowered;
	s6 =	simm.s32 $_tile_overlayer_lowered  }
0x9b: {  	s22 =	simm.s32 $0x1BFF;
	s21 =	sshll.u32 s6, $0x1;
	s3 =	sadd.s32 s4, s19  }
0x9c: {  	s7 =	simm.s32 $0x0;
	s20 =	sshll.u32 s5, $0x1;
	s5 =	sadd.s32 s21, s3  }
0x9d: {  	[timem:s7], [sflag:s22] =	dma.local [hbm:s5], s20  }
0x9e: {  	_ =	swait.ge [sflag:s22], s20  }
0x9f: {  	s4 =	ssub.s32 $0x0, s20;
	[sflag:s22] =	ssyncset.done $0x0  }
0xa0: {  	[sflag:s22] =	ssyncadd.s32 s4;
	_ =	sdelay $0x1  }
0xa1: {  	s23 =	simm.s32 $0x1B8B  }
0xa2: {  	_ =	swait.ge [sflag:s23], $0x1  }
0xa3: {  	[sflag:s23] =	ssyncset.done $0x0  }
0xa4: {  	s25 =	simm.s32 $0x1B8E;
	s24 =	sld [smem:$0x3FFE];
	[sflag:s23] =	ssyncadd.s32 $0xFFFFFFFF  }
0xa5: {  	s26 =	simm.s32 $execute0_lowered;
	[smem:$0x3FD2] =	sst s25  }
0xa6: {  	s5 =	sshll.u32 s26, $0x1;
	_ =	strace $0x80000046;
	[dreg:$0x1] =	wrdreg $0xFFFFFFFF  }
0xa7: {  	s28 =	simm.s32 $_size_execute0_lowered;
	s3 =	sadd.s32 s3, s5;
	[dreg:$0x0] =	wrdreg $0x0  }
0xa8: {  	s5 =	sshll.u32 s28, $0x1;
	[dreg:$0x2] =	wrdreg s3  }
0xa9: {  	[dreg:$0x3] =	wrdreg s5  }
0xaa: {  	[dreg:$0x4] =	wrdreg $0xC0  }
0xab: {  	_ =	task [dreg:s7], $0x5FFFF  }
0xac: {  	[dreg:$0x1] =	wrdreg $0xFFFFFFFF  }
0xad: {  	[dreg:$0x0] =	wrdreg $0x60  }
0xae: {  	[dreg:$0x2] =	wrdreg s24  }
0xaf: {  	[dreg:$0x3] =	wrdreg s2  }
0xb0: {  	[dreg:$0x4] =	wrdreg $0x0  }
0xb1: {  	[dreg:$0x5] =	wrdreg $0x9  }
0xb2: {  	_ =	task.clear_ibuf [dreg:s7], $0x6FFFF;
	_ =	strace $0x90000046  }
0xb3: {  	s29 =	simm.s32 $0x9;
	_ =	strace $0x80000048  }
0xb4: {  	_ =	swait.ge [sflag:s29], $0x1  }
0xb5: {  	[sflag:s29] =	ssyncadd.s32 $0xFFFFFFFF  }
0xb6: {  	_ =	strace $0x90000048  }
0xb7: {  	_ =	sfence  }
0xb8: {  	s30 =	sld [smem:$0x0];
	_ =	sdelay $0x2  }
0xb9: {  	s31 =	sshll.u32 s1, $0xD;
	s1 =	sshrl.u32 s1, $0x2  }
0xba: {  	s3 =	sand.u32 $0x4000, s31;
	s1 =	sadd.s32 s1, s30  }
0xbb: {  	s0 =	sor.u32 s3, s0;
	s1 =	sshll.u32 s1, $0x11  }
0xbc: {  	s0 =	sor.u32 s1, s0  }
0xbd: {  	s0 =	sadd.s32 $0x8F2B, s0  }
0xbe: {  	[sflag:s0] =	ssyncadd.remote.s32 $0x1  }
0xbf: {  	_ =	sfence.sel $0xFFFF  }
0xc0: {  	[dreg:$0x0] =	wrdreg $0xFFFFFFFF;
	(pc) =	sbr.abs _section_cstart, $3  }
0xc1: {  	[dreg:$0x1] =	wrdreg $0xFFFFFFFF  }
0xc2: {  	_ =	task.clear_ibuf [dreg:s7], $0x2FFFF;
	_ =	strace $0x9FFFFFFF  }
0xc3: {  	(tm) =	ssettm $0x7FFFFFFF  }
tec
execute0_lowered:
.L_overlay_start_1:
0x0: {  	(tag) =	ssettag $0x1  }
0x1: {  	s0 =	rddreg [dreg:$0x0]  }
0x2: {  	s2 =	rddreg [dreg:$0x1]  }
0x3: {  	s3 =	rddreg [dreg:$0x2]  }
0x4: {  	s5 =	srdreg.scid;
	s1 =	stileid.u32  }
0x5: {  	s4 =	simm.s32 $0x0;
	s13 =	simm.s32 $0x3;
	s14 =	simm.s32 $0x13C00  }
0x6: {  	s15 =	simm.s32 $0x15000;
	s16 =	simm.s32 $0x80;
	s17 =	simm.s32 $0x16400  }
0x7: {  	s18 =	simm.s32 $0x13C80;
	s19 =	simm.s32 $0x18400;
	s20 =	simm.s32 $0x1  }
0x8: {  	s21 =	simm.s32 $0x1A400;
	s22 =	simm.s32 $0x2;
	s23 =	simm.s32 $0x16300  }
0x9: {  	s24 =	simm.s32 $0x16380;
	s8 =	sand.u32 $0x1, s5;
	s9 =	smul.u32 $0x13C00, s1  }
0xa: {  	[smem:$0x7FF] =	sst s4;
	s5 =	sadd.s32 $0x800, s0;
	s6 =	sadd.s32 $0x1E200, s0  }
0xb: {  	s31 =	sshll.u32 s1, $0x6;
	s7 =	smul.u32 $0x13C000, s8;
	s11 =	ssub.s32 $0x2, s8  }
0xc: {  	_ =	strace $0x80000047;
	s8 =	sshll.u32 s8, $0x4;
	s30 =	sshrl.u32 s11, $0x1  }
0xd: {  	s8 =	sor.u32 s1, s8;
	s12 =	sadd.s32 s9, s3;
	s10 =	sadd.s32 s9, s7  }
0xe: {  	s7 =	sadd.s32 $0x14200, s0;
	s11 =	ssub.s32 s11, s30;
	s10 =	sshrl.u32 s10, $0x3  }
0xf: {  	s8 =	smul.u32 $0x50, s8;
	s9 =	sor.u32 $0x1C03, s31;
	s0 =	sadd.s32 s10, s0  }
0x10: {  	s12 =	sshrl.u32 s12, $0x3;
	s11 =	smax.u32 s11, $0x1;
	s10 =	sadd.s32 $0x28200, s0  }
.LBB2_1:
0x11: {  	[spmem:s12], [sflag:s9] =	dma.local [hbm:s2], $0x2780  }
0x12: {  	_ =	swait.ge [sflag:s13], $0x2780  }
0x13: {  	[sflag:s13] =	ssyncset.done $0x0  }
0x14: {  	[sflag:s13] =	ssyncadd.s32 $0xFFFFD880  }
0x15: {  	p1 =	por $0x1, $0x1;
	s0 =	simm.s32 $0x0;
	[bflag:$0x0] =	sbarrier.arrive $0xFFFF  }
.LBB2_2:
0x16: {  	s0 =	sadd.s32 s8, s0  }
0x17: {  	s0 =	sshll.u32 s0, $0x4  }
0x18: {  	s25 =	simm.s32 $0x0;
	s26 =	sadd.s32 s6, s0  }
0x19: {  	[tilespmem:s14], [sflag:$0x3] =	stream.linear.gather [hbm4b:s26+s25], $0x1400, $0x38;
	[tilespmem:$0x1E400] =	vst v63  }
0x1a: {  	_ =	swait.ge [sflag:s13], $0x1400  }
0x1b: {  	[sflag:s13] =	ssyncset.done $0x0  }
0x1c: {  	s0 =	sadd.s32 s7, s0;
	[sflag:s13] =	ssyncadd.s32 $0xFFFFEC00  }
0x1d: {  	[tilespmem:s15], [sflag:$0x3] =	stream.linear.gather [hbm4b:s0+s25], $0x1400, $0x38;
	[tilespmem:$0x1E400] =	vst v63  }
0x1e: {  	_ =	swait.ge [sflag:s13], $0x1400  }
0x1f: {  	[sflag:s13] =	ssyncset.done $0x0  }
0x20: {  	[sflag:s13] =	ssyncadd.s32 $0xFFFFEC00  }
0x21: {  	[tilespmem:s17], [sflag:$0x1] =	stream.indirect.gather [hbm4b:s5+s16], $0x40, s14, s16, $0xb8;
	[tilespmem:$0x1E400] =	vst v63  }
0x22: {  	p0 =	por p1, p1  }
0x23: {  	[tilespmem:s19], [sflag:$0x2] =	stream.indirect.gather [hbm4b:s5+s16], $0x40, s18, s16, $0xb8;
	[tilespmem:$0x1E400] =	vst v63  }
.LBB2_3:
0x24: {  	_ =	swait.ge [sflag:s20], $0x2000  }
0x25: {  	[sflag:s20] =	ssyncset.done $0x0  }
0x26: {  	s28 =	simm.s32 $0x16480;
	[sflag:s20] =	ssyncadd.s32 $0xFFFFE000  }
0x27: {  	v0 =	vld [tilespmem:s28+$0x40];
	_ =	sdelay $0x1  }
0x28: {  	v1 =	vld [tilespmem:s28+$0xFFFFFFC0]  }
0x29: {  	v2 =	vld [tilespmem:s28+$0xFFFFFF80];
	_ =	sdelay $0x1  }
0x2a: {  	s26 =	simm.s32 $0x1A500;
	v3 =	vshll.u32 v0, $0x10  }
0x2b: {  	v4 =	vld [tilespmem:s28+$0x0];
	v0 =	vand.u32 $0xFFFF0000, v0;
	[tilespmem:s26+$0x80] =	vst v3  }
0x2c: {  	v3 =	vshll.u32 v1, $0x10;
	[tilespmem:s26+$0xC0] =	vst v0  }
0x2d: {  	v0 =	vshll.u32 v2, $0x10;
	[tilespmem:s26+$0xFFFFFF80] =	vst v3;
	v3 =	vld [tilespmem:s28+$0x50]  }
0x2e: {  	v2 =	vand.u32 $0xFFFF0000, v2;
	[tilespmem:s26+$0xFFFFFF00] =	vst v0  }
0x2f: {  	v0 =	vand.u32 $0xFFFF0000, v1;
	[tilespmem:s26+$0xFFFFFF40] =	vst v2  }
0x30: {  	v1 =	vshll.u32 v4, $0x10;
	v2 =	vld [tilespmem:s28+$0xFFFFFF90];
	[tilespmem:s26+$0xFFFFFFC0] =	vst v0  }
0x31: {  	v0 =	vand.u32 $0xFFFF0000, v4;
	[tilespmem:s26+$0x0] =	vst v1  }
0x32: {  	v1 =	vld [tilespmem:s28+$0xFFFFFFD0];
	[tilespmem:s26+$0x40] =	vst v0;
	v0 =	vshll.u32 v3, $0x10  }
0x33: {  	v3 =	vand.u32 $0xFFFF0000, v3;
	[tilespmem:s26+$0x90] =	vst v0  }
0x34: {  	v0 =	vld [tilespmem:s28+$0x10];
	[tilespmem:s26+$0xD0] =	vst v3  }
0x35: {  	v3 =	vshll.u32 v2, $0x10;
	v4 =	vld [tilespmem:s28+$0x60]  }
0x36: {  	v2 =	vand.u32 $0xFFFF0000, v2;
	[tilespmem:s26+$0xFFFFFF10] =	vst v3  }
0x37: {  	v3 =	vshll.u32 v1, $0x10;
	[tilespmem:s26+$0xFFFFFF50] =	vst v2  }
0x38: {  	v1 =	vand.u32 $0xFFFF0000, v1;
	[tilespmem:s26+$0xFFFFFF90] =	vst v3  }
0x39: {  	v2 =	vld [tilespmem:s28+$0xFFFFFFA0];
	[tilespmem:s26+$0xFFFFFFD0] =	vst v1;
	v3 =	vshll.u32 v0, $0x10  }
0x3a: {  	[tilespmem:s26+$0x10] =	vst v3;
	v1 =	vshll.u32 v4, $0x10  }
0x3b: {  	v3 =	vld [tilespmem:s28+$0xFFFFFFE0];
	v4 =	vand.u32 $0xFFFF0000, v4;
	[tilespmem:s26+$0xA0] =	vst v1  }
0x3c: {  	v0 =	vand.u32 $0xFFFF0000, v0;
	[tilespmem:s26+$0xE0] =	vst v4  }
0x3d: {  	[tilespmem:s26+$0x50] =	vst v0;
	v0 =	vld [tilespmem:s28+$0x70]  }
0x3e: {  	v1 =	vshll.u32 v2, $0x10  }
0x3f: {  	v4 =	vld [tilespmem:s28+$0x20];
	v2 =	vand.u32 $0xFFFF0000, v2;
	[tilespmem:s26+$0xFFFFFF20] =	vst v1  }
0x40: {  	[tilespmem:s26+$0xFFFFFF60] =	vst v2;
	v2 =	vand.u32 $0xFFFF0000, v3  }
0x41: {  	v1 =	vshll.u32 v3, $0x10;
	[tilespmem:s26+$0xFFFFFFE0] =	vst v2;
	v2 =	vld [tilespmem:s28+$0xFFFFFFB0]  }
0x42: {  	[tilespmem:s26+$0xFFFFFFA0] =	vst v1;
	v1 =	vand.u32 $0xFFFF0000, v0  }
0x43: {  	[tilespmem:s26+$0xF0] =	vst v1;
	v1 =	vld [tilespmem:s28+$0xFFFFFFF0]  }
0x44: {  	v5 =	vshll.u32 v4, $0x10  }
0x45: {  	s30 =	simm.s32 $0x0;
	s31 =	simm.s32 $0x16580;
	s29 =	simm.s32 $0x1A500;
	v3 =	vand.u32 $0xFFFF0000, v4;
	v0 =	vshll.u32 v0, $0x10;
	[tilespmem:s26+$0x20] =	vst v5  }
.LBB2_4:
0x46: {  	v4 =	vld [tilespmem:s31+$0x40];
	v5 =	vshll.u32 v2, $0x10;
	v2 =	vand.u32 $0xFFFF0000, v2;
	[tilespmem:s26+$0x60] =	vst v3  }
0x47: {  	v3 =	vld [tilespmem:s31+$0xFFFFFFC0];
	[tilespmem:s26+$0xFFFFFF30] =	vst v5  }
0x48: {  	v5 =	vld [tilespmem:s31+$0x0];
	[tilespmem:s26+$0xFFFFFF70] =	vst v2;
	v2 =	vshll.u32 v1, $0x10;
	v1 =	vand.u32 $0xFFFF0000, v1  }
0x49: {  	s30 =	sadd.s32 $0x4, s30;
	v6 =	vld [tilespmem:s31+$0xFFFFFF80];
	[tilespmem:s26+$0xFFFFFFB0] =	vst v2  }
0x4a: {  	p1 =	slt.u32 s30, $0x7C;
	[tilespmem:s26+$0xFFFFFFF0] =	vst v1;
	v1 =	vld [tilespmem:s28+$0x30];
	s28 =	smov.u32 s31  }
0x4b: {  	s26 =	sadd.s32 $0x200, s26;
	v2 =	vshll.u32 v4, $0x10;
	[tilespmem:s29+$0xB0] =	vst v0  }
0x4c: {  	v4 =	vand.u32 $0xFFFF0000, v4;
	v0 =	vshll.u32 v3, $0x10;
	v3 =	vand.u32 $0xFFFF0000, v3;
	[tilespmem:s26+$0x80] =	vst v2  }
0x4d: {  	v2 =	vshll.u32 v5, $0x10;
	v5 =	vand.u32 $0xFFFF0000, v5;
	[tilespmem:s26+$0xC0] =	vst v4  }
0x4e: {  	v4 =	vshll.u32 v6, $0x10;
	v6 =	vand.u32 $0xFFFF0000, v6;
	[tilespmem:s26+$0xFFFFFF80] =	vst v0;
	v0 =	vld [tilespmem:s31+$0x50]  }
0x4f: {  	[tilespmem:s26+$0xFFFFFF00] =	vst v4;
	v4 =	vshll.u32 v1, $0x10;
	v7 =	vand.u32 $0xFFFF0000, v1  }
0x50: {  	[tilespmem:s26+$0xFFFFFF40] =	vst v6  }
0x51: {  	v1 =	vld [tilespmem:s31+$0xFFFFFF90];
	[tilespmem:s26+$0xFFFFFFC0] =	vst v3  }
0x52: {  	v3 =	vld [tilespmem:s31+$0xFFFFFFD0];
	[tilespmem:s26+$0x0] =	vst v2  }
0x53: {  	[tilespmem:s26+$0x40] =	vst v5;
	v2 =	vshll.u32 v0, $0x10  }
0x54: {  	v0 =	vand.u32 $0xFFFF0000, v0;
	v5 =	vld [tilespmem:s31+$0x10];
	[tilespmem:s26+$0x90] =	vst v2  }
0x55: {  	[tilespmem:s26+$0xD0] =	vst v0  }
0x56: {  	v0 =	vshll.u32 v1, $0x10;
	v1 =	vand.u32 $0xFFFF0000, v1;
	v2 =	vld [tilespmem:s31+$0x60];
	[tilespmem:s29+$0x30] =	vst v4  }
0x57: {  	[tilespmem:s26+$0xFFFFFF10] =	vst v0;
	v0 =	vshll.u32 v3, $0x10;
	v3 =	vand.u32 $0xFFFF0000, v3  }
0x58: {  	[tilespmem:s26+$0xFFFFFF50] =	vst v1  }
0x59: {  	v1 =	vld [tilespmem:s31+$0xFFFFFFA0];
	[tilespmem:s26+$0xFFFFFF90] =	vst v0;
	v0 =	vshll.u32 v5, $0x10;
	v4 =	vand.u32 $0xFFFF0000, v5  }
0x5a: {  	[tilespmem:s26+$0xFFFFFFD0] =	vst v3  }
0x5b: {  	v3 =	vld [tilespmem:s31+$0xFFFFFFE0];
	[tilespmem:s26+$0x10] =	vst v0;
	v0 =	vshll.u32 v2, $0x10  }
0x5c: {  	v2 =	vand.u32 $0xFFFF0000, v2;
	[tilespmem:s26+$0xA0] =	vst v0  }
0x5d: {  	[tilespmem:s26+$0xE0] =	vst v2  }
0x5e: {  	v0 =	vshll.u32 v1, $0x10;
	v1 =	vand.u32 $0xFFFF0000, v1;
	[tilespmem:s26+$0x50] =	vst v4;
	v4 =	vld [tilespmem:s31+$0x70]  }
0x5f: {  	[tilespmem:s26+$0xFFFFFF20] =	vst v0;
	v5 =	vld [tilespmem:s31+$0x20]  }
0x60: {  	[tilespmem:s26+$0xFFFFFF60] =	vst v1;
	v0 =	vshll.u32 v3, $0x10;
	v1 =	vand.u32 $0xFFFF0000, v3  }
.Ltmp0:
0x61: {  	v2 =	vld [tilespmem:s31+$0xFFFFFFB0];
	[tilespmem:s26+$0xFFFFFFA0] =	vst v0;
	(pc) =	sbr.rel @p1 .LBB2_4-.Ltmp0, $4  }
0x62: {  	[tilespmem:s26+$0xFFFFFFE0] =	vst v1  }
0x63: {  	v1 =	vld [tilespmem:s31+$0xFFFFFFF0];
	v0 =	vshll.u32 v4, $0x10;
	v4 =	vand.u32 $0xFFFF0000, v4;
	[tilespmem:s29+$0x70] =	vst v7;
	s29 =	smov.u32 s26  }
0x64: {  	v6 =	vshll.u32 v5, $0x10;
	v3 =	vand.u32 $0xFFFF0000, v5;
	[tilespmem:s26+$0xF0] =	vst v4  }
0x65: {  	s31 =	sadd.s32 $0x100, s31;
	[tilespmem:s26+$0x20] =	vst v6  }
0x66: {  	[tilespmem:s26+$0x60] =	vst v3  }
0x67: {  	v4 =	vld [tilespmem:s28+$0x30]  }
0x68: {  	v3 =	vshll.u32 v2, $0x10;
	[tilespmem:s29+$0xB0] =	vst v0  }
0x69: {  	v2 =	vand.u32 $0xFFFF0000, v2;
	[tilespmem:s26+$0xFFFFFF30] =	vst v3  }
0x6a: {  	[tilespmem:s26+$0xFFFFFF70] =	vst v2;
	v2 =	vshll.u32 v1, $0x10  }
0x6b: {  	v1 =	vand.u32 $0xFFFF0000, v1;
	[tilespmem:s26+$0xFFFFFFB0] =	vst v2  }
0x6c: {  	s0 =	sshll.u32 s25, $0x8;
	[tilespmem:s26+$0xFFFFFFF0] =	vst v1;
	v0 =	vshll.u32 v4, $0x10  }
0x6d: {  	s26 =	sand.u32 $0x3FFFFF00, s0;
	v1 =	vand.u32 $0xFFFF0000, v4;
	[tilespmem:s29+$0x30] =	vst v0  }
0x6e: {  	s0 =	sadd.s32 $0x15000, s26;
	[tilespmem:s29+$0x70] =	vst v1  }
0x6f: {  	[spmem:s3] =	stream.indirect.scatter.add.f32 [tilespmem:s21], [sflag:$0x3], $0x80, s0, s16, $0xb8;
	[tilespmem:$0x1E400] =	vst v63  }
0x70: {  	_ =	swait.ge [sflag:s13], $0x4000  }
0x71: {  	[sflag:s13] =	ssyncset.done $0x0  }
0x72: {  	s0 =	sadd.s32 $0x13D00, s26;
	[sflag:s13] =	ssyncadd.s32 $0xFFFFC000  }
0x73: {  	[tilespmem:s17], [sflag:$0x1] =	stream.indirect.gather [hbm4b:s5+s16], $0x40, s0, s16, $0xb8;
	[tilespmem:$0x1E400] =	vst v63  }
0x74: {  	_ =	swait.ge [sflag:s22], $0x2000  }
0x75: {  	[sflag:s22] =	ssyncset.done $0x0  }
0x76: {  	s29 =	simm.s32 $0x184F0;
	[sflag:s22] =	ssyncadd.s32 $0xFFFFE000  }
0x77: {  	v0 =	vld [tilespmem:s29+$0xFFFFFFD0];
	_ =	sdelay $0x1  }
0x78: {  	v1 =	vld [tilespmem:s29+$0xFFFFFF50]  }
0x79: {  	v2 =	vld [tilespmem:s29+$0xFFFFFF10];
	_ =	sdelay $0x1  }
0x7a: {  	s28 =	simm.s32 $0x1A500;
	v3 =	vshll.u32 v0, $0x10  }
0x7b: {  	v4 =	vld [tilespmem:s29+$0xFFFFFF90];
	v0 =	vand.u32 $0xFFFF0000, v0;
	[tilespmem:s28+$0x80] =	vst v3  }
0x7c: {  	v3 =	vshll.u32 v1, $0x10;
	[tilespmem:s28+$0xC0] =	vst v0  }
0x7d: {  	v0 =	vshll.u32 v2, $0x10;
	[tilespmem:s28+$0xFFFFFF80] =	vst v3;
	v3 =	vld [tilespmem:s29+$0xFFFFFFE0]  }
0x7e: {  	v2 =	vand.u32 $0xFFFF0000, v2;
	[tilespmem:s28+$0xFFFFFF00] =	vst v0  }
0x7f: {  	v0 =	vand.u32 $0xFFFF0000, v1;
	[tilespmem:s28+$0xFFFFFF40] =	vst v2  }
0x80: {  	v1 =	vshll.u32 v4, $0x10;
	v2 =	vld [tilespmem:s29+$0xFFFFFF20];
	[tilespmem:s28+$0xFFFFFFC0] =	vst v0  }
0x81: {  	v0 =	vand.u32 $0xFFFF0000, v4;
	[tilespmem:s28+$0x0] =	vst v1  }
0x82: {  	v1 =	vld [tilespmem:s29+$0xFFFFFF60];
	[tilespmem:s28+$0x40] =	vst v0;
	v0 =	vshll.u32 v3, $0x10  }
0x83: {  	v3 =	vand.u32 $0xFFFF0000, v3;
	[tilespmem:s28+$0x90] =	vst v0  }
0x84: {  	v0 =	vld [tilespmem:s29+$0xFFFFFFA0];
	[tilespmem:s28+$0xD0] =	vst v3  }
0x85: {  	v3 =	vshll.u32 v2, $0x10;
	v4 =	vld [tilespmem:s29+$0xFFFFFFF0]  }
0x86: {  	v2 =	vand.u32 $0xFFFF0000, v2;
	[tilespmem:s28+$0xFFFFFF10] =	vst v3  }
0x87: {  	v3 =	vshll.u32 v1, $0x10;
	[tilespmem:s28+$0xFFFFFF50] =	vst v2  }
0x88: {  	v1 =	vand.u32 $0xFFFF0000, v1;
	[tilespmem:s28+$0xFFFFFF90] =	vst v3  }
0x89: {  	v2 =	vld [tilespmem:s29+$0xFFFFFF30];
	[tilespmem:s28+$0xFFFFFFD0] =	vst v1;
	v3 =	vshll.u32 v0, $0x10  }
0x8a: {  	[tilespmem:s28+$0x10] =	vst v3;
	v1 =	vshll.u32 v4, $0x10  }
0x8b: {  	v3 =	vld [tilespmem:s29+$0xFFFFFF70];
	v4 =	vand.u32 $0xFFFF0000, v4;
	[tilespmem:s28+$0xA0] =	vst v1  }
0x8c: {  	v0 =	vand.u32 $0xFFFF0000, v0;
	[tilespmem:s28+$0xE0] =	vst v4  }
0x8d: {  	[tilespmem:s28+$0x50] =	vst v0;
	v0 =	vld [tilespmem:s29+$0x0]  }
0x8e: {  	v1 =	vshll.u32 v2, $0x10  }
0x8f: {  	v4 =	vld [tilespmem:s29+$0xFFFFFFB0];
	v2 =	vand.u32 $0xFFFF0000, v2;
	[tilespmem:s28+$0xFFFFFF20] =	vst v1  }
0x90: {  	[tilespmem:s28+$0xFFFFFF60] =	vst v2;
	v2 =	vand.u32 $0xFFFF0000, v3  }
0x91: {  	v1 =	vshll.u32 v3, $0x10;
	[tilespmem:s28+$0xFFFFFFE0] =	vst v2;
	v2 =	vld [tilespmem:s29+$0xFFFFFF40]  }
0x92: {  	[tilespmem:s28+$0xFFFFFFA0] =	vst v1;
	v1 =	vand.u32 $0xFFFF0000, v0  }
0x93: {  	[tilespmem:s28+$0xF0] =	vst v1;
	v1 =	vld [tilespmem:s29+$0xFFFFFF80]  }
0x94: {  	v5 =	vshll.u32 v4, $0x10  }
0x95: {  	s31 =	simm.s32 $0x0;
	s30 =	simm.s32 $0x1A500;
	s0 =	simm.s32 $0x185F0;
	v3 =	vand.u32 $0xFFFF0000, v4;
	v0 =	vshll.u32 v0, $0x10;
	[tilespmem:s28+$0x20] =	vst v5  }
.LBB2_6:
0x96: {  	v4 =	vld [tilespmem:s0+$0xFFFFFFD0];
	v5 =	vshll.u32 v2, $0x10;
	v2 =	vand.u32 $0xFFFF0000, v2;
	[tilespmem:s28+$0x60] =	vst v3  }
0x97: {  	v3 =	vld [tilespmem:s0+$0xFFFFFF50];
	[tilespmem:s28+$0xFFFFFF30] =	vst v5  }
0x98: {  	v5 =	vld [tilespmem:s0+$0xFFFFFF90];
	[tilespmem:s28+$0xFFFFFF70] =	vst v2;
	v2 =	vshll.u32 v1, $0x10;
	v1 =	vand.u32 $0xFFFF0000, v1  }
0x99: {  	s31 =	sadd.s32 $0x4, s31;
	v6 =	vld [tilespmem:s0+$0xFFFFFF10];
	[tilespmem:s28+$0xFFFFFFB0] =	vst v2  }
0x9a: {  	p1 =	slt.u32 s31, $0x7C;
	[tilespmem:s28+$0xFFFFFFF0] =	vst v1;
	v1 =	vld [tilespmem:s29+$0xFFFFFFC0];
	s29 =	smov.u32 s0  }
0x9b: {  	s28 =	sadd.s32 $0x200, s28;
	v2 =	vshll.u32 v4, $0x10;
	[tilespmem:s30+$0xB0] =	vst v0  }
0x9c: {  	v4 =	vand.u32 $0xFFFF0000, v4;
	v0 =	vshll.u32 v3, $0x10;
	v3 =	vand.u32 $0xFFFF0000, v3;
	[tilespmem:s28+$0x80] =	vst v2  }
0x9d: {  	v2 =	vshll.u32 v5, $0x10;
	v5 =	vand.u32 $0xFFFF0000, v5;
	[tilespmem:s28+$0xC0] =	vst v4  }
0x9e: {  	v4 =	vshll.u32 v6, $0x10;
	v6 =	vand.u32 $0xFFFF0000, v6;
	[tilespmem:s28+$0xFFFFFF80] =	vst v0;
	v0 =	vld [tilespmem:s0+$0xFFFFFFE0]  }
0x9f: {  	[tilespmem:s28+$0xFFFFFF00] =	vst v4;
	v4 =	vshll.u32 v1, $0x10;
	v7 =	vand.u32 $0xFFFF0000, v1  }
0xa0: {  	[tilespmem:s28+$0xFFFFFF40] =	vst v6  }
0xa1: {  	v1 =	vld [tilespmem:s0+$0xFFFFFF20];
	[tilespmem:s28+$0xFFFFFFC0] =	vst v3  }
0xa2: {  	v3 =	vld [tilespmem:s0+$0xFFFFFF60];
	[tilespmem:s28+$0x0] =	vst v2  }
0xa3: {  	[tilespmem:s28+$0x40] =	vst v5;
	v2 =	vshll.u32 v0, $0x10  }
0xa4: {  	v0 =	vand.u32 $0xFFFF0000, v0;
	v5 =	vld [tilespmem:s0+$0xFFFFFFA0];
	[tilespmem:s28+$0x90] =	vst v2  }
0xa5: {  	[tilespmem:s28+$0xD0] =	vst v0  }
0xa6: {  	v0 =	vshll.u32 v1, $0x10;
	v1 =	vand.u32 $0xFFFF0000, v1;
	v2 =	vld [tilespmem:s0+$0xFFFFFFF0];
	[tilespmem:s30+$0x30] =	vst v4  }
0xa7: {  	[tilespmem:s28+$0xFFFFFF10] =	vst v0;
	v0 =	vshll.u32 v3, $0x10;
	v3 =	vand.u32 $0xFFFF0000, v3  }
0xa8: {  	[tilespmem:s28+$0xFFFFFF50] =	vst v1  }
0xa9: {  	v1 =	vld [tilespmem:s0+$0xFFFFFF30];
	[tilespmem:s28+$0xFFFFFF90] =	vst v0;
	v0 =	vshll.u32 v5, $0x10;
	v4 =	vand.u32 $0xFFFF0000, v5  }
0xaa: {  	[tilespmem:s28+$0xFFFFFFD0] =	vst v3  }
0xab: {  	v3 =	vld [tilespmem:s0+$0xFFFFFF70];
	[tilespmem:s28+$0x10] =	vst v0;
	v0 =	vshll.u32 v2, $0x10  }
0xac: {  	v2 =	vand.u32 $0xFFFF0000, v2;
	[tilespmem:s28+$0xA0] =	vst v0  }
0xad: {  	[tilespmem:s28+$0xE0] =	vst v2  }
0xae: {  	v0 =	vshll.u32 v1, $0x10;
	v1 =	vand.u32 $0xFFFF0000, v1;
	[tilespmem:s28+$0x50] =	vst v4;
	v4 =	vld [tilespmem:s0+$0x0]  }
0xaf: {  	[tilespmem:s28+$0xFFFFFF20] =	vst v0;
	v5 =	vld [tilespmem:s0+$0xFFFFFFB0]  }
0xb0: {  	[tilespmem:s28+$0xFFFFFF60] =	vst v1;
	v0 =	vshll.u32 v3, $0x10;
	v1 =	vand.u32 $0xFFFF0000, v3  }
.Ltmp1:
0xb1: {  	v2 =	vld [tilespmem:s0+$0xFFFFFF40];
	[tilespmem:s28+$0xFFFFFFA0] =	vst v0;
	(pc) =	sbr.rel @p1 .LBB2_6-.Ltmp1, $4  }
0xb2: {  	[tilespmem:s28+$0xFFFFFFE0] =	vst v1  }
0xb3: {  	v1 =	vld [tilespmem:s0+$0xFFFFFF80];
	v0 =	vshll.u32 v4, $0x10;
	v4 =	vand.u32 $0xFFFF0000, v4;
	[tilespmem:s30+$0x70] =	vst v7;
	s30 =	smov.u32 s28  }
0xb4: {  	v6 =	vshll.u32 v5, $0x10;
	v3 =	vand.u32 $0xFFFF0000, v5;
	[tilespmem:s28+$0xF0] =	vst v4  }
0xb5: {  	s0 =	sadd.s32 $0x100, s0;
	[tilespmem:s28+$0x20] =	vst v6  }
0xb6: {  	[tilespmem:s28+$0x60] =	vst v3  }
0xb7: {  	v4 =	vld [tilespmem:s29+$0xFFFFFFC0]  }
0xb8: {  	v58 =	vshll.u32 v2, $0x10;
	[tilespmem:s30+$0xB0] =	vst v0  }
0xb9: {  	v59 =	vand.u32 $0xFFFF0000, v2;
	[tilespmem:s28+$0xFFFFFF30] =	vst v58  }
0xba: {  	[tilespmem:s28+$0xFFFFFF70] =	vst v59;
	v60 =	vshll.u32 v1, $0x10  }
0xbb: {  	v61 =	vand.u32 $0xFFFF0000, v1;
	[tilespmem:s28+$0xFFFFFFB0] =	vst v60  }
0xbc: {  	[tilespmem:s28+$0xFFFFFFF0] =	vst v61;
	v62 =	vshll.u32 v4, $0x10  }
0xbd: {  	s25 =	sadd.s32 $0x1, s25;
	v63 =	vand.u32 $0xFFFF0000, v4;
	[tilespmem:s30+$0x30] =	vst v62  }
0xbe: {  	s0 =	sadd.s32 $0x15080, s26;
	p1 =	sne.s32 s25, $0x13;
	[tilespmem:s30+$0x70] =	vst v63  }
0xbf: {  	[spmem:s3] =	stream.indirect.scatter.add.f32 [tilespmem:s21], [sflag:$0x3], $0x80, s0, s16, $0xb8;
	[tilespmem:$0x1E400] =	vst v63  }
.Ltmp2:
0xc0: {  	_ = 	snop;
	(pc) =	sbr.rel @p1 .LBB2_3-.Ltmp2, $4  }
0xc1: {  	_ =	swait.ge [sflag:s13], $0x4000  }
0xc2: {  	[sflag:s13] =	ssyncset.done $0x0  }
0xc3: {  	s31 =	sadd.s32 $0x13D80, s26;
	[sflag:s13] =	ssyncadd.s32 $0xFFFFC000  }
0xc4: {  	[tilespmem:s19], [sflag:$0x2] =	stream.indirect.gather [hbm4b:s5+s16], $0x40, s31, s16, $0xb8;
	[tilespmem:$0x1E400] =	vst v63  }
0xc5: {  	_ =	swait.ge [sflag:s20], $0x2000  }
0xc6: {  	[sflag:s20] =	ssyncset.done $0x0  }
0xc7: {  	s26 =	simm.s32 $0x16480;
	[sflag:s20] =	ssyncadd.s32 $0xFFFFE000  }
0xc8: {  	v0 =	vld [tilespmem:s26+$0x40];
	_ =	sdelay $0x1  }
0xc9: {  	v1 =	vld [tilespmem:s26+$0xFFFFFFC0]  }
0xca: {  	v2 =	vld [tilespmem:s26+$0xFFFFFF80];
	_ =	sdelay $0x1  }
0xcb: {  	s25 =	simm.s32 $0x1A500;
	v3 =	vshll.u32 v0, $0x10  }
0xcc: {  	v4 =	vld [tilespmem:s26+$0x0];
	v0 =	vand.u32 $0xFFFF0000, v0;
	[tilespmem:s25+$0x80] =	vst v3  }
0xcd: {  	v3 =	vshll.u32 v1, $0x10;
	[tilespmem:s25+$0xC0] =	vst v0  }
0xce: {  	v0 =	vshll.u32 v2, $0x10;
	[tilespmem:s25+$0xFFFFFF80] =	vst v3;
	v3 =	vld [tilespmem:s26+$0x50]  }
0xcf: {  	v2 =	vand.u32 $0xFFFF0000, v2;
	[tilespmem:s25+$0xFFFFFF00] =	vst v0  }
0xd0: {  	v0 =	vand.u32 $0xFFFF0000, v1;
	[tilespmem:s25+$0xFFFFFF40] =	vst v2  }
0xd1: {  	v1 =	vshll.u32 v4, $0x10;
	v2 =	vld [tilespmem:s26+$0xFFFFFF90];
	[tilespmem:s25+$0xFFFFFFC0] =	vst v0  }
0xd2: {  	v0 =	vand.u32 $0xFFFF0000, v4;
	[tilespmem:s25+$0x0] =	vst v1  }
0xd3: {  	v1 =	vld [tilespmem:s26+$0xFFFFFFD0];
	[tilespmem:s25+$0x40] =	vst v0;
	v0 =	vshll.u32 v3, $0x10  }
0xd4: {  	v3 =	vand.u32 $0xFFFF0000, v3;
	[tilespmem:s25+$0x90] =	vst v0  }
0xd5: {  	v0 =	vld [tilespmem:s26+$0x10];
	[tilespmem:s25+$0xD0] =	vst v3  }
0xd6: {  	v3 =	vshll.u32 v2, $0x10;
	v4 =	vld [tilespmem:s26+$0x60]  }
0xd7: {  	v2 =	vand.u32 $0xFFFF0000, v2;
	[tilespmem:s25+$0xFFFFFF10] =	vst v3  }
0xd8: {  	v3 =	vshll.u32 v1, $0x10;
	[tilespmem:s25+$0xFFFFFF50] =	vst v2  }
0xd9: {  	v1 =	vand.u32 $0xFFFF0000, v1;
	[tilespmem:s25+$0xFFFFFF90] =	vst v3  }
0xda: {  	v2 =	vld [tilespmem:s26+$0xFFFFFFA0];
	[tilespmem:s25+$0xFFFFFFD0] =	vst v1;
	v3 =	vshll.u32 v0, $0x10  }
0xdb: {  	[tilespmem:s25+$0x10] =	vst v3;
	v1 =	vshll.u32 v4, $0x10  }
0xdc: {  	v3 =	vld [tilespmem:s26+$0xFFFFFFE0];
	v4 =	vand.u32 $0xFFFF0000, v4;
	[tilespmem:s25+$0xA0] =	vst v1  }
0xdd: {  	v0 =	vand.u32 $0xFFFF0000, v0;
	[tilespmem:s25+$0xE0] =	vst v4  }
0xde: {  	[tilespmem:s25+$0x50] =	vst v0;
	v0 =	vld [tilespmem:s26+$0x70]  }
0xdf: {  	v1 =	vshll.u32 v2, $0x10  }
0xe0: {  	v4 =	vld [tilespmem:s26+$0x20];
	v2 =	vand.u32 $0xFFFF0000, v2;
	[tilespmem:s25+$0xFFFFFF20] =	vst v1  }
0xe1: {  	[tilespmem:s25+$0xFFFFFF60] =	vst v2;
	v2 =	vand.u32 $0xFFFF0000, v3  }
0xe2: {  	v1 =	vshll.u32 v3, $0x10;
	[tilespmem:s25+$0xFFFFFFE0] =	vst v2;
	v2 =	vld [tilespmem:s26+$0xFFFFFFB0]  }
0xe3: {  	[tilespmem:s25+$0xFFFFFFA0] =	vst v1;
	v1 =	vand.u32 $0xFFFF0000, v0  }
0xe4: {  	[tilespmem:s25+$0xF0] =	vst v1;
	v1 =	vld [tilespmem:s26+$0xFFFFFFF0]  }
0xe5: {  	v5 =	vshll.u32 v4, $0x10  }
0xe6: {  	s29 =	simm.s32 $0x0;
	s0 =	simm.s32 $0x16580;
	s28 =	simm.s32 $0x1A500;
	v3 =	vand.u32 $0xFFFF0000, v4;
	v0 =	vshll.u32 v0, $0x10;
	[tilespmem:s25+$0x20] =	vst v5  }
.LBB2_9:
0xe7: {  	v4 =	vld [tilespmem:s0+$0x40];
	v5 =	vshll.u32 v2, $0x10;
	v2 =	vand.u32 $0xFFFF0000, v2;
	[tilespmem:s25+$0x60] =	vst v3  }
0xe8: {  	v3 =	vld [tilespmem:s0+$0xFFFFFFC0];
	[tilespmem:s25+$0xFFFFFF30] =	vst v5  }
0xe9: {  	v5 =	vld [tilespmem:s0+$0x0];
	[tilespmem:s25+$0xFFFFFF70] =	vst v2;
	v2 =	vshll.u32 v1, $0x10;
	v1 =	vand.u32 $0xFFFF0000, v1  }
0xea: {  	s29 =	sadd.s32 $0x4, s29;
	v6 =	vld [tilespmem:s0+$0xFFFFFF80];
	[tilespmem:s25+$0xFFFFFFB0] =	vst v2  }
0xeb: {  	p1 =	slt.u32 s29, $0x7C;
	[tilespmem:s25+$0xFFFFFFF0] =	vst v1;
	v1 =	vld [tilespmem:s26+$0x30];
	s26 =	smov.u32 s0  }
0xec: {  	s25 =	sadd.s32 $0x200, s25;
	v2 =	vshll.u32 v4, $0x10;
	[tilespmem:s28+$0xB0] =	vst v0  }
0xed: {  	v4 =	vand.u32 $0xFFFF0000, v4;
	v0 =	vshll.u32 v3, $0x10;
	v3 =	vand.u32 $0xFFFF0000, v3;
	[tilespmem:s25+$0x80] =	vst v2  }
0xee: {  	v2 =	vshll.u32 v5, $0x10;
	v5 =	vand.u32 $0xFFFF0000, v5;
	[tilespmem:s25+$0xC0] =	vst v4  }
0xef: {  	v4 =	vshll.u32 v6, $0x10;
	v6 =	vand.u32 $0xFFFF0000, v6;
	[tilespmem:s25+$0xFFFFFF80] =	vst v0;
	v0 =	vld [tilespmem:s0+$0x50]  }
0xf0: {  	[tilespmem:s25+$0xFFFFFF00] =	vst v4;
	v4 =	vshll.u32 v1, $0x10;
	v7 =	vand.u32 $0xFFFF0000, v1  }
0xf1: {  	[tilespmem:s25+$0xFFFFFF40] =	vst v6  }
0xf2: {  	v1 =	vld [tilespmem:s0+$0xFFFFFF90];
	[tilespmem:s25+$0xFFFFFFC0] =	vst v3  }
0xf3: {  	v3 =	vld [tilespmem:s0+$0xFFFFFFD0];
	[tilespmem:s25+$0x0] =	vst v2  }
0xf4: {  	[tilespmem:s25+$0x40] =	vst v5;
	v2 =	vshll.u32 v0, $0x10  }
0xf5: {  	v0 =	vand.u32 $0xFFFF0000, v0;
	v5 =	vld [tilespmem:s0+$0x10];
	[tilespmem:s25+$0x90] =	vst v2  }
0xf6: {  	[tilespmem:s25+$0xD0] =	vst v0  }
0xf7: {  	v0 =	vshll.u32 v1, $0x10;
	v1 =	vand.u32 $0xFFFF0000, v1;
	v2 =	vld [tilespmem:s0+$0x60];
	[tilespmem:s28+$0x30] =	vst v4  }
0xf8: {  	[tilespmem:s25+$0xFFFFFF10] =	vst v0;
	v0 =	vshll.u32 v3, $0x10;
	v3 =	vand.u32 $0xFFFF0000, v3  }
0xf9: {  	[tilespmem:s25+$0xFFFFFF50] =	vst v1  }
0xfa: {  	v1 =	vld [tilespmem:s0+$0xFFFFFFA0];
	[tilespmem:s25+$0xFFFFFF90] =	vst v0;
	v0 =	vshll.u32 v5, $0x10;
	v4 =	vand.u32 $0xFFFF0000, v5  }
0xfb: {  	[tilespmem:s25+$0xFFFFFFD0] =	vst v3  }
0xfc: {  	v3 =	vld [tilespmem:s0+$0xFFFFFFE0];
	[tilespmem:s25+$0x10] =	vst v0;
	v0 =	vshll.u32 v2, $0x10  }
0xfd: {  	v2 =	vand.u32 $0xFFFF0000, v2;
	[tilespmem:s25+$0xA0] =	vst v0  }
0xfe: {  	[tilespmem:s25+$0xE0] =	vst v2  }
0xff: {  	v0 =	vshll.u32 v1, $0x10;
	v1 =	vand.u32 $0xFFFF0000, v1;
	[tilespmem:s25+$0x50] =	vst v4;
	v4 =	vld [tilespmem:s0+$0x70]  }
0x100: {  	[tilespmem:s25+$0xFFFFFF20] =	vst v0;
	v5 =	vld [tilespmem:s0+$0x20]  }
0x101: {  	[tilespmem:s25+$0xFFFFFF60] =	vst v1;
	v0 =	vshll.u32 v3, $0x10;
	v1 =	vand.u32 $0xFFFF0000, v3  }
.Ltmp3:
0x102: {  	v2 =	vld [tilespmem:s0+$0xFFFFFFB0];
	[tilespmem:s25+$0xFFFFFFA0] =	vst v0;
	(pc) =	sbr.rel @p1 .LBB2_9-.Ltmp3, $4  }
0x103: {  	[tilespmem:s25+$0xFFFFFFE0] =	vst v1  }
0x104: {  	v1 =	vld [tilespmem:s0+$0xFFFFFFF0];
	v0 =	vshll.u32 v4, $0x10;
	v4 =	vand.u32 $0xFFFF0000, v4;
	[tilespmem:s28+$0x70] =	vst v7;
	s28 =	smov.u32 s25  }
0x105: {  	v6 =	vshll.u32 v5, $0x10;
	v3 =	vand.u32 $0xFFFF0000, v5;
	[tilespmem:s25+$0xF0] =	vst v4  }
0x106: {  	s0 =	sadd.s32 $0x100, s0;
	[tilespmem:s25+$0x20] =	vst v6  }
0x107: {  	[tilespmem:s25+$0x60] =	vst v3  }
0x108: {  	v4 =	vld [tilespmem:s26+$0x30]  }
0x109: {  	v3 =	vshll.u32 v2, $0x10;
	[tilespmem:s28+$0xB0] =	vst v0  }
0x10a: {  	v2 =	vand.u32 $0xFFFF0000, v2;
	[tilespmem:s25+$0xFFFFFF30] =	vst v3  }
0x10b: {  	[tilespmem:s25+$0xFFFFFF70] =	vst v2;
	v2 =	vshll.u32 v1, $0x10  }
0x10c: {  	v1 =	vand.u32 $0xFFFF0000, v1;
	[tilespmem:s25+$0xFFFFFFB0] =	vst v2  }
0x10d: {  	[tilespmem:s25+$0xFFFFFFF0] =	vst v1;
	v0 =	vshll.u32 v4, $0x10  }
0x10e: {  	v1 =	vand.u32 $0xFFFF0000, v4;
	[tilespmem:s28+$0x30] =	vst v0  }
0x10f: {  	[tilespmem:s28+$0x70] =	vst v1  }
0x110: {  	[spmem:s3] =	stream.indirect.scatter.add.f32 [tilespmem:s21], [sflag:$0x3], $0x80, s23, s16, $0xb8;
	[tilespmem:$0x1E400] =	vst v63  }
0x111: {  	_ =	swait.ge [sflag:s13], $0x4000  }
0x112: {  	[sflag:s13] =	ssyncset.done $0x0  }
0x113: {  	[sflag:s13] =	ssyncadd.s32 $0xFFFFC000  }
0x114: {  	_ =	swait.ge [sflag:s22], $0x2000  }
0x115: {  	[sflag:s22] =	ssyncset.done $0x0  }
0x116: {  	s26 =	simm.s32 $0x184F0;
	[sflag:s22] =	ssyncadd.s32 $0xFFFFE000  }
0x117: {  	v0 =	vld [tilespmem:s26+$0xFFFFFFD0];
	_ =	sdelay $0x1  }
0x118: {  	v1 =	vld [tilespmem:s26+$0xFFFFFF50]  }
0x119: {  	v2 =	vld [tilespmem:s26+$0xFFFFFF10];
	_ =	sdelay $0x1  }
0x11a: {  	s25 =	simm.s32 $0x1A500;
	v3 =	vshll.u32 v0, $0x10  }
0x11b: {  	v4 =	vld [tilespmem:s26+$0xFFFFFF90];
	v0 =	vand.u32 $0xFFFF0000, v0;
	[tilespmem:s25+$0x80] =	vst v3  }
0x11c: {  	v3 =	vshll.u32 v1, $0x10;
	[tilespmem:s25+$0xC0] =	vst v0  }
0x11d: {  	v0 =	vshll.u32 v2, $0x10;
	[tilespmem:s25+$0xFFFFFF80] =	vst v3;
	v3 =	vld [tilespmem:s26+$0xFFFFFFE0]  }
0x11e: {  	v2 =	vand.u32 $0xFFFF0000, v2;
	[tilespmem:s25+$0xFFFFFF00] =	vst v0  }
0x11f: {  	v0 =	vand.u32 $0xFFFF0000, v1;
	[tilespmem:s25+$0xFFFFFF40] =	vst v2  }
0x120: {  	v1 =	vshll.u32 v4, $0x10;
	v2 =	vld [tilespmem:s26+$0xFFFFFF20];
	[tilespmem:s25+$0xFFFFFFC0] =	vst v0  }
0x121: {  	v0 =	vand.u32 $0xFFFF0000, v4;
	[tilespmem:s25+$0x0] =	vst v1  }
0x122: {  	v1 =	vld [tilespmem:s26+$0xFFFFFF60];
	[tilespmem:s25+$0x40] =	vst v0;
	v0 =	vshll.u32 v3, $0x10  }
0x123: {  	v3 =	vand.u32 $0xFFFF0000, v3;
	[tilespmem:s25+$0x90] =	vst v0  }
0x124: {  	v0 =	vld [tilespmem:s26+$0xFFFFFFA0];
	[tilespmem:s25+$0xD0] =	vst v3  }
0x125: {  	v3 =	vshll.u32 v2, $0x10;
	v4 =	vld [tilespmem:s26+$0xFFFFFFF0]  }
0x126: {  	v2 =	vand.u32 $0xFFFF0000, v2;
	[tilespmem:s25+$0xFFFFFF10] =	vst v3  }
0x127: {  	v3 =	vshll.u32 v1, $0x10;
	[tilespmem:s25+$0xFFFFFF50] =	vst v2  }
0x128: {  	v1 =	vand.u32 $0xFFFF0000, v1;
	[tilespmem:s25+$0xFFFFFF90] =	vst v3  }
0x129: {  	v2 =	vld [tilespmem:s26+$0xFFFFFF30];
	[tilespmem:s25+$0xFFFFFFD0] =	vst v1;
	v3 =	vshll.u32 v0, $0x10  }
0x12a: {  	[tilespmem:s25+$0x10] =	vst v3;
	v1 =	vshll.u32 v4, $0x10  }
0x12b: {  	v3 =	vld [tilespmem:s26+$0xFFFFFF70];
	v4 =	vand.u32 $0xFFFF0000, v4;
	[tilespmem:s25+$0xA0] =	vst v1  }
0x12c: {  	v0 =	vand.u32 $0xFFFF0000, v0;
	[tilespmem:s25+$0xE0] =	vst v4  }
0x12d: {  	[tilespmem:s25+$0x50] =	vst v0;
	v0 =	vld [tilespmem:s26+$0x0]  }
0x12e: {  	v1 =	vshll.u32 v2, $0x10  }
0x12f: {  	v4 =	vld [tilespmem:s26+$0xFFFFFFB0];
	v2 =	vand.u32 $0xFFFF0000, v2;
	[tilespmem:s25+$0xFFFFFF20] =	vst v1  }
0x130: {  	[tilespmem:s25+$0xFFFFFF60] =	vst v2;
	v2 =	vand.u32 $0xFFFF0000, v3  }
0x131: {  	v1 =	vshll.u32 v3, $0x10;
	[tilespmem:s25+$0xFFFFFFE0] =	vst v2;
	v2 =	vld [tilespmem:s26+$0xFFFFFF40]  }
0x132: {  	[tilespmem:s25+$0xFFFFFFA0] =	vst v1;
	v1 =	vand.u32 $0xFFFF0000, v0  }
0x133: {  	[tilespmem:s25+$0xF0] =	vst v1;
	v1 =	vld [tilespmem:s26+$0xFFFFFF80]  }
0x134: {  	v5 =	vshll.u32 v4, $0x10  }
0x135: {  	s29 =	simm.s32 $0x0;
	s0 =	simm.s32 $0x185F0;
	s28 =	simm.s32 $0x1A500;
	v3 =	vand.u32 $0xFFFF0000, v4;
	v0 =	vshll.u32 v0, $0x10;
	[tilespmem:s25+$0x20] =	vst v5  }
.LBB2_11:
0x136: {  	v4 =	vld [tilespmem:s0+$0xFFFFFFD0];
	v5 =	vshll.u32 v2, $0x10;
	v2 =	vand.u32 $0xFFFF0000, v2;
	[tilespmem:s25+$0x60] =	vst v3  }
0x137: {  	v3 =	vld [tilespmem:s0+$0xFFFFFF50];
	[tilespmem:s25+$0xFFFFFF30] =	vst v5  }
0x138: {  	v5 =	vld [tilespmem:s0+$0xFFFFFF90];
	[tilespmem:s25+$0xFFFFFF70] =	vst v2;
	v2 =	vshll.u32 v1, $0x10;
	v1 =	vand.u32 $0xFFFF0000, v1  }
0x139: {  	s29 =	sadd.s32 $0x4, s29;
	v6 =	vld [tilespmem:s0+$0xFFFFFF10];
	[tilespmem:s25+$0xFFFFFFB0] =	vst v2  }
0x13a: {  	p1 =	slt.u32 s29, $0x7C;
	[tilespmem:s25+$0xFFFFFFF0] =	vst v1;
	v1 =	vld [tilespmem:s26+$0xFFFFFFC0];
	s26 =	smov.u32 s0  }
0x13b: {  	s25 =	sadd.s32 $0x200, s25;
	v2 =	vshll.u32 v4, $0x10;
	[tilespmem:s28+$0xB0] =	vst v0  }
0x13c: {  	v4 =	vand.u32 $0xFFFF0000, v4;
	v0 =	vshll.u32 v3, $0x10;
	v3 =	vand.u32 $0xFFFF0000, v3;
	[tilespmem:s25+$0x80] =	vst v2  }
0x13d: {  	v2 =	vshll.u32 v5, $0x10;
	v5 =	vand.u32 $0xFFFF0000, v5;
	[tilespmem:s25+$0xC0] =	vst v4  }
0x13e: {  	v4 =	vshll.u32 v6, $0x10;
	v6 =	vand.u32 $0xFFFF0000, v6;
	[tilespmem:s25+$0xFFFFFF80] =	vst v0;
	v0 =	vld [tilespmem:s0+$0xFFFFFFE0]  }
0x13f: {  	[tilespmem:s25+$0xFFFFFF00] =	vst v4;
	v4 =	vshll.u32 v1, $0x10;
	v7 =	vand.u32 $0xFFFF0000, v1  }
0x140: {  	[tilespmem:s25+$0xFFFFFF40] =	vst v6  }
0x141: {  	v1 =	vld [tilespmem:s0+$0xFFFFFF20];
	[tilespmem:s25+$0xFFFFFFC0] =	vst v3  }
0x142: {  	v3 =	vld [tilespmem:s0+$0xFFFFFF60];
	[tilespmem:s25+$0x0] =	vst v2  }
0x143: {  	[tilespmem:s25+$0x40] =	vst v5;
	v2 =	vshll.u32 v0, $0x10  }
0x144: {  	v0 =	vand.u32 $0xFFFF0000, v0;
	v5 =	vld [tilespmem:s0+$0xFFFFFFA0];
	[tilespmem:s25+$0x90] =	vst v2  }
0x145: {  	[tilespmem:s25+$0xD0] =	vst v0  }
0x146: {  	v0 =	vshll.u32 v1, $0x10;
	v1 =	vand.u32 $0xFFFF0000, v1;
	v2 =	vld [tilespmem:s0+$0xFFFFFFF0];
	[tilespmem:s28+$0x30] =	vst v4  }
0x147: {  	[tilespmem:s25+$0xFFFFFF10] =	vst v0;
	v0 =	vshll.u32 v3, $0x10;
	v3 =	vand.u32 $0xFFFF0000, v3  }
0x148: {  	[tilespmem:s25+$0xFFFFFF50] =	vst v1  }
0x149: {  	v1 =	vld [tilespmem:s0+$0xFFFFFF30];
	[tilespmem:s25+$0xFFFFFF90] =	vst v0;
	v0 =	vshll.u32 v5, $0x10;
	v4 =	vand.u32 $0xFFFF0000, v5  }
0x14a: {  	[tilespmem:s25+$0xFFFFFFD0] =	vst v3  }
0x14b: {  	v3 =	vld [tilespmem:s0+$0xFFFFFF70];
	[tilespmem:s25+$0x10] =	vst v0;
	v0 =	vshll.u32 v2, $0x10  }
0x14c: {  	v2 =	vand.u32 $0xFFFF0000, v2;
	[tilespmem:s25+$0xA0] =	vst v0  }
0x14d: {  	[tilespmem:s25+$0xE0] =	vst v2  }
0x14e: {  	v0 =	vshll.u32 v1, $0x10;
	v1 =	vand.u32 $0xFFFF0000, v1;
	[tilespmem:s25+$0x50] =	vst v4;
	v4 =	vld [tilespmem:s0+$0x0]  }
0x14f: {  	[tilespmem:s25+$0xFFFFFF20] =	vst v0;
	v5 =	vld [tilespmem:s0+$0xFFFFFFB0]  }
0x150: {  	[tilespmem:s25+$0xFFFFFF60] =	vst v1;
	v0 =	vshll.u32 v3, $0x10;
	v1 =	vand.u32 $0xFFFF0000, v3  }
.Ltmp4:
0x151: {  	v2 =	vld [tilespmem:s0+$0xFFFFFF40];
	[tilespmem:s25+$0xFFFFFFA0] =	vst v0;
	(pc) =	sbr.rel @p1 .LBB2_11-.Ltmp4, $4  }
0x152: {  	[tilespmem:s25+$0xFFFFFFE0] =	vst v1  }
0x153: {  	v1 =	vld [tilespmem:s0+$0xFFFFFF80];
	v0 =	vshll.u32 v4, $0x10;
	v4 =	vand.u32 $0xFFFF0000, v4;
	[tilespmem:s28+$0x70] =	vst v7;
	s28 =	smov.u32 s25  }
0x154: {  	v6 =	vshll.u32 v5, $0x10;
	v3 =	vand.u32 $0xFFFF0000, v5;
	[tilespmem:s25+$0xF0] =	vst v4  }
0x155: {  	s0 =	sadd.s32 $0x100, s0;
	[tilespmem:s25+$0x20] =	vst v6  }
0x156: {  	[tilespmem:s25+$0x60] =	vst v3  }
0x157: {  	v4 =	vld [tilespmem:s26+$0xFFFFFFC0]  }
0x158: {  	v58 =	vshll.u32 v2, $0x10;
	[tilespmem:s28+$0xB0] =	vst v0  }
0x159: {  	v59 =	vand.u32 $0xFFFF0000, v2;
	[tilespmem:s25+$0xFFFFFF30] =	vst v58  }
0x15a: {  	[tilespmem:s25+$0xFFFFFF70] =	vst v59;
	v60 =	vshll.u32 v1, $0x10  }
0x15b: {  	v61 =	vand.u32 $0xFFFF0000, v1;
	[tilespmem:s25+$0xFFFFFFB0] =	vst v60  }
0x15c: {  	[tilespmem:s25+$0xFFFFFFF0] =	vst v61;
	v62 =	vshll.u32 v4, $0x10  }
0x15d: {  	v63 =	vand.u32 $0xFFFF0000, v4;
	[tilespmem:s28+$0x30] =	vst v62  }
.Ltmp5:
0x15e: {  	[tilespmem:s28+$0x70] =	vst v63;
	(pc) =	sbr.rel @p0 .LBB2_2-.Ltmp5, $4  }
0x15f: {  	[spmem:s3] =	stream.indirect.scatter.add.f32 [tilespmem:s21], [sflag:$0x3], $0x80, s24, s16, $0xb8;
	[tilespmem:$0x1E400] =	vst v63  }
0x160: {  	_ =	swait.ge [sflag:s13], $0x4000  }
0x161: {  	[sflag:s13] =	ssyncset.done $0x0  }
0x162: {  	s0 =	simm.s32 $0x28;
	p1 =	por $0x0, $0x0;
	[sflag:s13] =	ssyncadd.s32 $0xFFFFC000  }
0x163: {  	s4 =	sadd.s32 $0x1, s4  }
0x164: {  	p0 =	sne.s32 s4, s11  }
.Ltmp6:
0x165: {  	[bflag:$0x0] =	sbarrier.arrive $0xFFFF;
	(pc) =	sbr.rel @p0 .LBB2_1-.Ltmp6, $4  }
0x166: {  	[hbm:s10], [sflag:s9] =	dma.local [spmem:s12], $0x2780  }
0x167: {  	_ =	swait.ge [sflag:s13], $0x2780  }
0x168: {  	[sflag:s13] =	ssyncset.done $0x0  }
0x169: {  	[sflag:s13] =	ssyncadd.s32 $0xFFFFD880  }
0x16a: {  	_ =	sfence.sel $0x180000  }
0x16b: {  	[bflag:$0x0] =	sbarrier.arrive $0xFFFF  }
0x16c: {  	_ =	strace $0x90000047  }
0x16d: {  	[bflag:$0x2] =	sbarrier.arrive $0xFFFF  }
0x16e: {  	p0 =	sne.s32 s1, $0x0;
	s0 =	rddreg [dreg:$0x3]  }
0x16f: {  	s0 =	sadd.s32 @!p0 $0x100000, s0  }
0x170: {  	[sflag:s0] =	ssyncadd.tile.s32 @!p0 $0x1;
	_ =	shalt  }
.Lfunc_end2:
_tile_overlayer_lowered:
.L_overlay_start_2:
0x171: {  	(tag) =	ssettag $0x2  }
0x172: {  	s0 =	rddreg [dreg:$0x0];
	s2 =	stileid.u32  }
0x173: {  	s1 =	rddreg [dreg:$0x1];
	p0 =	sne.s32 s2, $0x0  }
0x174: {  	s3 =	rddreg [dreg:$0x2];
	[bflag:$0x3] =	sbarrier.arrive $0xFFFF;
	s2 =	simm.s32 @!p0 $0x1C03  }
0x175: {  	[timem:s3], [sflag:s2] =	dma.local @!p0 [hbm:s0], s1  }
0x176: {  	s0 =	simm.s32 @!p0 $0x3  }
0x177: {  	_ =	swait.ge @!p0 [sflag:s0], s1  }
0x178: {  	s1 =	ssub.s32 @!p0 $0x0, s1;
	[sflag:s0] =	ssyncset.done @!p0 $0x0  }
0x179: {  	[sflag:s0] =	ssyncadd.s32 @!p0 s1  }
0x17a: {  	[bflag:$0x3] =	sbarrier.arrive $0xFFFF  }
0x17b: {  	_ =	shalt  }

</sc_bundles>
